<compile_context>
chip_gen: v7x
topology: tpu7x:2x2x1
jax: 0.10.2.dev20260603
libtpu: 0.0.44.dev20260713+nightly
codegen_flags: <defaults>
</compile_context>

<pallas_src>
import functools

import jax
import jax.numpy as jnp
from jax import lax
from jax.experimental import pallas as pl
from jax.experimental.pallas import tpu as pltpu
from jax.experimental.pallas import tpu_sc as plsc

_THRESH = 0.7
_MIN_KEPT = 10000
_ALPHA = 0.25

_NC = 2
_NS = 16
_NW = _NC * _NS
_LANES = 16
_HW = 512 * 512
_TOTAL = 4 * _HW
_SC_ROWS = 128
_TC_BLOCK_ROWS = 128
_TC_ROW0 = _SC_ROWS
_TC_BLOCKS = (512 - _TC_ROW0) // _TC_BLOCK_ROWS

_LOGIT_T = 0.8472978603872034


def _focal_and_kept(x, is_one):
    ns = jnp.where(is_one, -x, x)
    s = -ns
    kept = s <= _LOGIT_T
    u = jnp.exp(-jnp.abs(x))
    y = u / (2.0 + u)
    y2 = y * y
    log1pu = y * (2.0 + y2 * (2.0 / 3 + y2 * (2.0 / 5 + y2 * (
        2.0 / 7 + y2 * (2.0 / 9)))))
    bce = log1pu + jnp.maximum(ns, 0.0)
    inv = 1.0 / (1.0 + u)
    om = jnp.where(s >= 0.0, u * inv, inv)
    fl = (_ALPHA * bce) * (om * om)
    return fl, kept


_SC_WROWS = _SC_ROWS // 8


@functools.partial(
    pl.kernel,
    out_type=jax.ShapeDtypeStruct((_NW, 2, _LANES), jnp.float32),
    mesh=plsc.VectorSubcoreMesh(core_axis_name="c", subcore_axis_name="s",
                                num_cores=_NC),
    compiler_params=pltpu.CompilerParams(use_tc_tiling_on_sc=True),
    scratch_types=[
        pltpu.VMEM((_SC_WROWS, 512), jnp.float32),
        pltpu.VMEM((_SC_WROWS, 512), jnp.int32),
        pltpu.VMEM((2, _LANES), jnp.float32),
    ],
)
def _sc_partial_sums(x_hbm, t_hbm, out_hbm, x_v, t_v, acc_v):
    wid = lax.axis_index("s") * _NC + lax.axis_index("c")
    b = wid // 8
    r0 = (wid - b * 8) * _SC_WROWS
    pltpu.sync_copy(x_hbm.at[b, 0, pl.ds(r0, _SC_WROWS), :], x_v)
    pltpu.sync_copy(t_hbm.at[b, 0, pl.ds(r0, _SC_WROWS), :], t_v)

    def body(r, carry):
        acc_fl, acc_cnt = carry
        for k in range(512 // _LANES):
            off = k * _LANES
            x = x_v[r, pl.ds(off, _LANES)]
            t = t_v[r, pl.ds(off, _LANES)]
            fl, kept = _focal_and_kept(x, t == 1)
            acc_fl = acc_fl + jnp.where(kept, fl, 0.0)
            acc_cnt = acc_cnt + jnp.where(kept, 1.0, 0.0)
        return acc_fl, acc_cnt

    zero = jnp.zeros((_LANES,), jnp.float32)
    acc_fl, acc_cnt = lax.fori_loop(0, _SC_WROWS, body, (zero, zero))
    acc_v[0, :] = acc_fl
    acc_v[1, :] = acc_cnt
    pltpu.sync_copy(acc_v, out_hbm.at[wid])


def _tc_body(x_ref, t_ref, s1_ref, s2_ref):
    i = pl.program_id(0) * pl.num_programs(1) + pl.program_id(1)
    x = x_ref[0, 0, :, :]
    t = t_ref[0, 0, :, :]
    fl, kept = _focal_and_kept(x, t == 1)
    m = kept.astype(jnp.float32)
    ps1 = jnp.sum(fl * m)
    ps2 = jnp.sum(m)

    @pl.when(i == 0)
    def _():
        s1_ref[0, 0] = ps1
        s2_ref[0, 0] = ps2

    @pl.when(i > 0)
    def _():
        s1_ref[0, 0] += ps1
        s2_ref[0, 0] += ps2


def _tc_partial_sums(inp, tgt32, row0, nblocks):
    blk0 = row0 // _TC_BLOCK_ROWS
    idx = lambda b, r: (b, 0, blk0 + r, 0)
    spec = pl.BlockSpec((1, 1, _TC_BLOCK_ROWS, 512), idx)
    return pl.pallas_call(
        _tc_body,
        grid=(4, nblocks),
        in_specs=[spec, spec],
        out_specs=[
            pl.BlockSpec(memory_space=pltpu.SMEM),
            pl.BlockSpec(memory_space=pltpu.SMEM),
        ],
        out_shape=[
            jax.ShapeDtypeStruct((1, 1), jnp.float32),
            jax.ShapeDtypeStruct((1, 1), jnp.float32),
        ],
    )(inp, tgt32)


def _aug_loss(inp, tgt, s1, s2):
    del s1, s2
    x = inp[:, 0, :, :].reshape(-1)
    t = tgt[:, 0, :, :].astype(jnp.float32).reshape(-1)
    probs = jax.nn.sigmoid(x)
    kept = jnp.where(t == 1.0, probs <= _THRESH,
                     jnp.where(t == 0.0, probs >= 1.0 - _THRESH, False))
    hardest = jnp.argsort(jnp.abs(probs - 0.5))[:_MIN_KEPT]
    kept = kept.at[hardest].set(True)
    bce = jnp.maximum(x, 0.0) - x * t + jnp.log1p(jnp.exp(-jnp.abs(x)))
    pt = jnp.exp(-bce)
    fl = _ALPHA * (1.0 - pt) ** 2.0 * bce
    m = kept.astype(jnp.float32)
    return jnp.sum(fl * m) / jnp.sum(m)


def kernel(input, target):
    n_terms = jnp.float32(input.shape[1] - 1)
    tgt32 = target.astype(jnp.int32)
    tc_s1, tc_s2 = _tc_partial_sums(input, tgt32, _TC_ROW0, _TC_BLOCKS)
    parts = _sc_partial_sums(input, tgt32)
    ps = jnp.sum(parts, axis=(0, 2))
    s1 = ps[0] + tc_s1[0, 0]
    s2 = ps[1] + tc_s2[0, 0]
    loss = lax.cond(s2 < _MIN_KEPT, _aug_loss,
                    lambda inp, tgt, a, b: a / b,
                    input, target, s1, s2)
    return n_terms * loss

# --- scband reference (transcript-rebuilt; emitter-appended) ---
"""Pipeline reference for scband-hybrid-ohemflloss-19146964206145 (READ-ONLY COPY).

The authoritative reference and input builder live on the scoring server;
editing this copy changes nothing except your own understanding.
"""

import jax, jax.numpy as jnp
import numpy as np

THRESH = 0.7
MIN_KEPT = 10000
ALPHA = 0.25
GAMMA = 2.0


def _bce_with_logits(x, t):
    # numerically stable binary_cross_entropy_with_logits, reduction='none'
    return jnp.maximum(x, 0.0) - x * t + jnp.log1p(jnp.exp(-jnp.abs(x)))


def _focal_loss_mean(x, t, mask_f):
    bce = _bce_with_logits(x, t)
    pt = jnp.exp(-bce)
    fl = ALPHA * (1.0 - pt) ** GAMMA * bce
    fl = fl * 1.0  # class_weights = 1.0
    # mean over kept elements == sum(fl*mask)/sum(mask)
    return jnp.sum(fl * mask_f) / jnp.sum(mask_f)


def _kept_flag(probs, ygt):
    kept = jnp.zeros(probs.shape, dtype=bool)
    kept = jnp.where(ygt == 1.0, probs <= THRESH, kept)
    kept = jnp.where(ygt == 0.0, probs >= 1.0 - THRESH, kept)
    hardest = jnp.argsort(jnp.abs(probs - 0.5).reshape(-1))[:MIN_KEPT]
    kept_aug = kept.reshape(-1).at[hardest].set(True).reshape(probs.shape)
    kept = jnp.where(jnp.sum(kept) < MIN_KEPT, kept_aug, kept)
    return kept


def setup_inputs(seed: int = 0) -> dict:
    key = jax.random.key(seed)
    k1, k2 = jax.random.split(key)
    inp = jax.random.normal(k1, (4, 8, 512, 512), dtype=jnp.float32)
    tgt = jax.random.randint(k2, (4, 8, 512, 512), 0, 2, dtype=jnp.int64)
    return {"input": inp, "target": tgt}


def reference(input, target):
    losses = jnp.float32(0.0)
    C = input.shape[1]
    for i in range(1, C):
        # class_wise_input = input[:, [0, i]]; only channel 0 is ever used downstream
        logits0 = input[:, 0, :, :]
        ygt = target[:, 0, :, :].astype(jnp.float32)
        probs = jax.nn.sigmoid(logits0).astype(jnp.float32)
        kept = _kept_flag(probs, ygt)
        mask_f = kept.astype(jnp.float32)
        losses = losses + _focal_loss_mean(logits0, ygt, mask_f)
    return losses

if __name__ == "__main__":
    import jax
    _d = setup_inputs()
    print(jax.jit(kernel)(*tuple(_d.values())))

</pallas_src>

<mosaic_0001>
#map = affine_map<(d0, d1) -> (0, 0, 0, 0)>
#map1 = affine_map<(d0, d1) -> (0, 0, 0)>
module attributes {stable_mosaic.version = 14 : i64} {
  func.func @_sc_partial_sums(%arg0: i32, %arg1: i32, %arg2: memref<4x8x512x512xf32, #tpu.memory_space<hbm>>, %arg3: memref<4x8x512x512xi32, #tpu.memory_space<hbm>>, %arg4: memref<32x2x16xf32, #tpu.memory_space<hbm>>, %arg5: memref<16x512xf32, #tpu.memory_space<vmem>>, %arg6: memref<16x512xi32, #tpu.memory_space<vmem>>, %arg7: memref<2x16xf32, #tpu.memory_space<vmem>>) attributes {dimension_semantics = [#tpu.dimension_semantics<core_parallel>, #tpu.dimension_semantics<subcore_parallel>], iteration_bounds = array<i64: 2, 16>, scalar_prefetch = 0 : i64, scratch_operands = 3 : i64, tpu.core_type = #tpu.core_type<sc_vector_subcore>, window_params = [{transform_indices = #map}, {transform_indices = #map}, {transform_indices = #map1}]} {
    %mul3A = arith.constant 2 : i32
    %mul3A_0 = arith.muli %arg1, %mul3A : i32
    %add3A = arith.addi %mul3A_0, %arg0 : i32
    %jit3A = arith.constant 8 : i32
    %div3A = arith.divsi %add3A, %jit3A : i32
    %sign3A = arith.constant 0 : i32
    %sign3A_1 = arith.cmpi sgt, %add3A, %sign3A : i32
    %sign3A_2 = arith.extui %sign3A_1 : i1 to i32
    %sign3A_3 = arith.constant 0 : i32
    %sign3A_4 = arith.cmpi slt, %add3A, %sign3A_3 : i32
    %sign3A_5 = arith.extui %sign3A_4 : i1 to i32
    %sign3A_6 = arith.subi %sign3A_2, %sign3A_5 : i32
    %sign3A_7 = arith.constant 0 : i32
    %sign3A_8 = arith.cmpi sgt, %jit3A, %sign3A_7 : i32
    %sign3A_9 = arith.extui %sign3A_8 : i1 to i32
    %sign3A_10 = arith.constant 0 : i32
    %sign3A_11 = arith.cmpi slt, %jit3A, %sign3A_10 : i32
    %sign3A_12 = arith.extui %sign3A_11 : i1 to i32
    %sign3A_13 = arith.subi %sign3A_9, %sign3A_12 : i32
    %ne3A = arith.cmpi ne, %sign3A_6, %sign3A_13 : i32
    %rem3A = arith.remsi %add3A, %jit3A : i32
    %ne3A_14 = arith.constant 0 : i32
    %ne3A_15 = arith.cmpi ne, %rem3A, %ne3A_14 : i32
    %and3A = arith.andi %ne3A, %ne3A_15 : i1
    %sub3A = arith.constant 1 : i32
    %sub3A_16 = arith.subi %div3A, %sub3A : i32
    %select_n3A = arith.select %and3A, %sub3A_16, %div3A : i32
    %mul3A_17 = arith.constant 8 : i32
    %mul3A_18 = arith.muli %select_n3A, %mul3A_17 : i32
    %sub3A_19 = arith.subi %add3A, %mul3A_18 : i32
    %mul3A_20 = arith.constant 16 : i32
    %mul3A_21 = arith.muli %sub3A_19, %mul3A_20 : i32
    %run_scoped3A = arith.constant 0 : i32
    "tpu.region"() ({
      %run_scoped3A_40 = tpu.sem_alloc : memref<!tpu.dma_semaphore, #tpu.memory_space<semaphore_mem>>
      %dma_start3A = arith.constant 0 : i32
      %dma_start3A_41 = tpu.memref_slice %arg2[%select_n3A, %run_scoped3A, %mul3A_21, %dma_start3A] : memref<4x8x512x512xf32, #tpu.memory_space<hbm>> -> memref<1x1x16x512xf32, #tpu.memory_space<hbm>>
      %dma_start3A_42 = tpu.memref_squeeze %dma_start3A_41 : memref<1x1x16x512xf32, #tpu.memory_space<hbm>> -> memref<16x512xf32, #tpu.memory_space<hbm>>
      %dma_start3A_43 = arith.constant 0 : i32
      %dma_start3A_44 = tpu.memref_slice %arg2[%select_n3A, %run_scoped3A, %mul3A_21, %dma_start3A_43] : memref<4x8x512x512xf32, #tpu.memory_space<hbm>> -> memref<1x1x16x512xf32, #tpu.memory_space<hbm>>
      %dma_start3A_45 = tpu.memref_squeeze %dma_start3A_44 : memref<1x1x16x512xf32, #tpu.memory_space<hbm>> -> memref<16x512xf32, #tpu.memory_space<hbm>>
      tpu.enqueue_dma source(%dma_start3A_45 : memref<16x512xf32, #tpu.memory_space<hbm>>) target(%arg5 : memref<16x512xf32, #tpu.memory_space<vmem>>) target_semaphore(%run_scoped3A_40 : memref<!tpu.dma_semaphore, #tpu.memory_space<semaphore_mem>>)
      %dma_wait3A = arith.constant 0 : i32
      %dma_wait3A_46 = tpu.memref_slice %arg2[%select_n3A, %run_scoped3A, %mul3A_21, %dma_wait3A] : memref<4x8x512x512xf32, #tpu.memory_space<hbm>> -> memref<1x1x16x512xf32, #tpu.memory_space<hbm>>
      %dma_wait3A_47 = tpu.memref_squeeze %dma_wait3A_46 : memref<1x1x16x512xf32, #tpu.memory_space<hbm>> -> memref<16x512xf32, #tpu.memory_space<hbm>>
      %dma_wait3A_48 = arith.constant 0 : i32
      %dma_wait3A_49 = tpu.memref_slice %arg2[%select_n3A, %run_scoped3A, %mul3A_21, %dma_wait3A_48] : memref<4x8x512x512xf32, #tpu.memory_space<hbm>> -> memref<1x1x16x512xf32, #tpu.memory_space<hbm>>
      %dma_wait3A_50 = tpu.memref_squeeze %dma_wait3A_49 : memref<1x1x16x512xf32, #tpu.memory_space<hbm>> -> memref<16x512xf32, #tpu.memory_space<hbm>>
      tpu.wait_dma2 semaphore(%run_scoped3A_40 : memref<!tpu.dma_semaphore, #tpu.memory_space<semaphore_mem>>) src(%dma_wait3A_50 : memref<16x512xf32, #tpu.memory_space<hbm>>) dst(%arg5 : memref<16x512xf32, #tpu.memory_space<vmem>>)
      tpu.yield
    }) : () -> ()
    %run_scoped3A_22 = arith.constant 0 : i32
    "tpu.region"() ({
      %run_scoped3A_40 = tpu.sem_alloc : memref<!tpu.dma_semaphore, #tpu.memory_space<semaphore_mem>>
      %dma_start3A = arith.constant 0 : i32
      %dma_start3A_41 = tpu.memref_slice %arg3[%select_n3A, %run_scoped3A_22, %mul3A_21, %dma_start3A] : memref<4x8x512x512xi32, #tpu.memory_space<hbm>> -> memref<1x1x16x512xi32, #tpu.memory_space<hbm>>
      %dma_start3A_42 = tpu.memref_squeeze %dma_start3A_41 : memref<1x1x16x512xi32, #tpu.memory_space<hbm>> -> memref<16x512xi32, #tpu.memory_space<hbm>>
      %dma_start3A_43 = arith.constant 0 : i32
      %dma_start3A_44 = tpu.memref_slice %arg3[%select_n3A, %run_scoped3A_22, %mul3A_21, %dma_start3A_43] : memref<4x8x512x512xi32, #tpu.memory_space<hbm>> -> memref<1x1x16x512xi32, #tpu.memory_space<hbm>>
      %dma_start3A_45 = tpu.memref_squeeze %dma_start3A_44 : memref<1x1x16x512xi32, #tpu.memory_space<hbm>> -> memref<16x512xi32, #tpu.memory_space<hbm>>
      tpu.enqueue_dma source(%dma_start3A_45 : memref<16x512xi32, #tpu.memory_space<hbm>>) target(%arg6 : memref<16x512xi32, #tpu.memory_space<vmem>>) target_semaphore(%run_scoped3A_40 : memref<!tpu.dma_semaphore, #tpu.memory_space<semaphore_mem>>)
      %dma_wait3A = arith.constant 0 : i32
      %dma_wait3A_46 = tpu.memref_slice %arg3[%select_n3A, %run_scoped3A_22, %mul3A_21, %dma_wait3A] : memref<4x8x512x512xi32, #tpu.memory_space<hbm>> -> memref<1x1x16x512xi32, #tpu.memory_space<hbm>>
      %dma_wait3A_47 = tpu.memref_squeeze %dma_wait3A_46 : memref<1x1x16x512xi32, #tpu.memory_space<hbm>> -> memref<16x512xi32, #tpu.memory_space<hbm>>
      %dma_wait3A_48 = arith.constant 0 : i32
      %dma_wait3A_49 = tpu.memref_slice %arg3[%select_n3A, %run_scoped3A_22, %mul3A_21, %dma_wait3A_48] : memref<4x8x512x512xi32, #tpu.memory_space<hbm>> -> memref<1x1x16x512xi32, #tpu.memory_space<hbm>>
      %dma_wait3A_50 = tpu.memref_squeeze %dma_wait3A_49 : memref<1x1x16x512xi32, #tpu.memory_space<hbm>> -> memref<16x512xi32, #tpu.memory_space<hbm>>
      tpu.wait_dma2 semaphore(%run_scoped3A_40 : memref<!tpu.dma_semaphore, #tpu.memory_space<semaphore_mem>>) src(%dma_wait3A_50 : memref<16x512xi32, #tpu.memory_space<hbm>>) dst(%arg6 : memref<16x512xi32, #tpu.memory_space<vmem>>)
      tpu.yield
    }) : () -> ()
    %broadcast_in_dim3A = arith.constant 0.000000e+00 : f32
    %broadcast_in_dim3A_23 = vector.broadcast %broadcast_in_dim3A : f32 to vector<16xf32>
    %scan3A = arith.constant 0 : i32
    %scan3A_24 = arith.constant 16 : i32
    %scan3A_25 = arith.addi %scan3A, %scan3A_24 : i32
    %scan3A_26 = arith.constant 1 : i32
    %scan3A_27:2 = scf.for %scan3A_40 = %scan3A to %scan3A_25 step %scan3A_26 iter_args(%scan3A_41 = %broadcast_in_dim3A_23, %scan3A_42 = %broadcast_in_dim3A_23) -> (vector<16xf32>, vector<16xf32>)  : i32 {
      %get3A = arith.index_cast %scan3A_40 : i32 to index
      %get3A_43 = arith.constant 0 : index
      %get3A_44 = tpu.vector_load %arg5[%get3A, %get3A_43] {strides = array<i32>} : memref<16x512xf32, #tpu.memory_space<vmem>>, vector<1x16xf32>,
      %get3A_45 = vector.shape_cast %get3A_44 : vector<1x16xf32> to vector<16xf32>
      %get3A_46 = arith.index_cast %scan3A_40 : i32 to index
      %get3A_47 = arith.constant 0 : index
      %get3A_48 = tpu.vector_load %arg6[%get3A_46, %get3A_47] {strides = array<i32>} : memref<16x512xi32, #tpu.memory_space<vmem>>, vector<1x16xi32>,
      %get3A_49 = vector.shape_cast %get3A_48 : vector<1x16xi32> to vector<16xi32>
      %eq3A = arith.constant 1 : i32
      %eq3A_50 = vector.broadcast %eq3A : i32 to vector<16xi32>
      %eq3A_51 = arith.cmpi eq, %get3A_49, %eq3A_50 : vector<16xi32>
      %neg3A = arith.constant 0.000000e+00 : f32
      %neg3A_52 = vector.broadcast %neg3A : f32 to vector<16xf32>
      %neg3A_53 = arith.subf %neg3A_52, %get3A_45 : vector<16xf32>
      %select_n3A_54 = arith.select %eq3A_51, %neg3A_53, %get3A_45 : vector<16xi1>, vector<16xf32>
      %neg3A_55 = arith.constant 0.000000e+00 : f32
      %neg3A_56 = vector.broadcast %neg3A_55 : f32 to vector<16xf32>
      %neg3A_57 = arith.subf %neg3A_56, %select_n3A_54 : vector<16xf32>
      %le3A = arith.constant 0.847297847 : f32
      %le3A_58 = vector.broadcast %le3A : f32 to vector<16xf32>
      %le3A_59 = arith.cmpf ole, %neg3A_57, %le3A_58 : vector<16xf32>
      %abs3A = math.absf %get3A_45 : vector<16xf32>
      %neg3A_60 = arith.constant 0.000000e+00 : f32
      %neg3A_61 = vector.broadcast %neg3A_60 : f32 to vector<16xf32>
      %neg3A_62 = arith.subf %neg3A_61, %abs3A : vector<16xf32>
      %exp3A = math.exp %neg3A_62 : vector<16xf32>
      %add3A_63 = arith.constant 2.000000e+00 : f32
      %add3A_64 = vector.broadcast %add3A_63 : f32 to vector<16xf32>
      %add3A_65 = arith.addf %add3A_64, %exp3A : vector<16xf32>
      %div3A_66 = arith.divf %exp3A, %add3A_65 : vector<16xf32>
      %mul3A_67 = arith.mulf %div3A_66, %div3A_66 : vector<16xf32>
      %mul3A_68 = arith.constant 0.222222224 : f32
      %mul3A_69 = vector.broadcast %mul3A_68 : f32 to vector<16xf32>
      %mul3A_70 = arith.mulf %mul3A_67, %mul3A_69 : vector<16xf32>
      %add3A_71 = arith.constant 0.285714298 : f32
      %add3A_72 = vector.broadcast %add3A_71 : f32 to vector<16xf32>
      %add3A_73 = arith.addf %add3A_72, %mul3A_70 : vector<16xf32>
      %mul3A_74 = arith.mulf %mul3A_67, %add3A_73 : vector<16xf32>
      %add3A_75 = arith.constant 4.000000e-01 : f32
      %add3A_76 = vector.broadcast %add3A_75 : f32 to vector<16xf32>
      %add3A_77 = arith.addf %add3A_76, %mul3A_74 : vector<16xf32>
      %mul3A_78 = arith.mulf %mul3A_67, %add3A_77 : vector<16xf32>
      %add3A_79 = arith.constant 0.666666686 : f32
      %add3A_80 = vector.broadcast %add3A_79 : f32 to vector<16xf32>
      %add3A_81 = arith.addf %add3A_80, %mul3A_78 : vector<16xf32>
      %mul3A_82 = arith.mulf %mul3A_67, %add3A_81 : vector<16xf32>
      %add3A_83 = arith.constant 2.000000e+00 : f32
      %add3A_84 = vector.broadcast %add3A_83 : f32 to vector<16xf32>
      %add3A_85 = arith.addf %add3A_84, %mul3A_82 : vector<16xf32>
      %mul3A_86 = arith.mulf %div3A_66, %add3A_85 : vector<16xf32>
      %max3A = arith.constant 0.000000e+00 : f32
      %max3A_87 = vector.broadcast %max3A : f32 to vector<16xf32>
      %max3A_88 = arith.maximumf %select_n3A_54, %max3A_87 : vector<16xf32>
      %add3A_89 = arith.addf %mul3A_86, %max3A_88 : vector<16xf32>
      %add3A_90 = arith.constant 1.000000e+00 : f32
      %add3A_91 = vector.broadcast %add3A_90 : f32 to vector<16xf32>
      %add3A_92 = arith.addf %add3A_91, %exp3A : vector<16xf32>
      %div3A_93 = arith.constant 1.000000e+00 : f32
      %div3A_94 = vector.broadcast %div3A_93 : f32 to vector<16xf32>
      %div3A_95 = arith.divf %div3A_94, %add3A_92 : vector<16xf32>
      %ge3A = arith.constant 0.000000e+00 : f32
      %ge3A_96 = vector.broadcast %ge3A : f32 to vector<16xf32>
      %ge3A_97 = arith.cmpf oge, %neg3A_57, %ge3A_96 : vector<16xf32>
      %mul3A_98 = arith.mulf %exp3A, %div3A_95 : vector<16xf32>
      %select_n3A_99 = arith.select %ge3A_97, %mul3A_98, %div3A_95 : vector<16xi1>, vector<16xf32>
      %mul3A_100 = arith.constant 2.500000e-01 : f32
      %mul3A_101 = vector.broadcast %mul3A_100 : f32 to vector<16xf32>
      %mul3A_102 = arith.mulf %mul3A_101, %add3A_89 : vector<16xf32>
      %mul3A_103 = arith.mulf %select_n3A_99, %select_n3A_99 : vector<16xf32>
      %mul3A_104 = arith.mulf %mul3A_102, %mul3A_103 : vector<16xf32>
      %jit3A_105 = arith.constant 0.000000e+00 : f32
      %broadcast_in_dim3A_106 = vector.broadcast %jit3A_105 : f32 to vector<16xf32>
      %select_n3A_107 = arith.select %le3A_59, %mul3A_104, %broadcast_in_dim3A_106 : vector<16xi1>, vector<16xf32>
      %add3A_108 = arith.addf %scan3A_41, %select_n3A_107 : vector<16xf32>
      %jit3A_109 = arith.constant 1.000000e+00 : f32
      %jit3A_110 = arith.constant 0.000000e+00 : f32
      %broadcast_in_dim3A_111 = vector.broadcast %jit3A_109 : f32 to vector<16xf32>
      %broadcast_in_dim3A_112 = vector.broadcast %jit3A_110 : f32 to vector<16xf32>
      %select_n3A_113 = arith.select %le3A_59, %broadcast_in_dim3A_111, %broadcast_in_dim3A_112 : vector<16xi1>, vector<16xf32>
      %add3A_114 = arith.addf %scan3A_42, %select_n3A_113 : vector<16xf32>
      %get3A_115 = arith.index_cast %scan3A_40 : i32 to index
      %get3A_116 = arith.constant 16 : index
      %get3A_117 = tpu.vector_load %arg5[%get3A_115, %get3A_116] {strides = array<i32>} : memref<16x512xf32, #tpu.memory_space<vmem>>, vector<1x16xf32>,
      %get3A_118 = vector.shape_cast %get3A_117 : vector<1x16xf32> to vector<16xf32>
      %get3A_119 = arith.index_cast %scan3A_40 : i32 to index
      %get3A_120 = arith.constant 16 : index
      %get3A_121 = tpu.vector_load %arg6[%get3A_119, %get3A_120] {strides = array<i32>} : memref<16x512xi32, #tpu.memory_space<vmem>>, vector<1x16xi32>,
      %get3A_122 = vector.shape_cast %get3A_121 : vector<1x16xi32> to vector<16xi32>
      %eq3A_123 = arith.constant 1 : i32
      %eq3A_124 = vector.broadcast %eq3A_123 : i32 to vector<16xi32>
      %eq3A_125 = arith.cmpi eq, %get3A_122, %eq3A_124 : vector<16xi32>
      %neg3A_126 = arith.constant 0.000000e+00 : f32
      %neg3A_127 = vector.broadcast %neg3A_126 : f32 to vector<16xf32>
      %neg3A_128 = arith.subf %neg3A_127, %get3A_118 : vector<16xf32>
      %select_n3A_129 = arith.select %eq3A_125, %neg3A_128, %get3A_118 : vector<16xi1>, vector<16xf32>
      %neg3A_130 = arith.constant 0.000000e+00 : f32
      %neg3A_131 = vector.broadcast %neg3A_130 : f32 to vector<16xf32>
      %neg3A_132 = arith.subf %neg3A_131, %select_n3A_129 : vector<16xf32>
      %le3A_133 = arith.constant 0.847297847 : f32
      %le3A_134 = vector.broadcast %le3A_133 : f32 to vector<16xf32>
      %le3A_135 = arith.cmpf ole, %neg3A_132, %le3A_134 : vector<16xf32>
      %abs3A_136 = math.absf %get3A_118 : vector<16xf32>
      %neg3A_137 = arith.constant 0.000000e+00 : f32
      %neg3A_138 = vector.broadcast %neg3A_137 : f32 to vector<16xf32>
      %neg3A_139 = arith.subf %neg3A_138, %abs3A_136 : vector<16xf32>
      %exp3A_140 = math.exp %neg3A_139 : vector<16xf32>
      %add3A_141 = arith.constant 2.000000e+00 : f32
      %add3A_142 = vector.broadcast %add3A_141 : f32 to vector<16xf32>
      %add3A_143 = arith.addf %add3A_142, %exp3A_140 : vector<16xf32>
      %div3A_144 = arith.divf %exp3A_140, %add3A_143 : vector<16xf32>
      %mul3A_145 = arith.mulf %div3A_144, %div3A_144 : vector<16xf32>
      %mul3A_146 = arith.constant 0.222222224 : f32
      %mul3A_147 = vector.broadcast %mul3A_146 : f32 to vector<16xf32>
      %mul3A_148 = arith.mulf %mul3A_145, %mul3A_147 : vector<16xf32>
      %add3A_149 = arith.constant 0.285714298 : f32
      %add3A_150 = vector.broadcast %add3A_149 : f32 to vector<16xf32>
      %add3A_151 = arith.addf %add3A_150, %mul3A_148 : vector<16xf32>
      %mul3A_152 = arith.mulf %mul3A_145, %add3A_151 : vector<16xf32>
      %add3A_153 = arith.constant 4.000000e-01 : f32
      %add3A_154 = vector.broadcast %add3A_153 : f32 to vector<16xf32>
      %add3A_155 = arith.addf %add3A_154, %mul3A_152 : vector<16xf32>
      %mul3A_156 = arith.mulf %mul3A_145, %add3A_155 : vector<16xf32>
      %add3A_157 = arith.constant 0.666666686 : f32
      %add3A_158 = vector.broadcast %add3A_157 : f32 to vector<16xf32>
      %add3A_159 = arith.addf %add3A_158, %mul3A_156 : vector<16xf32>
      %mul3A_160 = arith.mulf %mul3A_145, %add3A_159 : vector<16xf32>
      %add3A_161 = arith.constant 2.000000e+00 : f32
      %add3A_162 = vector.broadcast %add3A_161 : f32 to vector<16xf32>
      %add3A_163 = arith.addf %add3A_162, %mul3A_160 : vector<16xf32>
      %mul3A_164 = arith.mulf %div3A_144, %add3A_163 : vector<16xf32>
      %max3A_165 = arith.constant 0.000000e+00 : f32
      %max3A_166 = vector.broadcast %max3A_165 : f32 to vector<16xf32>
      %max3A_167 = arith.maximumf %select_n3A_129, %max3A_166 : vector<16xf32>
      %add3A_168 = arith.addf %mul3A_164, %max3A_167 : vector<16xf32>
      %add3A_169 = arith.constant 1.000000e+00 : f32
      %add3A_170 = vector.broadcast %add3A_169 : f32 to vector<16xf32>
      %add3A_171 = arith.addf %add3A_170, %exp3A_140 : vector<16xf32>
      %div3A_172 = arith.constant 1.000000e+00 : f32
      %div3A_173 = vector.broadcast %div3A_172 : f32 to vector<16xf32>
      %div3A_174 = arith.divf %div3A_173, %add3A_171 : vector<16xf32>
      %ge3A_175 = arith.constant 0.000000e+00 : f32
      %ge3A_176 = vector.broadcast %ge3A_175 : f32 to vector<16xf32>
      %ge3A_177 = arith.cmpf oge, %neg3A_132, %ge3A_176 : vector<16xf32>
      %mul3A_178 = arith.mulf %exp3A_140, %div3A_174 : vector<16xf32>
      %select_n3A_179 = arith.select %ge3A_177, %mul3A_178, %div3A_174 : vector<16xi1>, vector<16xf32>
      %mul3A_180 = arith.constant 2.500000e-01 : f32
      %mul3A_181 = vector.broadcast %mul3A_180 : f32 to vector<16xf32>
      %mul3A_182 = arith.mulf %mul3A_181, %add3A_168 : vector<16xf32>
      %mul3A_183 = arith.mulf %select_n3A_179, %select_n3A_179 : vector<16xf32>
      %mul3A_184 = arith.mulf %mul3A_182, %mul3A_183 : vector<16xf32>
      %jit3A_185 = arith.constant 0.000000e+00 : f32
      %broadcast_in_dim3A_186 = vector.broadcast %jit3A_185 : f32 to vector<16xf32>
      %select_n3A_187 = arith.select %le3A_135, %mul3A_184, %broadcast_in_dim3A_186 : vector<16xi1>, vector<16xf32>
      %add3A_188 = arith.addf %add3A_108, %select_n3A_187 : vector<16xf32>
      %jit3A_189 = arith.constant 1.000000e+00 : f32
      %jit3A_190 = arith.constant 0.000000e+00 : f32
      %broadcast_in_dim3A_191 = vector.broadcast %jit3A_189 : f32 to vector<16xf32>
      %broadcast_in_dim3A_192 = vector.broadcast %jit3A_190 : f32 to vector<16xf32>
      %select_n3A_193 = arith.select %le3A_135, %broadcast_in_dim3A_191, %broadcast_in_dim3A_192 : vector<16xi1>, vector<16xf32>
      %add3A_194 = arith.addf %add3A_114, %select_n3A_193 : vector<16xf32>
      %get3A_195 = arith.index_cast %scan3A_40 : i32 to index
      %get3A_196 = arith.constant 32 : index
      %get3A_197 = tpu.vector_load %arg5[%get3A_195, %get3A_196] {strides = array<i32>} : memref<16x512xf32, #tpu.memory_space<vmem>>, vector<1x16xf32>,
      %get3A_198 = vector.shape_cast %get3A_197 : vector<1x16xf32> to vector<16xf32>
      %get3A_199 = arith.index_cast %scan3A_40 : i32 to index
      %get3A_200 = arith.constant 32 : index
      %get3A_201 = tpu.vector_load %arg6[%get3A_199, %get3A_200] {strides = array<i32>} : memref<16x512xi32, #tpu.memory_space<vmem>>, vector<1x16xi32>,
      %get3A_202 = vector.shape_cast %get3A_201 : vector<1x16xi32> to vector<16xi32>
      %eq3A_203 = arith.constant 1 : i32
      %eq3A_204 = vector.broadcast %eq3A_203 : i32 to vector<16xi32>
      %eq3A_205 = arith.cmpi eq, %get3A_202, %eq3A_204 : vector<16xi32>
      %neg3A_206 = arith.constant 0.000000e+00 : f32
      %neg3A_207 = vector.broadcast %neg3A_206 : f32 to vector<16xf32>
      %neg3A_208 = arith.subf %neg3A_207, %get3A_198 : vector<16xf32>
      %select_n3A_209 = arith.select %eq3A_205, %neg3A_208, %get3A_198 : vector<16xi1>, vector<16xf32>
      %neg3A_210 = arith.constant 0.000000e+00 : f32
      %neg3A_211 = vector.broadcast %neg3A_210 : f32 to vector<16xf32>
      %neg3A_212 = arith.subf %neg3A_211, %select_n3A_209 : vector<16xf32>
      %le3A_213 = arith.constant 0.847297847 : f32
      %le3A_214 = vector.broadcast %le3A_213 : f32 to vector<16xf32>
      %le3A_215 = arith.cmpf ole, %neg3A_212, %le3A_214 : vector<16xf32>
      %abs3A_216 = math.absf %get3A_198 : vector<16xf32>
      %neg3A_217 = arith.constant 0.000000e+00 : f32
      %neg3A_218 = vector.broadcast %neg3A_217 : f32 to vector<16xf32>
      %neg3A_219 = arith.subf %neg3A_218, %abs3A_216 : vector<16xf32>
      %exp3A_220 = math.exp %neg3A_219 : vector<16xf32>
      %add3A_221 = arith.constant 2.000000e+00 : f32
      %add3A_222 = vector.broadcast %add3A_221 : f32 to vector<16xf32>
      %add3A_223 = arith.addf %add3A_222, %exp3A_220 : vector<16xf32>
      %div3A_224 = arith.divf %exp3A_220, %add3A_223 : vector<16xf32>
      %mul3A_225 = arith.mulf %div3A_224, %div3A_224 : vector<16xf32>
      %mul3A_226 = arith.constant 0.222222224 : f32
      %mul3A_227 = vector.broadcast %mul3A_226 : f32 to vector<16xf32>
      %mul3A_228 = arith.mulf %mul3A_225, %mul3A_227 : vector<16xf32>
      %add3A_229 = arith.constant 0.285714298 : f32
      %add3A_230 = vector.broadcast %add3A_229 : f32 to vector<16xf32>
      %add3A_231 = arith.addf %add3A_230, %mul3A_228 : vector<16xf32>
      %mul3A_232 = arith.mulf %mul3A_225, %add3A_231 : vector<16xf32>
      %add3A_233 = arith.constant 4.000000e-01 : f32
      %add3A_234 = vector.broadcast %add3A_233 : f32 to vector<16xf32>
      %add3A_235 = arith.addf %add3A_234, %mul3A_232 : vector<16xf32>
      %mul3A_236 = arith.mulf %mul3A_225, %add3A_235 : vector<16xf32>
      %add3A_237 = arith.constant 0.666666686 : f32
      %add3A_238 = vector.broadcast %add3A_237 : f32 to vector<16xf32>
      %add3A_239 = arith.addf %add3A_238, %mul3A_236 : vector<16xf32>
      %mul3A_240 = arith.mulf %mul3A_225, %add3A_239 : vector<16xf32>
      %add3A_241 = arith.constant 2.000000e+00 : f32
      %add3A_242 = vector.broadcast %add3A_241 : f32 to vector<16xf32>
      %add3A_243 = arith.addf %add3A_242, %mul3A_240 : vector<16xf32>
      %mul3A_244 = arith.mulf %div3A_224, %add3A_243 : vector<16xf32>
      %max3A_245 = arith.constant 0.000000e+00 : f32
      %max3A_246 = vector.broadcast %max3A_245 : f32 to vector<16xf32>
      %max3A_247 = arith.maximumf %select_n3A_209, %max3A_246 : vector<16xf32>
      %add3A_248 = arith.addf %mul3A_244, %max3A_247 : vector<16xf32>
      %add3A_249 = arith.constant 1.000000e+00 : f32
      %add3A_250 = vector.broadcast %add3A_249 : f32 to vector<16xf32>
      %add3A_251 = arith.addf %add3A_250, %exp3A_220 : vector<16xf32>
      %div3A_252 = arith.constant 1.000000e+00 : f32
      %div3A_253 = vector.broadcast %div3A_252 : f32 to vector<16xf32>
      %div3A_254 = arith.divf %div3A_253, %add3A_251 : vector<16xf32>
      %ge3A_255 = arith.constant 0.000000e+00 : f32
      %ge3A_256 = vector.broadcast %ge3A_255 : f32 to vector<16xf32>
      %ge3A_257 = arith.cmpf oge, %neg3A_212, %ge3A_256 : vector<16xf32>
      %mul3A_258 = arith.mulf %exp3A_220, %div3A_254 : vector<16xf32>
      %select_n3A_259 = arith.select %ge3A_257, %mul3A_258, %div3A_254 : vector<16xi1>, vector<16xf32>
      %mul3A_260 = arith.constant 2.500000e-01 : f32
      %mul3A_261 = vector.broadcast %mul3A_260 : f32 to vector<16xf32>
      %mul3A_262 = arith.mulf %mul3A_261, %add3A_248 : vector<16xf32>
      %mul3A_263 = arith.mulf %select_n3A_259, %select_n3A_259 : vector<16xf32>
      %mul3A_264 = arith.mulf %mul3A_262, %mul3A_263 : vector<16xf32>
      %jit3A_265 = arith.constant 0.000000e+00 : f32
      %broadcast_in_dim3A_266 = vector.broadcast %jit3A_265 : f32 to vector<16xf32>
      %select_n3A_267 = arith.select %le3A_215, %mul3A_264, %broadcast_in_dim3A_266 : vector<16xi1>, vector<16xf32>
      %add3A_268 = arith.addf %add3A_188, %select_n3A_267 : vector<16xf32>
      %jit3A_269 = arith.constant 1.000000e+00 : f32
      %jit3A_270 = arith.constant 0.000000e+00 : f32
      %broadcast_in_dim3A_271 = vector.broadcast %jit3A_269 : f32 to vector<16xf32>
      %broadcast_in_dim3A_272 = vector.broadcast %jit3A_270 : f32 to vector<16xf32>
      %select_n3A_273 = arith.select %le3A_215, %broadcast_in_dim3A_271, %broadcast_in_dim3A_272 : vector<16xi1>, vector<16xf32>
      %add3A_274 = arith.addf %add3A_194, %select_n3A_273 : vector<16xf32>
      %get3A_275 = arith.index_cast %scan3A_40 : i32 to index
      %get3A_276 = arith.constant 48 : index
      %get3A_277 = tpu.vector_load %arg5[%get3A_275, %get3A_276] {strides = array<i32>} : memref<16x512xf32, #tpu.memory_space<vmem>>, vector<1x16xf32>,
      %get3A_278 = vector.shape_cast %get3A_277 : vector<1x16xf32> to vector<16xf32>
      %get3A_279 = arith.index_cast %scan3A_40 : i32 to index
      %get3A_280 = arith.constant 48 : index
      %get3A_281 = tpu.vector_load %arg6[%get3A_279, %get3A_280] {strides = array<i32>} : memref<16x512xi32, #tpu.memory_space<vmem>>, vector<1x16xi32>,
      %get3A_282 = vector.shape_cast %get3A_281 : vector<1x16xi32> to vector<16xi32>
      %eq3A_283 = arith.constant 1 : i32
      %eq3A_284 = vector.broadcast %eq3A_283 : i32 to vector<16xi32>
      %eq3A_285 = arith.cmpi eq, %get3A_282, %eq3A_284 : vector<16xi32>
      %neg3A_286 = arith.constant 0.000000e+00 : f32
      %neg3A_287 = vector.broadcast %neg3A_286 : f32 to vector<16xf32>
      %neg3A_288 = arith.subf %neg3A_287, %get3A_278 : vector<16xf32>
      %select_n3A_289 = arith.select %eq3A_285, %neg3A_288, %get3A_278 : vector<16xi1>, vector<16xf32>
      %neg3A_290 = arith.constant 0.000000e+00 : f32
      %neg3A_291 = vector.broadcast %neg3A_290 : f32 to vector<16xf32>
      %neg3A_292 = arith.subf %neg3A_291, %select_n3A_289 : vector<16xf32>
      %le3A_293 = arith.constant 0.847297847 : f32
      %le3A_294 = vector.broadcast %le3A_293 : f32 to vector<16xf32>
      %le3A_295 = arith.cmpf ole, %neg3A_292, %le3A_294 : vector<16xf32>
      %abs3A_296 = math.absf %get3A_278 : vector<16xf32>
      %neg3A_297 = arith.constant 0.000000e+00 : f32
      %neg3A_298 = vector.broadcast %neg3A_297 : f32 to vector<16xf32>
      %neg3A_299 = arith.subf %neg3A_298, %abs3A_296 : vector<16xf32>
      %exp3A_300 = math.exp %neg3A_299 : vector<16xf32>
      %add3A_301 = arith.constant 2.000000e+00 : f32
      %add3A_302 = vector.broadcast %add3A_301 : f32 to vector<16xf32>
      %add3A_303 = arith.addf %add3A_302, %exp3A_300 : vector<16xf32>
      %div3A_304 = arith.divf %exp3A_300, %add3A_303 : vector<16xf32>
      %mul3A_305 = arith.mulf %div3A_304, %div3A_304 : vector<16xf32>
      %mul3A_306 = arith.constant 0.222222224 : f32
      %mul3A_307 = vector.broadcast %mul3A_306 : f32 to vector<16xf32>
      %mul3A_308 = arith.mulf %mul3A_305, %mul3A_307 : vector<16xf32>
      %add3A_309 = arith.constant 0.285714298 : f32
      %add3A_310 = vector.broadcast %add3A_309 : f32 to vector<16xf32>
      %add3A_311 = arith.addf %add3A_310, %mul3A_308 : vector<16xf32>
      %mul3A_312 = arith.mulf %mul3A_305, %add3A_311 : vector<16xf32>
      %add3A_313 = arith.constant 4.000000e-01 : f32
      %add3A_314 = vector.broadcast %add3A_313 : f32 to vector<16xf32>
      %add3A_315 = arith.addf %add3A_314, %mul3A_312 : vector<16xf32>
      %mul3A_316 = arith.mulf %mul3A_305, %add3A_315 : vector<16xf32>
      %add3A_317 = arith.constant 0.666666686 : f32
      %add3A_318 = vector.broadcast %add3A_317 : f32 to vector<16xf32>
      %add3A_319 = arith.addf %add3A_318, %mul3A_316 : vector<16xf32>
      %mul3A_320 = arith.mulf %mul3A_305, %add3A_319 : vector<16xf32>
      %add3A_321 = arith.constant 2.000000e+00 : f32
      %add3A_322 = vector.broadcast %add3A_321 : f32 to vector<16xf32>
      %add3A_323 = arith.addf %add3A_322, %mul3A_320 : vector<16xf32>
      %mul3A_324 = arith.mulf %div3A_304, %add3A_323 : vector<16xf32>
      %max3A_325 = arith.constant 0.000000e+00 : f32
      %max3A_326 = vector.broadcast %max3A_325 : f32 to vector<16xf32>
      %max3A_327 = arith.maximumf %select_n3A_289, %max3A_326 : vector<16xf32>
      %add3A_328 = arith.addf %mul3A_324, %max3A_327 : vector<16xf32>
      %add3A_329 = arith.constant 1.000000e+00 : f32
      %add3A_330 = vector.broadcast %add3A_329 : f32 to vector<16xf32>
      %add3A_331 = arith.addf %add3A_330, %exp3A_300 : vector<16xf32>
      %div3A_332 = arith.constant 1.000000e+00 : f32
      %div3A_333 = vector.broadcast %div3A_332 : f32 to vector<16xf32>
      %div3A_334 = arith.divf %div3A_333, %add3A_331 : vector<16xf32>
      %ge3A_335 = arith.constant 0.000000e+00 : f32
      %ge3A_336 = vector.broadcast %ge3A_335 : f32 to vector<16xf32>
      %ge3A_337 = arith.cmpf oge, %neg3A_292, %ge3A_336 : vector<16xf32>
      %mul3A_338 = arith.mulf %exp3A_300, %div3A_334 : vector<16xf32>
      %select_n3A_339 = arith.select %ge3A_337, %mul3A_338, %div3A_334 : vector<16xi1>, vector<16xf32>
      %mul3A_340 = arith.constant 2.500000e-01 : f32
      %mul3A_341 = vector.broadcast %mul3A_340 : f32 to vector<16xf32>
      %mul3A_342 = arith.mulf %mul3A_341, %add3A_328 : vector<16xf32>
      %mul3A_343 = arith.mulf %select_n3A_339, %select_n3A_339 : vector<16xf32>
      %mul3A_344 = arith.mulf %mul3A_342, %mul3A_343 : vector<16xf32>
      %jit3A_345 = arith.constant 0.000000e+00 : f32
      %broadcast_in_dim3A_346 = vector.broadcast %jit3A_345 : f32 to vector<16xf32>
      %select_n3A_347 = arith.select %le3A_295, %mul3A_344, %broadcast_in_dim3A_346 : vector<16xi1>, vector<16xf32>
      %add3A_348 = arith.addf %add3A_268, %select_n3A_347 : vector<16xf32>
      %jit3A_349 = arith.constant 1.000000e+00 : f32
      %jit3A_350 = arith.constant 0.000000e+00 : f32
      %broadcast_in_dim3A_351 = vector.broadcast %jit3A_349 : f32 to vector<16xf32>
      %broadcast_in_dim3A_352 = vector.broadcast %jit3A_350 : f32 to vector<16xf32>
      %select_n3A_353 = arith.select %le3A_295, %broadcast_in_dim3A_351, %broadcast_in_dim3A_352 : vector<16xi1>, vector<16xf32>
      %add3A_354 = arith.addf %add3A_274, %select_n3A_353 : vector<16xf32>
      %get3A_355 = arith.index_cast %scan3A_40 : i32 to index
      %get3A_356 = arith.constant 64 : index
      %get3A_357 = tpu.vector_load %arg5[%get3A_355, %get3A_356] {strides = array<i32>} : memref<16x512xf32, #tpu.memory_space<vmem>>, vector<1x16xf32>,
      %get3A_358 = vector.shape_cast %get3A_357 : vector<1x16xf32> to vector<16xf32>
      %get3A_359 = arith.index_cast %scan3A_40 : i32 to index
      %get3A_360 = arith.constant 64 : index
      %get3A_361 = tpu.vector_load %arg6[%get3A_359, %get3A_360] {strides = array<i32>} : memref<16x512xi32, #tpu.memory_space<vmem>>, vector<1x16xi32>,
      %get3A_362 = vector.shape_cast %get3A_361 : vector<1x16xi32> to vector<16xi32>
      %eq3A_363 = arith.constant 1 : i32
      %eq3A_364 = vector.broadcast %eq3A_363 : i32 to vector<16xi32>
      %eq3A_365 = arith.cmpi eq, %get3A_362, %eq3A_364 : vector<16xi32>
      %neg3A_366 = arith.constant 0.000000e+00 : f32
      %neg3A_367 = vector.broadcast %neg3A_366 : f32 to vector<16xf32>
      %neg3A_368 = arith.subf %neg3A_367, %get3A_358 : vector<16xf32>
      %select_n3A_369 = arith.select %eq3A_365, %neg3A_368, %get3A_358 : vector<16xi1>, vector<16xf32>
      %neg3A_370 = arith.constant 0.000000e+00 : f32
      %neg3A_371 = vector.broadcast %neg3A_370 : f32 to vector<16xf32>
      %neg3A_372 = arith.subf %neg3A_371, %select_n3A_369 : vector<16xf32>
      %le3A_373 = arith.constant 0.847297847 : f32
      %le3A_374 = vector.broadcast %le3A_373 : f32 to vector<16xf32>
      %le3A_375 = arith.cmpf ole, %neg3A_372, %le3A_374 : vector<16xf32>
      %abs3A_376 = math.absf %get3A_358 : vector<16xf32>
      %neg3A_377 = arith.constant 0.000000e+00 : f32
      %neg3A_378 = vector.broadcast %neg3A_377 : f32 to vector<16xf32>
      %neg3A_379 = arith.subf %neg3A_378, %abs3A_376 : vector<16xf32>
      %exp3A_380 = math.exp %neg3A_379 : vector<16xf32>
      %add3A_381 = arith.constant 2.000000e+00 : f32
      %add3A_382 = vector.broadcast %add3A_381 : f32 to vector<16xf32>
      %add3A_383 = arith.addf %add3A_382, %exp3A_380 : vector<16xf32>
      %div3A_384 = arith.divf %exp3A_380, %add3A_383 : vector<16xf32>
      %mul3A_385 = arith.mulf %div3A_384, %div3A_384 : vector<16xf32>
      %mul3A_386 = arith.constant 0.222222224 : f32
      %mul3A_387 = vector.broadcast %mul3A_386 : f32 to vector<16xf32>
      %mul3A_388 = arith.mulf %mul3A_385, %mul3A_387 : vector<16xf32>
      %add3A_389 = arith.constant 0.285714298 : f32
      %add3A_390 = vector.broadcast %add3A_389 : f32 to vector<16xf32>
      %add3A_391 = arith.addf %add3A_390, %mul3A_388 : vector<16xf32>
      %mul3A_392 = arith.mulf %mul3A_385, %add3A_391 : vector<16xf32>
      %add3A_393 = arith.constant 4.000000e-01 : f32
      %add3A_394 = vector.broadcast %add3A_393 : f32 to vector<16xf32>
      %add3A_395 = arith.addf %add3A_394, %mul3A_392 : vector<16xf32>
      %mul3A_396 = arith.mulf %mul3A_385, %add3A_395 : vector<16xf32>
      %add3A_397 = arith.constant 0.666666686 : f32
      %add3A_398 = vector.broadcast %add3A_397 : f32 to vector<16xf32>
      %add3A_399 = arith.addf %add3A_398, %mul3A_396 : vector<16xf32>
      %mul3A_400 = arith.mulf %mul3A_385, %add3A_399 : vector<16xf32>
      %add3A_401 = arith.constant 2.000000e+00 : f32
      %add3A_402 = vector.broadcast %add3A_401 : f32 to vector<16xf32>
      %add3A_403 = arith.addf %add3A_402, %mul3A_400 : vector<16xf32>
      %mul3A_404 = arith.mulf %div3A_384, %add3A_403 : vector<16xf32>
      %max3A_405 = arith.constant 0.000000e+00 : f32
      %max3A_406 = vector.broadcast %max3A_405 : f32 to vector<16xf32>
      %max3A_407 = arith.maximumf %select_n3A_369, %max3A_406 : vector<16xf32>
      %add3A_408 = arith.addf %mul3A_404, %max3A_407 : vector<16xf32>
      %add3A_409 = arith.constant 1.000000e+00 : f32
      %add3A_410 = vector.broadcast %add3A_409 : f32 to vector<16xf32>
      %add3A_411 = arith.addf %add3A_410, %exp3A_380 : vector<16xf32>
      %div3A_412 = arith.constant 1.000000e+00 : f32
      %div3A_413 = vector.broadcast %div3A_412 : f32 to vector<16xf32>
      %div3A_414 = arith.divf %div3A_413, %add3A_411 : vector<16xf32>
      %ge3A_415 = arith.constant 0.000000e+00 : f32
      %ge3A_416 = vector.broadcast %ge3A_415 : f32 to vector<16xf32>
      %ge3A_417 = arith.cmpf oge, %neg3A_372, %ge3A_416 : vector<16xf32>
      %mul3A_418 = arith.mulf %exp3A_380, %div3A_414 : vector<16xf32>
      %select_n3A_419 = arith.select %ge3A_417, %mul3A_418, %div3A_414 : vector<16xi1>, vector<16xf32>
      %mul3A_420 = arith.constant 2.500000e-01 : f32
      %mul3A_421 = vector.broadcast %mul3A_420 : f32 to vector<16xf32>
      %mul3A_422 = arith.mulf %mul3A_421, %add3A_408 : vector<16xf32>
      %mul3A_423 = arith.mulf %select_n3A_419, %select_n3A_419 : vector<16xf32>
      %mul3A_424 = arith.mulf %mul3A_422, %mul3A_423 : vector<16xf32>
      %jit3A_425 = arith.constant 0.000000e+00 : f32
      %broadcast_in_dim3A_426 = vector.broadcast %jit3A_425 : f32 to vector<16xf32>
      %select_n3A_427 = arith.select %le3A_375, %mul3A_424, %broadcast_in_dim3A_426 : vector<16xi1>, vector<16xf32>
      %add3A_428 = arith.addf %add3A_348, %select_n3A_427 : vector<16xf32>
      %jit3A_429 = arith.constant 1.000000e+00 : f32
      %jit3A_430 = arith.constant 0.000000e+00 : f32
      %broadcast_in_dim3A_431 = vector.broadcast %jit3A_429 : f32 to vector<16xf32>
      %broadcast_in_dim3A_432 = vector.broadcast %jit3A_430 : f32 to vector<16xf32>
      %select_n3A_433 = arith.select %le3A_375, %broadcast_in_dim3A_431, %broadcast_in_dim3A_432 : vector<16xi1>, vector<16xf32>
      %add3A_434 = arith.addf %add3A_354, %select_n3A_433 : vector<16xf32>
      %get3A_435 = arith.index_cast %scan3A_40 : i32 to index
      %get3A_436 = arith.constant 80 : index
      %get3A_437 = tpu.vector_load %arg5[%get3A_435, %get3A_436] {strides = array<i32>} : memref<16x512xf32, #tpu.memory_space<vmem>>, vector<1x16xf32>,
      %get3A_438 = vector.shape_cast %get3A_437 : vector<1x16xf32> to vector<16xf32>
      %get3A_439 = arith.index_cast %scan3A_40 : i32 to index
      %get3A_440 = arith.constant 80 : index
      %get3A_441 = tpu.vector_load %arg6[%get3A_439, %get3A_440] {strides = array<i32>} : memref<16x512xi32, #tpu.memory_space<vmem>>, vector<1x16xi32>,
      %get3A_442 = vector.shape_cast %get3A_441 : vector<1x16xi32> to vector<16xi32>
      %eq3A_443 = arith.constant 1 : i32
      %eq3A_444 = vector.broadcast %eq3A_443 : i32 to vector<16xi32>
      %eq3A_445 = arith.cmpi eq, %get3A_442, %eq3A_444 : vector<16xi32>
      %neg3A_446 = arith.constant 0.000000e+00 : f32
      %neg3A_447 = vector.broadcast %neg3A_446 : f32 to vector<16xf32>
      %neg3A_448 = arith.subf %neg3A_447, %get3A_438 : vector<16xf32>
      %select_n3A_449 = arith.select %eq3A_445, %neg3A_448, %get3A_438 : vector<16xi1>, vector<16xf32>
      %neg3A_450 = arith.constant 0.000000e+00 : f32
      %neg3A_451 = vector.broadcast %neg3A_450 : f32 to vector<16xf32>
      %neg3A_452 = arith.subf %neg3A_451, %select_n3A_449 : vector<16xf32>
      %le3A_453 = arith.constant 0.847297847 : f32
      %le3A_454 = vector.broadcast %le3A_453 : f32 to vector<16xf32>
      %le3A_455 = arith.cmpf ole, %neg3A_452, %le3A_454 : vector<16xf32>
      %abs3A_456 = math.absf %get3A_438 : vector<16xf32>
      %neg3A_457 = arith.constant 0.000000e+00 : f32
      %neg3A_458 = vector.broadcast %neg3A_457 : f32 to vector<16xf32>
      %neg3A_459 = arith.subf %neg3A_458, %abs3A_456 : vector<16xf32>
      %exp3A_460 = math.exp %neg3A_459 : vector<16xf32>
      %add3A_461 = arith.constant 2.000000e+00 : f32
      %add3A_462 = vector.broadcast %add3A_461 : f32 to vector<16xf32>
      %add3A_463 = arith.addf %add3A_462, %exp3A_460 : vector<16xf32>
      %div3A_464 = arith.divf %exp3A_460, %add3A_463 : vector<16xf32>
      %mul3A_465 = arith.mulf %div3A_464, %div3A_464 : vector<16xf32>
      %mul3A_466 = arith.constant 0.222222224 : f32
      %mul3A_467 = vector.broadcast %mul3A_466 : f32 to vector<16xf32>
      %mul3A_468 = arith.mulf %mul3A_465, %mul3A_467 : vector<16xf32>
      %add3A_469 = arith.constant 0.285714298 : f32
      %add3A_470 = vector.broadcast %add3A_469 : f32 to vector<16xf32>
      %add3A_471 = arith.addf %add3A_470, %mul3A_468 : vector<16xf32>
      %mul3A_472 = arith.mulf %mul3A_465, %add3A_471 : vector<16xf32>
      %add3A_473 = arith.constant 4.000000e-01 : f32
      %add3A_474 = vector.broadcast %add3A_473 : f32 to vector<16xf32>
      %add3A_475 = arith.addf %add3A_474, %mul3A_472 : vector<16xf32>
      %mul3A_476 = arith.mulf %mul3A_465, %add3A_475 : vector<16xf32>
      %add3A_477 = arith.constant 0.666666686 : f32
      %add3A_478 = vector.broadcast %add3A_477 : f32 to vector<16xf32>
      %add3A_479 = arith.addf %add3A_478, %mul3A_476 : vector<16xf32>
      %mul3A_480 = arith.mulf %mul3A_465, %add3A_479 : vector<16xf32>
      %add3A_481 = arith.constant 2.000000e+00 : f32
      %add3A_482 = vector.broadcast %add3A_481 : f32 to vector<16xf32>
      %add3A_483 = arith.addf %add3A_482, %mul3A_480 : vector<16xf32>
      %mul3A_484 = arith.mulf %div3A_464, %add3A_483 : vector<16xf32>
      %max3A_485 = arith.constant 0.000000e+00 : f32
      %max3A_486 = vector.broadcast %max3A_485 : f32 to vector<16xf32>
      %max3A_487 = arith.maximumf %select_n3A_449, %max3A_486 : vector<16xf32>
      %add3A_488 = arith.addf %mul3A_484, %max3A_487 : vector<16xf32>
      %add3A_489 = arith.constant 1.000000e+00 : f32
      %add3A_490 = vector.broadcast %add3A_489 : f32 to vector<16xf32>
      %add3A_491 = arith.addf %add3A_490, %exp3A_460 : vector<16xf32>
      %div3A_492 = arith.constant 1.000000e+00 : f32
      %div3A_493 = vector.broadcast %div3A_492 : f32 to vector<16xf32>
      %div3A_494 = arith.divf %div3A_493, %add3A_491 : vector<16xf32>
      %ge3A_495 = arith.constant 0.000000e+00 : f32
      %ge3A_496 = vector.broadcast %ge3A_495 : f32 to vector<16xf32>
      %ge3A_497 = arith.cmpf oge, %neg3A_452, %ge3A_496 : vector<16xf32>
      %mul3A_498 = arith.mulf %exp3A_460, %div3A_494 : vector<16xf32>
      %select_n3A_499 = arith.select %ge3A_497, %mul3A_498, %div3A_494 : vector<16xi1>, vector<16xf32>
      %mul3A_500 = arith.constant 2.500000e-01 : f32
      %mul3A_501 = vector.broadcast %mul3A_500 : f32 to vector<16xf32>
      %mul3A_502 = arith.mulf %mul3A_501, %add3A_488 : vector<16xf32>
      %mul3A_503 = arith.mulf %select_n3A_499, %select_n3A_499 : vector<16xf32>
      %mul3A_504 = arith.mulf %mul3A_502, %mul3A_503 : vector<16xf32>
      %jit3A_505 = arith.constant 0.000000e+00 : f32
      %broadcast_in_dim3A_506 = vector.broadcast %jit3A_505 : f32 to vector<16xf32>
      %select_n3A_507 = arith.select %le3A_455, %mul3A_504, %broadcast_in_dim3A_506 : vector<16xi1>, vector<16xf32>
      %add3A_508 = arith.addf %add3A_428, %select_n3A_507 : vector<16xf32>
      %jit3A_509 = arith.constant 1.000000e+00 : f32
      %jit3A_510 = arith.constant 0.000000e+00 : f32
      %broadcast_in_dim3A_511 = vector.broadcast %jit3A_509 : f32 to vector<16xf32>
      %broadcast_in_dim3A_512 = vector.broadcast %jit3A_510 : f32 to vector<16xf32>
      %select_n3A_513 = arith.select %le3A_455, %broadcast_in_dim3A_511, %broadcast_in_dim3A_512 : vector<16xi1>, vector<16xf32>
      %add3A_514 = arith.addf %add3A_434, %select_n3A_513 : vector<16xf32>
      %get3A_515 = arith.index_cast %scan3A_40 : i32 to index
      %get3A_516 = arith.constant 96 : index
      %get3A_517 = tpu.vector_load %arg5[%get3A_515, %get3A_516] {strides = array<i32>} : memref<16x512xf32, #tpu.memory_space<vmem>>, vector<1x16xf32>,
      %get3A_518 = vector.shape_cast %get3A_517 : vector<1x16xf32> to vector<16xf32>
      %get3A_519 = arith.index_cast %scan3A_40 : i32 to index
      %get3A_520 = arith.constant 96 : index
      %get3A_521 = tpu.vector_load %arg6[%get3A_519, %get3A_520] {strides = array<i32>} : memref<16x512xi32, #tpu.memory_space<vmem>>, vector<1x16xi32>,
      %get3A_522 = vector.shape_cast %get3A_521 : vector<1x16xi32> to vector<16xi32>
      %eq3A_523 = arith.constant 1 : i32
      %eq3A_524 = vector.broadcast %eq3A_523 : i32 to vector<16xi32>
      %eq3A_525 = arith.cmpi eq, %get3A_522, %eq3A_524 : vector<16xi32>
      %neg3A_526 = arith.constant 0.000000e+00 : f32
      %neg3A_527 = vector.broadcast %neg3A_526 : f32 to vector<16xf32>
      %neg3A_528 = arith.subf %neg3A_527, %get3A_518 : vector<16xf32>
      %select_n3A_529 = arith.select %eq3A_525, %neg3A_528, %get3A_518 : vector<16xi1>, vector<16xf32>
      %neg3A_530 = arith.constant 0.000000e+00 : f32
      %neg3A_531 = vector.broadcast %neg3A_530 : f32 to vector<16xf32>
      %neg3A_532 = arith.subf %neg3A_531, %select_n3A_529 : vector<16xf32>
      %le3A_533 = arith.constant 0.847297847 : f32
      %le3A_534 = vector.broadcast %le3A_533 : f32 to vector<16xf32>
      %le3A_535 = arith.cmpf ole, %neg3A_532, %le3A_534 : vector<16xf32>
      %abs3A_536 = math.absf %get3A_518 : vector<16xf32>
      %neg3A_537 = arith.constant 0.000000e+00 : f32
      %neg3A_538 = vector.broadcast %neg3A_537 : f32 to vector<16xf32>
      %neg3A_539 = arith.subf %neg3A_538, %abs3A_536 : vector<16xf32>
      %exp3A_540 = math.exp %neg3A_539 : vector<16xf32>
      %add3A_541 = arith.constant 2.000000e+00 : f32
      %add3A_542 = vector.broadcast %add3A_541 : f32 to vector<16xf32>
      %add3A_543 = arith.addf %add3A_542, %exp3A_540 : vector<16xf32>
      %div3A_544 = arith.divf %exp3A_540, %add3A_543 : vector<16xf32>
      %mul3A_545 = arith.mulf %div3A_544, %div3A_544 : vector<16xf32>
      %mul3A_546 = arith.constant 0.222222224 : f32
      %mul3A_547 = vector.broadcast %mul3A_546 : f32 to vector<16xf32>
      %mul3A_548 = arith.mulf %mul3A_545, %mul3A_547 : vector<16xf32>
      %add3A_549 = arith.constant 0.285714298 : f32
      %add3A_550 = vector.broadcast %add3A_549 : f32 to vector<16xf32>
      %add3A_551 = arith.addf %add3A_550, %mul3A_548 : vector<16xf32>
      %mul3A_552 = arith.mulf %mul3A_545, %add3A_551 : vector<16xf32>
      %add3A_553 = arith.constant 4.000000e-01 : f32
      %add3A_554 = vector.broadcast %add3A_553 : f32 to vector<16xf32>
      %add3A_555 = arith.addf %add3A_554, %mul3A_552 : vector<16xf32>
      %mul3A_556 = arith.mulf %mul3A_545, %add3A_555 : vector<16xf32>
      %add3A_557 = arith.constant 0.666666686 : f32
      %add3A_558 = vector.broadcast %add3A_557 : f32 to vector<16xf32>
      %add3A_559 = arith.addf %add3A_558, %mul3A_556 : vector<16xf32>
      %mul3A_560 = arith.mulf %mul3A_545, %add3A_559 : vector<16xf32>
      %add3A_561 = arith.constant 2.000000e+00 : f32
      %add3A_562 = vector.broadcast %add3A_561 : f32 to vector<16xf32>
      %add3A_563 = arith.addf %add3A_562, %mul3A_560 : vector<16xf32>
      %mul3A_564 = arith.mulf %div3A_544, %add3A_563 : vector<16xf32>
      %max3A_565 = arith.constant 0.000000e+00 : f32
      %max3A_566 = vector.broadcast %max3A_565 : f32 to vector<16xf32>
      %max3A_567 = arith.maximumf %select_n3A_529, %max3A_566 : vector<16xf32>
      %add3A_568 = arith.addf %mul3A_564, %max3A_567 : vector<16xf32>
      %add3A_569 = arith.constant 1.000000e+00 : f32
      %add3A_570 = vector.broadcast %add3A_569 : f32 to vector<16xf32>
      %add3A_571 = arith.addf %add3A_570, %exp3A_540 : vector<16xf32>
      %div3A_572 = arith.constant 1.000000e+00 : f32
      %div3A_573 = vector.broadcast %div3A_572 : f32 to vector<16xf32>
      %div3A_574 = arith.divf %div3A_573, %add3A_571 : vector<16xf32>
      %ge3A_575 = arith.constant 0.000000e+00 : f32
      %ge3A_576 = vector.broadcast %ge3A_575 : f32 to vector<16xf32>
      %ge3A_577 = arith.cmpf oge, %neg3A_532, %ge3A_576 : vector<16xf32>
      %mul3A_578 = arith.mulf %exp3A_540, %div3A_574 : vector<16xf32>
      %select_n3A_579 = arith.select %ge3A_577, %mul3A_578, %div3A_574 : vector<16xi1>, vector<16xf32>
      %mul3A_580 = arith.constant 2.500000e-01 : f32
      %mul3A_581 = vector.broadcast %mul3A_580 : f32 to vector<16xf32>
      %mul3A_582 = arith.mulf %mul3A_581, %add3A_568 : vector<16xf32>
      %mul3A_583 = arith.mulf %select_n3A_579, %select_n3A_579 : vector<16xf32>
      %mul3A_584 = arith.mulf %mul3A_582, %mul3A_583 : vector<16xf32>
      %jit3A_585 = arith.constant 0.000000e+00 : f32
      %broadcast_in_dim3A_586 = vector.broadcast %jit3A_585 : f32 to vector<16xf32>
      %select_n3A_587 = arith.select %le3A_535, %mul3A_584, %broadcast_in_dim3A_586 : vector<16xi1>, vector<16xf32>
      %add3A_588 = arith.addf %add3A_508, %select_n3A_587 : vector<16xf32>
      %jit3A_589 = arith.constant 1.000000e+00 : f32
      %jit3A_590 = arith.constant 0.000000e+00 : f32
      %broadcast_in_dim3A_591 = vector.broadcast %jit3A_589 : f32 to vector<16xf32>
      %broadcast_in_dim3A_592 = vector.broadcast %jit3A_590 : f32 to vector<16xf32>
      %select_n3A_593 = arith.select %le3A_535, %broadcast_in_dim3A_591, %broadcast_in_dim3A_592 : vector<16xi1>, vector<16xf32>
      %add3A_594 = arith.addf %add3A_514, %select_n3A_593 : vector<16xf32>
      %get3A_595 = arith.index_cast %scan3A_40 : i32 to index
      %get3A_596 = arith.constant 112 : index
      %get3A_597 = tpu.vector_load %arg5[%get3A_595, %get3A_596] {strides = array<i32>} : memref<16x512xf32, #tpu.memory_space<vmem>>, vector<1x16xf32>,
      %get3A_598 = vector.shape_cast %get3A_597 : vector<1x16xf32> to vector<16xf32>
      %get3A_599 = arith.index_cast %scan3A_40 : i32 to index
      %get3A_600 = arith.constant 112 : index
      %get3A_601 = tpu.vector_load %arg6[%get3A_599, %get3A_600] {strides = array<i32>} : memref<16x512xi32, #tpu.memory_space<vmem>>, vector<1x16xi32>,
      %get3A_602 = vector.shape_cast %get3A_601 : vector<1x16xi32> to vector<16xi32>
      %eq3A_603 = arith.constant 1 : i32
      %eq3A_604 = vector.broadcast %eq3A_603 : i32 to vector<16xi32>
      %eq3A_605 = arith.cmpi eq, %get3A_602, %eq3A_604 : vector<16xi32>
      %neg3A_606 = arith.constant 0.000000e+00 : f32
      %neg3A_607 = vector.broadcast %neg3A_606 : f32 to vector<16xf32>
      %neg3A_608 = arith.subf %neg3A_607, %get3A_598 : vector<16xf32>
      %select_n3A_609 = arith.select %eq3A_605, %neg3A_608, %get3A_598 : vector<16xi1>, vector<16xf32>
      %neg3A_610 = arith.constant 0.000000e+00 : f32
      %neg3A_611 = vector.broadcast %neg3A_610 : f32 to vector<16xf32>
      %neg3A_612 = arith.subf %neg3A_611, %select_n3A_609 : vector<16xf32>
      %le3A_613 = arith.constant 0.847297847 : f32
      %le3A_614 = vector.broadcast %le3A_613 : f32 to vector<16xf32>
      %le3A_615 = arith.cmpf ole, %neg3A_612, %le3A_614 : vector<16xf32>
      %abs3A_616 = math.absf %get3A_598 : vector<16xf32>
      %neg3A_617 = arith.constant 0.000000e+00 : f32
      %neg3A_618 = vector.broadcast %neg3A_617 : f32 to vector<16xf32>
      %neg3A_619 = arith.subf %neg3A_618, %abs3A_616 : vector<16xf32>
      %exp3A_620 = math.exp %neg3A_619 : vector<16xf32>
      %add3A_621 = arith.constant 2.000000e+00 : f32
      %add3A_622 = vector.broadcast %add3A_621 : f32 to vector<16xf32>
      %add3A_623 = arith.addf %add3A_622, %exp3A_620 : vector<16xf32>
      %div3A_624 = arith.divf %exp3A_620, %add3A_623 : vector<16xf32>
      %mul3A_625 = arith.mulf %div3A_624, %div3A_624 : vector<16xf32>
      %mul3A_626 = arith.constant 0.222222224 : f32
      %mul3A_627 = vector.broadcast %mul3A_626 : f32 to vector<16xf32>
      %mul3A_628 = arith.mulf %mul3A_625, %mul3A_627 : vector<16xf32>
      %add3A_629 = arith.constant 0.285714298 : f32
      %add3A_630 = vector.broadcast %add3A_629 : f32 to vector<16xf32>
      %add3A_631 = arith.addf %add3A_630, %mul3A_628 : vector<16xf32>
      %mul3A_632 = arith.mulf %mul3A_625, %add3A_631 : vector<16xf32>
      %add3A_633 = arith.constant 4.000000e-01 : f32
      %add3A_634 = vector.broadcast %add3A_633 : f32 to vector<16xf32>
      %add3A_635 = arith.addf %add3A_634, %mul3A_632 : vector<16xf32>
      %mul3A_636 = arith.mulf %mul3A_625, %add3A_635 : vector<16xf32>
      %add3A_637 = arith.constant 0.666666686 : f32
      %add3A_638 = vector.broadcast %add3A_637 : f32 to vector<16xf32>
      %add3A_639 = arith.addf %add3A_638, %mul3A_636 : vector<16xf32>
      %mul3A_640 = arith.mulf %mul3A_625, %add3A_639 : vector<16xf32>
      %add3A_641 = arith.constant 2.000000e+00 : f32
      %add3A_642 = vector.broadcast %add3A_641 : f32 to vector<16xf32>
      %add3A_643 = arith.addf %add3A_642, %mul3A_640 : vector<16xf32>
      %mul3A_644 = arith.mulf %div3A_624, %add3A_643 : vector<16xf32>
      %max3A_645 = arith.constant 0.000000e+00 : f32
      %max3A_646 = vector.broadcast %max3A_645 : f32 to vector<16xf32>
      %max3A_647 = arith.maximumf %select_n3A_609, %max3A_646 : vector<16xf32>
      %add3A_648 = arith.addf %mul3A_644, %max3A_647 : vector<16xf32>
      %add3A_649 = arith.constant 1.000000e+00 : f32
      %add3A_650 = vector.broadcast %add3A_649 : f32 to vector<16xf32>
      %add3A_651 = arith.addf %add3A_650, %exp3A_620 : vector<16xf32>
      %div3A_652 = arith.constant 1.000000e+00 : f32
      %div3A_653 = vector.broadcast %div3A_652 : f32 to vector<16xf32>
      %div3A_654 = arith.divf %div3A_653, %add3A_651 : vector<16xf32>
      %ge3A_655 = arith.constant 0.000000e+00 : f32
      %ge3A_656 = vector.broadcast %ge3A_655 : f32 to vector<16xf32>
      %ge3A_657 = arith.cmpf oge, %neg3A_612, %ge3A_656 : vector<16xf32>
      %mul3A_658 = arith.mulf %exp3A_620, %div3A_654 : vector<16xf32>
      %select_n3A_659 = arith.select %ge3A_657, %mul3A_658, %div3A_654 : vector<16xi1>, vector<16xf32>
      %mul3A_660 = arith.constant 2.500000e-01 : f32
      %mul3A_661 = vector.broadcast %mul3A_660 : f32 to vector<16xf32>
      %mul3A_662 = arith.mulf %mul3A_661, %add3A_648 : vector<16xf32>
      %mul3A_663 = arith.mulf %select_n3A_659, %select_n3A_659 : vector<16xf32>
      %mul3A_664 = arith.mulf %mul3A_662, %mul3A_663 : vector<16xf32>
      %jit3A_665 = arith.constant 0.000000e+00 : f32
      %broadcast_in_dim3A_666 = vector.broadcast %jit3A_665 : f32 to vector<16xf32>
      %select_n3A_667 = arith.select %le3A_615, %mul3A_664, %broadcast_in_dim3A_666 : vector<16xi1>, vector<16xf32>
      %add3A_668 = arith.addf %add3A_588, %select_n3A_667 : vector<16xf32>
      %jit3A_669 = arith.constant 1.000000e+00 : f32
      %jit3A_670 = arith.constant 0.000000e+00 : f32
      %broadcast_in_dim3A_671 = vector.broadcast %jit3A_669 : f32 to vector<16xf32>
      %broadcast_in_dim3A_672 = vector.broadcast %jit3A_670 : f32 to vector<16xf32>
      %select_n3A_673 = arith.select %le3A_615, %broadcast_in_dim3A_671, %broadcast_in_dim3A_672 : vector<16xi1>, vector<16xf32>
      %add3A_674 = arith.addf %add3A_594, %select_n3A_673 : vector<16xf32>
      %get3A_675 = arith.index_cast %scan3A_40 : i32 to index
      %get3A_676 = arith.constant 128 : index
      %get3A_677 = tpu.vector_load %arg5[%get3A_675, %get3A_676] {strides = array<i32>} : memref<16x512xf32, #tpu.memory_space<vmem>>, vector<1x16xf32>,
      %get3A_678 = vector.shape_cast %get3A_677 : vector<1x16xf32> to vector<16xf32>
      %get3A_679 = arith.index_cast %scan3A_40 : i32 to index
      %get3A_680 = arith.constant 128 : index
      %get3A_681 = tpu.vector_load %arg6[%get3A_679, %get3A_680] {strides = array<i32>} : memref<16x512xi32, #tpu.memory_space<vmem>>, vector<1x16xi32>,
      %get3A_682 = vector.shape_cast %get3A_681 : vector<1x16xi32> to vector<16xi32>
      %eq3A_683 = arith.constant 1 : i32
      %eq3A_684 = vector.broadcast %eq3A_683 : i32 to vector<16xi32>
      %eq3A_685 = arith.cmpi eq, %get3A_682, %eq3A_684 : vector<16xi32>
      %neg3A_686 = arith.constant 0.000000e+00 : f32
      %neg3A_687 = vector.broadcast %neg3A_686 : f32 to vector<16xf32>
      %neg3A_688 = arith.subf %neg3A_687, %get3A_678 : vector<16xf32>
      %select_n3A_689 = arith.select %eq3A_685, %neg3A_688, %get3A_678 : vector<16xi1>, vector<16xf32>
      %neg3A_690 = arith.constant 0.000000e+00 : f32
      %neg3A_691 = vector.broadcast %neg3A_690 : f32 to vector<16xf32>
      %neg3A_692 = arith.subf %neg3A_691, %select_n3A_689 : vector<16xf32>
      %le3A_693 = arith.constant 0.847297847 : f32
      %le3A_694 = vector.broadcast %le3A_693 : f32 to vector<16xf32>
      %le3A_695 = arith.cmpf ole, %neg3A_692, %le3A_694 : vector<16xf32>
      %abs3A_696 = math.absf %get3A_678 : vector<16xf32>
      %neg3A_697 = arith.constant 0.000000e+00 : f32
      %neg3A_698 = vector.broadcast %neg3A_697 : f32 to vector<16xf32>
      %neg3A_699 = arith.subf %neg3A_698, %abs3A_696 : vector<16xf32>
      %exp3A_700 = math.exp %neg3A_699 : vector<16xf32>
      %add3A_701 = arith.constant 2.000000e+00 : f32
      %add3A_702 = vector.broadcast %add3A_701 : f32 to vector<16xf32>
      %add3A_703 = arith.addf %add3A_702, %exp3A_700 : vector<16xf32>
      %div3A_704 = arith.divf %exp3A_700, %add3A_703 : vector<16xf32>
      %mul3A_705 = arith.mulf %div3A_704, %div3A_704 : vector<16xf32>
      %mul3A_706 = arith.constant 0.222222224 : f32
      %mul3A_707 = vector.broadcast %mul3A_706 : f32 to vector<16xf32>
      %mul3A_708 = arith.mulf %mul3A_705, %mul3A_707 : vector<16xf32>
      %add3A_709 = arith.constant 0.285714298 : f32
      %add3A_710 = vector.broadcast %add3A_709 : f32 to vector<16xf32>
      %add3A_711 = arith.addf %add3A_710, %mul3A_708 : vector<16xf32>
      %mul3A_712 = arith.mulf %mul3A_705, %add3A_711 : vector<16xf32>
      %add3A_713 = arith.constant 4.000000e-01 : f32
      %add3A_714 = vector.broadcast %add3A_713 : f32 to vector<16xf32>
      %add3A_715 = arith.addf %add3A_714, %mul3A_712 : vector<16xf32>
      %mul3A_716 = arith.mulf %mul3A_705, %add3A_715 : vector<16xf32>
      %add3A_717 = arith.constant 0.666666686 : f32
      %add3A_718 = vector.broadcast %add3A_717 : f32 to vector<16xf32>
      %add3A_719 = arith.addf %add3A_718, %mul3A_716 : vector<16xf32>
      %mul3A_720 = arith.mulf %mul3A_705, %add3A_719 : vector<16xf32>
      %add3A_721 = arith.constant 2.000000e+00 : f32
      %add3A_722 = vector.broadcast %add3A_721 : f32 to vector<16xf32>
      %add3A_723 = arith.addf %add3A_722, %mul3A_720 : vector<16xf32>
      %mul3A_724 = arith.mulf %div3A_704, %add3A_723 : vector<16xf32>
      %max3A_725 = arith.constant 0.000000e+00 : f32
      %max3A_726 = vector.broadcast %max3A_725 : f32 to vector<16xf32>
      %max3A_727 = arith.maximumf %select_n3A_689, %max3A_726 : vector<16xf32>
      %add3A_728 = arith.addf %mul3A_724, %max3A_727 : vector<16xf32>
      %add3A_729 = arith.constant 1.000000e+00 : f32
      %add3A_730 = vector.broadcast %add3A_729 : f32 to vector<16xf32>
      %add3A_731 = arith.addf %add3A_730, %exp3A_700 : vector<16xf32>
      %div3A_732 = arith.constant 1.000000e+00 : f32
      %div3A_733 = vector.broadcast %div3A_732 : f32 to vector<16xf32>
      %div3A_734 = arith.divf %div3A_733, %add3A_731 : vector<16xf32>
      %ge3A_735 = arith.constant 0.000000e+00 : f32
      %ge3A_736 = vector.broadcast %ge3A_735 : f32 to vector<16xf32>
      %ge3A_737 = arith.cmpf oge, %neg3A_692, %ge3A_736 : vector<16xf32>
      %mul3A_738 = arith.mulf %exp3A_700, %div3A_734 : vector<16xf32>
      %select_n3A_739 = arith.select %ge3A_737, %mul3A_738, %div3A_734 : vector<16xi1>, vector<16xf32>
      %mul3A_740 = arith.constant 2.500000e-01 : f32
      %mul3A_741 = vector.broadcast %mul3A_740 : f32 to vector<16xf32>
      %mul3A_742 = arith.mulf %mul3A_741, %add3A_728 : vector<16xf32>
      %mul3A_743 = arith.mulf %select_n3A_739, %select_n3A_739 : vector<16xf32>
      %mul3A_744 = arith.mulf %mul3A_742, %mul3A_743 : vector<16xf32>
      %jit3A_745 = arith.constant 0.000000e+00 : f32
      %broadcast_in_dim3A_746 = vector.broadcast %jit3A_745 : f32 to vector<16xf32>
      %select_n3A_747 = arith.select %le3A_695, %mul3A_744, %broadcast_in_dim3A_746 : vector<16xi1>, vector<16xf32>
      %add3A_748 = arith.addf %add3A_668, %select_n3A_747 : vector<16xf32>
      %jit3A_749 = arith.constant 1.000000e+00 : f32
      %jit3A_750 = arith.constant 0.000000e+00 : f32
      %broadcast_in_dim3A_751 = vector.broadcast %jit3A_749 : f32 to vector<16xf32>
      %broadcast_in_dim3A_752 = vector.broadcast %jit3A_750 : f32 to vector<16xf32>
      %select_n3A_753 = arith.select %le3A_695, %broadcast_in_dim3A_751, %broadcast_in_dim3A_752 : vector<16xi1>, vector<16xf32>
      %add3A_754 = arith.addf %add3A_674, %select_n3A_753 : vector<16xf32>
      %get3A_755 = arith.index_cast %scan3A_40 : i32 to index
      %get3A_756 = arith.constant 144 : index
      %get3A_757 = tpu.vector_load %arg5[%get3A_755, %get3A_756] {strides = array<i32>} : memref<16x512xf32, #tpu.memory_space<vmem>>, vector<1x16xf32>,
      %get3A_758 = vector.shape_cast %get3A_757 : vector<1x16xf32> to vector<16xf32>
      %get3A_759 = arith.index_cast %scan3A_40 : i32 to index
      %get3A_760 = arith.constant 144 : index
      %get3A_761 = tpu.vector_load %arg6[%get3A_759, %get3A_760] {strides = array<i32>} : memref<16x512xi32, #tpu.memory_space<vmem>>, vector<1x16xi32>,
      %get3A_762 = vector.shape_cast %get3A_761 : vector<1x16xi32> to vector<16xi32>
      %eq3A_763 = arith.constant 1 : i32
      %eq3A_764 = vector.broadcast %eq3A_763 : i32 to vector<16xi32>
      %eq3A_765 = arith.cmpi eq, %get3A_762, %eq3A_764 : vector<16xi32>
      %neg3A_766 = arith.constant 0.000000e+00 : f32
      %neg3A_767 = vector.broadcast %neg3A_766 : f32 to vector<16xf32>
      %neg3A_768 = arith.subf %neg3A_767, %get3A_758 : vector<16xf32>
      %select_n3A_769 = arith.select %eq3A_765, %neg3A_768, %get3A_758 : vector<16xi1>, vector<16xf32>
      %neg3A_770 = arith.constant 0.000000e+00 : f32
      %neg3A_771 = vector.broadcast %neg3A_770 : f32 to vector<16xf32>
      %neg3A_772 = arith.subf %neg3A_771, %select_n3A_769 : vector<16xf32>
      %le3A_773 = arith.constant 0.847297847 : f32
      %le3A_774 = vector.broadcast %le3A_773 : f32 to vector<16xf32>
      %le3A_775 = arith.cmpf ole, %neg3A_772, %le3A_774 : vector<16xf32>
      %abs3A_776 = math.absf %get3A_758 : vector<16xf32>
      %neg3A_777 = arith.constant 0.000000e+00 : f32
      %neg3A_778 = vector.broadcast %neg3A_777 : f32 to vector<16xf32>
      %neg3A_779 = arith.subf %neg3A_778, %abs3A_776 : vector<16xf32>
      %exp3A_780 = math.exp %neg3A_779 : vector<16xf32>
      %add3A_781 = arith.constant 2.000000e+00 : f32
      %add3A_782 = vector.broadcast %add3A_781 : f32 to vector<16xf32>
      %add3A_783 = arith.addf %add3A_782, %exp3A_780 : vector<16xf32>
      %div3A_784 = arith.divf %exp3A_780, %add3A_783 : vector<16xf32>
      %mul3A_785 = arith.mulf %div3A_784, %div3A_784 : vector<16xf32>
      %mul3A_786 = arith.constant 0.222222224 : f32
      %mul3A_787 = vector.broadcast %mul3A_786 : f32 to vector<16xf32>
      %mul3A_788 = arith.mulf %mul3A_785, %mul3A_787 : vector<16xf32>
      %add3A_789 = arith.constant 0.285714298 : f32
      %add3A_790 = vector.broadcast %add3A_789 : f32 to vector<16xf32>
      %add3A_791 = arith.addf %add3A_790, %mul3A_788 : vector<16xf32>
      %mul3A_792 = arith.mulf %mul3A_785, %add3A_791 : vector<16xf32>
      %add3A_793 = arith.constant 4.000000e-01 : f32
      %add3A_794 = vector.broadcast %add3A_793 : f32 to vector<16xf32>
      %add3A_795 = arith.addf %add3A_794, %mul3A_792 : vector<16xf32>
      %mul3A_796 = arith.mulf %mul3A_785, %add3A_795 : vector<16xf32>
      %add3A_797 = arith.constant 0.666666686 : f32
      %add3A_798 = vector.broadcast %add3A_797 : f32 to vector<16xf32>
      %add3A_799 = arith.addf %add3A_798, %mul3A_796 : vector<16xf32>
      %mul3A_800 = arith.mulf %mul3A_785, %add3A_799 : vector<16xf32>
      %add3A_801 = arith.constant 2.000000e+00 : f32
      %add3A_802 = vector.broadcast %add3A_801 : f32 to vector<16xf32>
      %add3A_803 = arith.addf %add3A_802, %mul3A_800 : vector<16xf32>
      %mul3A_804 = arith.mulf %div3A_784, %add3A_803 : vector<16xf32>
      %max3A_805 = arith.constant 0.000000e+00 : f32
      %max3A_806 = vector.broadcast %max3A_805 : f32 to vector<16xf32>
      %max3A_807 = arith.maximumf %select_n3A_769, %max3A_806 : vector<16xf32>
      %add3A_808 = arith.addf %mul3A_804, %max3A_807 : vector<16xf32>
      %add3A_809 = arith.constant 1.000000e+00 : f32
      %add3A_810 = vector.broadcast %add3A_809 : f32 to vector<16xf32>
      %add3A_811 = arith.addf %add3A_810, %exp3A_780 : vector<16xf32>
      %div3A_812 = arith.constant 1.000000e+00 : f32
      %div3A_813 = vector.broadcast %div3A_812 : f32 to vector<16xf32>
      %div3A_814 = arith.divf %div3A_813, %add3A_811 : vector<16xf32>
      %ge3A_815 = arith.constant 0.000000e+00 : f32
      %ge3A_816 = vector.broadcast %ge3A_815 : f32 to vector<16xf32>
      %ge3A_817 = arith.cmpf oge, %neg3A_772, %ge3A_816 : vector<16xf32>
      %mul3A_818 = arith.mulf %exp3A_780, %div3A_814 : vector<16xf32>
      %select_n3A_819 = arith.select %ge3A_817, %mul3A_818, %div3A_814 : vector<16xi1>, vector<16xf32>
      %mul3A_820 = arith.constant 2.500000e-01 : f32
      %mul3A_821 = vector.broadcast %mul3A_820 : f32 to vector<16xf32>
      %mul3A_822 = arith.mulf %mul3A_821, %add3A_808 : vector<16xf32>
      %mul3A_823 = arith.mulf %select_n3A_819, %select_n3A_819 : vector<16xf32>
      %mul3A_824 = arith.mulf %mul3A_822, %mul3A_823 : vector<16xf32>
      %jit3A_825 = arith.constant 0.000000e+00 : f32
      %broadcast_in_dim3A_826 = vector.broadcast %jit3A_825 : f32 to vector<16xf32>
      %select_n3A_827 = arith.select %le3A_775, %mul3A_824, %broadcast_in_dim3A_826 : vector<16xi1>, vector<16xf32>
      %add3A_828 = arith.addf %add3A_748, %select_n3A_827 : vector<16xf32>
      %jit3A_829 = arith.constant 1.000000e+00 : f32
      %jit3A_830 = arith.constant 0.000000e+00 : f32
      %broadcast_in_dim3A_831 = vector.broadcast %jit3A_829 : f32 to vector<16xf32>
      %broadcast_in_dim3A_832 = vector.broadcast %jit3A_830 : f32 to vector<16xf32>
      %select_n3A_833 = arith.select %le3A_775, %broadcast_in_dim3A_831, %broadcast_in_dim3A_832 : vector<16xi1>, vector<16xf32>
      %add3A_834 = arith.addf %add3A_754, %select_n3A_833 : vector<16xf32>
      %get3A_835 = arith.index_cast %scan3A_40 : i32 to index
      %get3A_836 = arith.constant 160 : index
      %get3A_837 = tpu.vector_load %arg5[%get3A_835, %get3A_836] {strides = array<i32>} : memref<16x512xf32, #tpu.memory_space<vmem>>, vector<1x16xf32>,
      %get3A_838 = vector.shape_cast %get3A_837 : vector<1x16xf32> to vector<16xf32>
      %get3A_839 = arith.index_cast %scan3A_40 : i32 to index
      %get3A_840 = arith.constant 160 : index
      %get3A_841 = tpu.vector_load %arg6[%get3A_839, %get3A_840] {strides = array<i32>} : memref<16x512xi32, #tpu.memory_space<vmem>>, vector<1x16xi32>,
      %get3A_842 = vector.shape_cast %get3A_841 : vector<1x16xi32> to vector<16xi32>
      %eq3A_843 = arith.constant 1 : i32
      %eq3A_844 = vector.broadcast %eq3A_843 : i32 to vector<16xi32>
      %eq3A_845 = arith.cmpi eq, %get3A_842, %eq3A_844 : vector<16xi32>
      %neg3A_846 = arith.constant 0.000000e+00 : f32
      %neg3A_847 = vector.broadcast %neg3A_846 : f32 to vector<16xf32>
      %neg3A_848 = arith.subf %neg3A_847, %get3A_838 : vector<16xf32>
      %select_n3A_849 = arith.select %eq3A_845, %neg3A_848, %get3A_838 : vector<16xi1>, vector<16xf32>
      %neg3A_850 = arith.constant 0.000000e+00 : f32
      %neg3A_851 = vector.broadcast %neg3A_850 : f32 to vector<16xf32>
      %neg3A_852 = arith.subf %neg3A_851, %select_n3A_849 : vector<16xf32>
      %le3A_853 = arith.constant 0.847297847 : f32
      %le3A_854 = vector.broadcast %le3A_853 : f32 to vector<16xf32>
      %le3A_855 = arith.cmpf ole, %neg3A_852, %le3A_854 : vector<16xf32>
      %abs3A_856 = math.absf %get3A_838 : vector<16xf32>
      %neg3A_857 = arith.constant 0.000000e+00 : f32
      %neg3A_858 = vector.broadcast %neg3A_857 : f32 to vector<16xf32>
      %neg3A_859 = arith.subf %neg3A_858, %abs3A_856 : vector<16xf32>
      %exp3A_860 = math.exp %neg3A_859 : vector<16xf32>
      %add3A_861 = arith.constant 2.000000e+00 : f32
      %add3A_862 = vector.broadcast %add3A_861 : f32 to vector<16xf32>
      %add3A_863 = arith.addf %add3A_862, %exp3A_860 : vector<16xf32>
      %div3A_864 = arith.divf %exp3A_860, %add3A_863 : vector<16xf32>
      %mul3A_865 = arith.mulf %div3A_864, %div3A_864 : vector<16xf32>
      %mul3A_866 = arith.constant 0.222222224 : f32
      %mul3A_867 = vector.broadcast %mul3A_866 : f32 to vector<16xf32>
      %mul3A_868 = arith.mulf %mul3A_865, %mul3A_867 : vector<16xf32>
      %add3A_869 = arith.constant 0.285714298 : f32
      %add3A_870 = vector.broadcast %add3A_869 : f32 to vector<16xf32>
      %add3A_871 = arith.addf %add3A_870, %mul3A_868 : vector<16xf32>
      %mul3A_872 = arith.mulf %mul3A_865, %add3A_871 : vector<16xf32>
      %add3A_873 = arith.constant 4.000000e-01 : f32
      %add3A_874 = vector.broadcast %add3A_873 : f32 to vector<16xf32>
      %add3A_875 = arith.addf %add3A_874, %mul3A_872 : vector<16xf32>
      %mul3A_876 = arith.mulf %mul3A_865, %add3A_875 : vector<16xf32>
      %add3A_877 = arith.constant 0.666666686 : f32
      %add3A_878 = vector.broadcast %add3A_877 : f32 to vector<16xf32>
      %add3A_879 = arith.addf %add3A_878, %mul3A_876 : vector<16xf32>
      %mul3A_880 = arith.mulf %mul3A_865, %add3A_879 : vector<16xf32>
      %add3A_881 = arith.constant 2.000000e+00 : f32
      %add3A_882 = vector.broadcast %add3A_881 : f32 to vector<16xf32>
      %add3A_883 = arith.addf %add3A_882, %mul3A_880 : vector<16xf32>
      %mul3A_884 = arith.mulf %div3A_864, %add3A_883 : vector<16xf32>
      %max3A_885 = arith.constant 0.000000e+00 : f32
      %max3A_886 = vector.broadcast %max3A_885 : f32 to vector<16xf32>
      %max3A_887 = arith.maximumf %select_n3A_849, %max3A_886 : vector<16xf32>
      %add3A_888 = arith.addf %mul3A_884, %max3A_887 : vector<16xf32>
      %add3A_889 = arith.constant 1.000000e+00 : f32
      %add3A_890 = vector.broadcast %add3A_889 : f32 to vector<16xf32>
      %add3A_891 = arith.addf %add3A_890, %exp3A_860 : vector<16xf32>
      %div3A_892 = arith.constant 1.000000e+00 : f32
      %div3A_893 = vector.broadcast %div3A_892 : f32 to vector<16xf32>
      %div3A_894 = arith.divf %div3A_893, %add3A_891 : vector<16xf32>
      %ge3A_895 = arith.constant 0.000000e+00 : f32
      %ge3A_896 = vector.broadcast %ge3A_895 : f32 to vector<16xf32>
      %ge3A_897 = arith.cmpf oge, %neg3A_852, %ge3A_896 : vector<16xf32>
      %mul3A_898 = arith.mulf %exp3A_860, %div3A_894 : vector<16xf32>
      %select_n3A_899 = arith.select %ge3A_897, %mul3A_898, %div3A_894 : vector<16xi1>, vector<16xf32>
      %mul3A_900 = arith.constant 2.500000e-01 : f32
      %mul3A_901 = vector.broadcast %mul3A_900 : f32 to vector<16xf32>
      %mul3A_902 = arith.mulf %mul3A_901, %add3A_888 : vector<16xf32>
      %mul3A_903 = arith.mulf %select_n3A_899, %select_n3A_899 : vector<16xf32>
      %mul3A_904 = arith.mulf %mul3A_902, %mul3A_903 : vector<16xf32>
      %jit3A_905 = arith.constant 0.000000e+00 : f32
      %broadcast_in_dim3A_906 = vector.broadcast %jit3A_905 : f32 to vector<16xf32>
      %select_n3A_907 = arith.select %le3A_855, %mul3A_904, %broadcast_in_dim3A_906 : vector<16xi1>, vector<16xf32>
      %add3A_908 = arith.addf %add3A_828, %select_n3A_907 : vector<16xf32>
      %jit3A_909 = arith.constant 1.000000e+00 : f32
      %jit3A_910 = arith.constant 0.000000e+00 : f32
      %broadcast_in_dim3A_911 = vector.broadcast %jit3A_909 : f32 to vector<16xf32>
      %broadcast_in_dim3A_912 = vector.broadcast %jit3A_910 : f32 to vector<16xf32>
      %select_n3A_913 = arith.select %le3A_855, %broadcast_in_dim3A_911, %broadcast_in_dim3A_912 : vector<16xi1>, vector<16xf32>
      %add3A_914 = arith.addf %add3A_834, %select_n3A_913 : vector<16xf32>
      %get3A_915 = arith.index_cast %scan3A_40 : i32 to index
      %get3A_916 = arith.constant 176 : index
      %get3A_917 = tpu.vector_load %arg5[%get3A_915, %get3A_916] {strides = array<i32>} : memref<16x512xf32, #tpu.memory_space<vmem>>, vector<1x16xf32>,
      %get3A_918 = vector.shape_cast %get3A_917 : vector<1x16xf32> to vector<16xf32>
      %get3A_919 = arith.index_cast %scan3A_40 : i32 to index
      %get3A_920 = arith.constant 176 : index
      %get3A_921 = tpu.vector_load %arg6[%get3A_919, %get3A_920] {strides = array<i32>} : memref<16x512xi32, #tpu.memory_space<vmem>>, vector<1x16xi32>,
      %get3A_922 = vector.shape_cast %get3A_921 : vector<1x16xi32> to vector<16xi32>
      %eq3A_923 = arith.constant 1 : i32
      %eq3A_924 = vector.broadcast %eq3A_923 : i32 to vector<16xi32>
      %eq3A_925 = arith.cmpi eq, %get3A_922, %eq3A_924 : vector<16xi32>
      %neg3A_926 = arith.constant 0.000000e+00 : f32
      %neg3A_927 = vector.broadcast %neg3A_926 : f32 to vector<16xf32>
      %neg3A_928 = arith.subf %neg3A_927, %get3A_918 : vector<16xf32>
      %select_n3A_929 = arith.select %eq3A_925, %neg3A_928, %get3A_918 : vector<16xi1>, vector<16xf32>
      %neg3A_930 = arith.constant 0.000000e+00 : f32
      %neg3A_931 = vector.broadcast %neg3A_930 : f32 to vector<16xf32>
      %neg3A_932 = arith.subf %neg3A_931, %select_n3A_929 : vector<16xf32>
      %le3A_933 = arith.constant 0.847297847 : f32
      %le3A_934 = vector.broadcast %le3A_933 : f32 to vector<16xf32>
      %le3A_935 = arith.cmpf ole, %neg3A_932, %le3A_934 : vector<16xf32>
      %abs3A_936 = math.absf %get3A_918 : vector<16xf32>
      %neg3A_937 = arith.constant 0.000000e+00 : f32
      %neg3A_938 = vector.broadcast %neg3A_937 : f32 to vector<16xf32>
      %neg3A_939 = arith.subf %neg3A_938, %abs3A_936 : vector<16xf32>
      %exp3A_940 = math.exp %neg3A_939 : vector<16xf32>
      %add3A_941 = arith.constant 2.000000e+00 : f32
      %add3A_942 = vector.broadcast %add3A_941 : f32 to vector<16xf32>
      %add3A_943 = arith.addf %add3A_942, %exp3A_940 : vector<16xf32>
      %div3A_944 = arith.divf %exp3A_940, %add3A_943 : vector<16xf32>
      %mul3A_945 = arith.mulf %div3A_944, %div3A_944 : vector<16xf32>
      %mul3A_946 = arith.constant 0.222222224 : f32
      %mul3A_947 = vector.broadcast %mul3A_946 : f32 to vector<16xf32>
      %mul3A_948 = arith.mulf %mul3A_945, %mul3A_947 : vector<16xf32>
      %add3A_949 = arith.constant 0.285714298 : f32
      %add3A_950 = vector.broadcast %add3A_949 : f32 to vector<16xf32>
      %add3A_951 = arith.addf %add3A_950, %mul3A_948 : vector<16xf32>
      %mul3A_952 = arith.mulf %mul3A_945, %add3A_951 : vector<16xf32>
      %add3A_953 = arith.constant 4.000000e-01 : f32
      %add3A_954 = vector.broadcast %add3A_953 : f32 to vector<16xf32>
      %add3A_955 = arith.addf %add3A_954, %mul3A_952 : vector<16xf32>
      %mul3A_956 = arith.mulf %mul3A_945, %add3A_955 : vector<16xf32>
      %add3A_957 = arith.constant 0.666666686 : f32
      %add3A_958 = vector.broadcast %add3A_957 : f32 to vector<16xf32>
      %add3A_959 = arith.addf %add3A_958, %mul3A_956 : vector<16xf32>
      %mul3A_960 = arith.mulf %mul3A_945, %add3A_959 : vector<16xf32>
      %add3A_961 = arith.constant 2.000000e+00 : f32
      %add3A_962 = vector.broadcast %add3A_961 : f32 to vector<16xf32>
      %add3A_963 = arith.addf %add3A_962, %mul3A_960 : vector<16xf32>
      %mul3A_964 = arith.mulf %div3A_944, %add3A_963 : vector<16xf32>
      %max3A_965 = arith.constant 0.000000e+00 : f32
      %max3A_966 = vector.broadcast %max3A_965 : f32 to vector<16xf32>
      %max3A_967 = arith.maximumf %select_n3A_929, %max3A_966 : vector<16xf32>
      %add3A_968 = arith.addf %mul3A_964, %max3A_967 : vector<16xf32>
      %add3A_969 = arith.constant 1.000000e+00 : f32
      %add3A_970 = vector.broadcast %add3A_969 : f32 to vector<16xf32>
      %add3A_971 = arith.addf %add3A_970, %exp3A_940 : vector<16xf32>
      %div3A_972 = arith.constant 1.000000e+00 : f32
      %div3A_973 = vector.broadcast %div3A_972 : f32 to vector<16xf32>
      %div3A_974 = arith.divf %div3A_973, %add3A_971 : vector<16xf32>
      %ge3A_975 = arith.constant 0.000000e+00 : f32
      %ge3A_976 = vector.broadcast %ge3A_975 : f32 to vector<16xf32>
      %ge3A_977 = arith.cmpf oge, %neg3A_932, %ge3A_976 : vector<16xf32>
      %mul3A_978 = arith.mulf %exp3A_940, %div3A_974 : vector<16xf32>
      %select_n3A_979 = arith.select %ge3A_977, %mul3A_978, %div3A_974 : vector<16xi1>, vector<16xf32>
      %mul3A_980 = arith.constant 2.500000e-01 : f32
      %mul3A_981 = vector.broadcast %mul3A_980 : f32 to vector<16xf32>
      %mul3A_982 = arith.mulf %mul3A_981, %add3A_968 : vector<16xf32>
      %mul3A_983 = arith.mulf %select_n3A_979, %select_n3A_979 : vector<16xf32>
      %mul3A_984 = arith.mulf %mul3A_982, %mul3A_983 : vector<16xf32>
      %jit3A_985 = arith.constant 0.000000e+00 : f32
      %broadcast_in_dim3A_986 = vector.broadcast %jit3A_985 : f32 to vector<16xf32>
      %select_n3A_987 = arith.select %le3A_935, %mul3A_984, %broadcast_in_dim3A_986 : vector<16xi1>, vector<16xf32>
      %add3A_988 = arith.addf %add3A_908, %select_n3A_987 : vector<16xf32>
      %jit3A_989 = arith.constant 1.000000e+00 : f32
      %jit3A_990 = arith.constant 0.000000e+00 : f32
      %broadcast_in_dim3A_991 = vector.broadcast %jit3A_989 : f32 to vector<16xf32>
      %broadcast_in_dim3A_992 = vector.broadcast %jit3A_990 : f32 to vector<16xf32>
      %select_n3A_993 = arith.select %le3A_935, %broadcast_in_dim3A_991, %broadcast_in_dim3A_992 : vector<16xi1>, vector<16xf32>
      %add3A_994 = arith.addf %add3A_914, %select_n3A_993 : vector<16xf32>
      %get3A_995 = arith.index_cast %scan3A_40 : i32 to index
      %get3A_996 = arith.constant 192 : index
      %get3A_997 = tpu.vector_load %arg5[%get3A_995, %get3A_996] {strides = array<i32>} : memref<16x512xf32, #tpu.memory_space<vmem>>, vector<1x16xf32>,
      %get3A_998 = vector.shape_cast %get3A_997 : vector<1x16xf32> to vector<16xf32>
      %get3A_999 = arith.index_cast %scan3A_40 : i32 to index
      %get3A_1000 = arith.constant 192 : index
      %get3A_1001 = tpu.vector_load %arg6[%get3A_999, %get3A_1000] {strides = array<i32>} : memref<16x512xi32, #tpu.memory_space<vmem>>, vector<1x16xi32>,
      %get3A_1002 = vector.shape_cast %get3A_1001 : vector<1x16xi32> to vector<16xi32>
      %eq3A_1003 = arith.constant 1 : i32
      %eq3A_1004 = vector.broadcast %eq3A_1003 : i32 to vector<16xi32>
      %eq3A_1005 = arith.cmpi eq, %get3A_1002, %eq3A_1004 : vector<16xi32>
      %neg3A_1006 = arith.constant 0.000000e+00 : f32
      %neg3A_1007 = vector.broadcast %neg3A_1006 : f32 to vector<16xf32>
      %neg3A_1008 = arith.subf %neg3A_1007, %get3A_998 : vector<16xf32>
      %select_n3A_1009 = arith.select %eq3A_1005, %neg3A_1008, %get3A_998 : vector<16xi1>, vector<16xf32>
      %neg3A_1010 = arith.constant 0.000000e+00 : f32
      %neg3A_1011 = vector.broadcast %neg3A_1010 : f32 to vector<16xf32>
      %neg3A_1012 = arith.subf %neg3A_1011, %select_n3A_1009 : vector<16xf32>
      %le3A_1013 = arith.constant 0.847297847 : f32
      %le3A_1014 = vector.broadcast %le3A_1013 : f32 to vector<16xf32>
      %le3A_1015 = arith.cmpf ole, %neg3A_1012, %le3A_1014 : vector<16xf32>
      %abs3A_1016 = math.absf %get3A_998 : vector<16xf32>
      %neg3A_1017 = arith.constant 0.000000e+00 : f32
      %neg3A_1018 = vector.broadcast %neg3A_1017 : f32 to vector<16xf32>
      %neg3A_1019 = arith.subf %neg3A_1018, %abs3A_1016 : vector<16xf32>
      %exp3A_1020 = math.exp %neg3A_1019 : vector<16xf32>
      %add3A_1021 = arith.constant 2.000000e+00 : f32
      %add3A_1022 = vector.broadcast %add3A_1021 : f32 to vector<16xf32>
      %add3A_1023 = arith.addf %add3A_1022, %exp3A_1020 : vector<16xf32>
      %div3A_1024 = arith.divf %exp3A_1020, %add3A_1023 : vector<16xf32>
      %mul3A_1025 = arith.mulf %div3A_1024, %div3A_1024 : vector<16xf32>
      %mul3A_1026 = arith.constant 0.222222224 : f32
      %mul3A_1027 = vector.broadcast %mul3A_1026 : f32 to vector<16xf32>
      %mul3A_1028 = arith.mulf %mul3A_1025, %mul3A_1027 : vector<16xf32>
      %add3A_1029 = arith.constant 0.285714298 : f32
      %add3A_1030 = vector.broadcast %add3A_1029 : f32 to vector<16xf32>
      %add3A_1031 = arith.addf %add3A_1030, %mul3A_1028 : vector<16xf32>
      %mul3A_1032 = arith.mulf %mul3A_1025, %add3A_1031 : vector<16xf32>
      %add3A_1033 = arith.constant 4.000000e-01 : f32
      %add3A_1034 = vector.broadcast %add3A_1033 : f32 to vector<16xf32>
      %add3A_1035 = arith.addf %add3A_1034, %mul3A_1032 : vector<16xf32>
      %mul3A_1036 = arith.mulf %mul3A_1025, %add3A_1035 : vector<16xf32>
      %add3A_1037 = arith.constant 0.666666686 : f32
      %add3A_1038 = vector.broadcast %add3A_1037 : f32 to vector<16xf32>
      %add3A_1039 = arith.addf %add3A_1038, %mul3A_1036 : vector<16xf32>
      %mul3A_1040 = arith.mulf %mul3A_1025, %add3A_1039 : vector<16xf32>
      %add3A_1041 = arith.constant 2.000000e+00 : f32
      %add3A_1042 = vector.broadcast %add3A_1041 : f32 to vector<16xf32>
      %add3A_1043 = arith.addf %add3A_1042, %mul3A_1040 : vector<16xf32>
      %mul3A_1044 = arith.mulf %div3A_1024, %add3A_1043 : vector<16xf32>
      %max3A_1045 = arith.constant 0.000000e+00 : f32
      %max3A_1046 = vector.broadcast %max3A_1045 : f32 to vector<16xf32>
      %max3A_1047 = arith.maximumf %select_n3A_1009, %max3A_1046 : vector<16xf32>
      %add3A_1048 = arith.addf %mul3A_1044, %max3A_1047 : vector<16xf32>
      %add3A_1049 = arith.constant 1.000000e+00 : f32
      %add3A_1050 = vector.broadcast %add3A_1049 : f32 to vector<16xf32>
      %add3A_1051 = arith.addf %add3A_1050, %exp3A_1020 : vector<16xf32>
      %div3A_1052 = arith.constant 1.000000e+00 : f32
      %div3A_1053 = vector.broadcast %div3A_1052 : f32 to vector<16xf32>
      %div3A_1054 = arith.divf %div3A_1053, %add3A_1051 : vector<16xf32>
      %ge3A_1055 = arith.constant 0.000000e+00 : f32
      %ge3A_1056 = vector.broadcast %ge3A_1055 : f32 to vector<16xf32>
      %ge3A_1057 = arith.cmpf oge, %neg3A_1012, %ge3A_1056 : vector<16xf32>
      %mul3A_1058 = arith.mulf %exp3A_1020, %div3A_1054 : vector<16xf32>
      %select_n3A_1059 = arith.select %ge3A_1057, %mul3A_1058, %div3A_1054 : vector<16xi1>, vector<16xf32>
      %mul3A_1060 = arith.constant 2.500000e-01 : f32
      %mul3A_1061 = vector.broadcast %mul3A_1060 : f32 to vector<16xf32>
      %mul3A_1062 = arith.mulf %mul3A_1061, %add3A_1048 : vector<16xf32>
      %mul3A_1063 = arith.mulf %select_n3A_1059, %select_n3A_1059 : vector<16xf32>
      %mul3A_1064 = arith.mulf %mul3A_1062, %mul3A_1063 : vector<16xf32>
      %jit3A_1065 = arith.constant 0.000000e+00 : f32
      %broadcast_in_dim3A_1066 = vector.broadcast %jit3A_1065 : f32 to vector<16xf32>
      %select_n3A_1067 = arith.select %le3A_1015, %mul3A_1064, %broadcast_in_dim3A_1066 : vector<16xi1>, vector<16xf32>
      %add3A_1068 = arith.addf %add3A_988, %select_n3A_1067 : vector<16xf32>
      %jit3A_1069 = arith.constant 1.000000e+00 : f32
      %jit3A_1070 = arith.constant 0.000000e+00 : f32
      %broadcast_in_dim3A_1071 = vector.broadcast %jit3A_1069 : f32 to vector<16xf32>
      %broadcast_in_dim3A_1072 = vector.broadcast %jit3A_1070 : f32 to vector<16xf32>
      %select_n3A_1073 = arith.select %le3A_1015, %broadcast_in_dim3A_1071, %broadcast_in_dim3A_1072 : vector<16xi1>, vector<16xf32>
      %add3A_1074 = arith.addf %add3A_994, %select_n3A_1073 : vector<16xf32>
      %get3A_1075 = arith.index_cast %scan3A_40 : i32 to index
      %get3A_1076 = arith.constant 208 : index
      %get3A_1077 = tpu.vector_load %arg5[%get3A_1075, %get3A_1076] {strides = array<i32>} : memref<16x512xf32, #tpu.memory_space<vmem>>, vector<1x16xf32>,
      %get3A_1078 = vector.shape_cast %get3A_1077 : vector<1x16xf32> to vector<16xf32>
      %get3A_1079 = arith.index_cast %scan3A_40 : i32 to index
      %get3A_1080 = arith.constant 208 : index
      %get3A_1081 = tpu.vector_load %arg6[%get3A_1079, %get3A_1080] {strides = array<i32>} : memref<16x512xi32, #tpu.memory_space<vmem>>, vector<1x16xi32>,
      %get3A_1082 = vector.shape_cast %get3A_1081 : vector<1x16xi32> to vector<16xi32>
      %eq3A_1083 = arith.constant 1 : i32
      %eq3A_1084 = vector.broadcast %eq3A_1083 : i32 to vector<16xi32>
      %eq3A_1085 = arith.cmpi eq, %get3A_1082, %eq3A_1084 : vector<16xi32>
      %neg3A_1086 = arith.constant 0.000000e+00 : f32
      %neg3A_1087 = vector.broadcast %neg3A_1086 : f32 to vector<16xf32>
      %neg3A_1088 = arith.subf %neg3A_1087, %get3A_1078 : vector<16xf32>
      %select_n3A_1089 = arith.select %eq3A_1085, %neg3A_1088, %get3A_1078 : vector<16xi1>, vector<16xf32>
      %neg3A_1090 = arith.constant 0.000000e+00 : f32
      %neg3A_1091 = vector.broadcast %neg3A_1090 : f32 to vector<16xf32>
      %neg3A_1092 = arith.subf %neg3A_1091, %select_n3A_1089 : vector<16xf32>
      %le3A_1093 = arith.constant 0.847297847 : f32
      %le3A_1094 = vector.broadcast %le3A_1093 : f32 to vector<16xf32>
      %le3A_1095 = arith.cmpf ole, %neg3A_1092, %le3A_1094 : vector<16xf32>
      %abs3A_1096 = math.absf %get3A_1078 : vector<16xf32>
      %neg3A_1097 = arith.constant 0.000000e+00 : f32
      %neg3A_1098 = vector.broadcast %neg3A_1097 : f32 to vector<16xf32>
      %neg3A_1099 = arith.subf %neg3A_1098, %abs3A_1096 : vector<16xf32>
      %exp3A_1100 = math.exp %neg3A_1099 : vector<16xf32>
      %add3A_1101 = arith.constant 2.000000e+00 : f32
      %add3A_1102 = vector.broadcast %add3A_1101 : f32 to vector<16xf32>
      %add3A_1103 = arith.addf %add3A_1102, %exp3A_1100 : vector<16xf32>
      %div3A_1104 = arith.divf %exp3A_1100, %add3A_1103 : vector<16xf32>
      %mul3A_1105 = arith.mulf %div3A_1104, %div3A_1104 : vector<16xf32>
      %mul3A_1106 = arith.constant 0.222222224 : f32
      %mul3A_1107 = vector.broadcast %mul3A_1106 : f32 to vector<16xf32>
      %mul3A_1108 = arith.mulf %mul3A_1105, %mul3A_1107 : vector<16xf32>
      %add3A_1109 = arith.constant 0.285714298 : f32
      %add3A_1110 = vector.broadcast %add3A_1109 : f32 to vector<16xf32>
      %add3A_1111 = arith.addf %add3A_1110, %mul3A_1108 : vector<16xf32>
      %mul3A_1112 = arith.mulf %mul3A_1105, %add3A_1111 : vector<16xf32>
      %add3A_1113 = arith.constant 4.000000e-01 : f32
      %add3A_1114 = vector.broadcast %add3A_1113 : f32 to vector<16xf32>
      %add3A_1115 = arith.addf %add3A_1114, %mul3A_1112 : vector<16xf32>
      %mul3A_1116 = arith.mulf %mul3A_1105, %add3A_1115 : vector<16xf32>
      %add3A_1117 = arith.constant 0.666666686 : f32
      %add3A_1118 = vector.broadcast %add3A_1117 : f32 to vector<16xf32>
      %add3A_1119 = arith.addf %add3A_1118, %mul3A_1116 : vector<16xf32>
      %mul3A_1120 = arith.mulf %mul3A_1105, %add3A_1119 : vector<16xf32>
      %add3A_1121 = arith.constant 2.000000e+00 : f32
      %add3A_1122 = vector.broadcast %add3A_1121 : f32 to vector<16xf32>
      %add3A_1123 = arith.addf %add3A_1122, %mul3A_1120 : vector<16xf32>
      %mul3A_1124 = arith.mulf %div3A_1104, %add3A_1123 : vector<16xf32>
      %max3A_1125 = arith.constant 0.000000e+00 : f32
      %max3A_1126 = vector.broadcast %max3A_1125 : f32 to vector<16xf32>
      %max3A_1127 = arith.maximumf %select_n3A_1089, %max3A_1126 : vector<16xf32>
      %add3A_1128 = arith.addf %mul3A_1124, %max3A_1127 : vector<16xf32>
      %add3A_1129 = arith.constant 1.000000e+00 : f32
      %add3A_1130 = vector.broadcast %add3A_1129 : f32 to vector<16xf32>
      %add3A_1131 = arith.addf %add3A_1130, %exp3A_1100 : vector<16xf32>
      %div3A_1132 = arith.constant 1.000000e+00 : f32
      %div3A_1133 = vector.broadcast %div3A_1132 : f32 to vector<16xf32>
      %div3A_1134 = arith.divf %div3A_1133, %add3A_1131 : vector<16xf32>
      %ge3A_1135 = arith.constant 0.000000e+00 : f32
      %ge3A_1136 = vector.broadcast %ge3A_1135 : f32 to vector<16xf32>
      %ge3A_1137 = arith.cmpf oge, %neg3A_1092, %ge3A_1136 : vector<16xf32>
      %mul3A_1138 = arith.mulf %exp3A_1100, %div3A_1134 : vector<16xf32>
      %select_n3A_1139 = arith.select %ge3A_1137, %mul3A_1138, %div3A_1134 : vector<16xi1>, vector<16xf32>
      %mul3A_1140 = arith.constant 2.500000e-01 : f32
      %mul3A_1141 = vector.broadcast %mul3A_1140 : f32 to vector<16xf32>
      %mul3A_1142 = arith.mulf %mul3A_1141, %add3A_1128 : vector<16xf32>
      %mul3A_1143 = arith.mulf %select_n3A_1139, %select_n3A_1139 : vector<16xf32>
      %mul3A_1144 = arith.mulf %mul3A_1142, %mul3A_1143 : vector<16xf32>
      %jit3A_1145 = arith.constant 0.000000e+00 : f32
      %broadcast_in_dim3A_1146 = vector.broadcast %jit3A_1145 : f32 to vector<16xf32>
      %select_n3A_1147 = arith.select %le3A_1095, %mul3A_1144, %broadcast_in_dim3A_1146 : vector<16xi1>, vector<16xf32>
      %add3A_1148 = arith.addf %add3A_1068, %select_n3A_1147 : vector<16xf32>
      %jit3A_1149 = arith.constant 1.000000e+00 : f32
      %jit3A_1150 = arith.constant 0.000000e+00 : f32
      %broadcast_in_dim3A_1151 = vector.broadcast %jit3A_1149 : f32 to vector<16xf32>
      %broadcast_in_dim3A_1152 = vector.broadcast %jit3A_1150 : f32 to vector<16xf32>
      %select_n3A_1153 = arith.select %le3A_1095, %broadcast_in_dim3A_1151, %broadcast_in_dim3A_1152 : vector<16xi1>, vector<16xf32>
      %add3A_1154 = arith.addf %add3A_1074, %select_n3A_1153 : vector<16xf32>
      %get3A_1155 = arith.index_cast %scan3A_40 : i32 to index
      %get3A_1156 = arith.constant 224 : index
      %get3A_1157 = tpu.vector_load %arg5[%get3A_1155, %get3A_1156] {strides = array<i32>} : memref<16x512xf32, #tpu.memory_space<vmem>>, vector<1x16xf32>,
      %get3A_1158 = vector.shape_cast %get3A_1157 : vector<1x16xf32> to vector<16xf32>
      %get3A_1159 = arith.index_cast %scan3A_40 : i32 to index
      %get3A_1160 = arith.constant 224 : index
      %get3A_1161 = tpu.vector_load %arg6[%get3A_1159, %get3A_1160] {strides = array<i32>} : memref<16x512xi32, #tpu.memory_space<vmem>>, vector<1x16xi32>,
      %get3A_1162 = vector.shape_cast %get3A_1161 : vector<1x16xi32> to vector<16xi32>
      %eq3A_1163 = arith.constant 1 : i32
      %eq3A_1164 = vector.broadcast %eq3A_1163 : i32 to vector<16xi32>
      %eq3A_1165 = arith.cmpi eq, %get3A_1162, %eq3A_1164 : vector<16xi32>
      %neg3A_1166 = arith.constant 0.000000e+00 : f32
      %neg3A_1167 = vector.broadcast %neg3A_1166 : f32 to vector<16xf32>
      %neg3A_1168 = arith.subf %neg3A_1167, %get3A_1158 : vector<16xf32>
      %select_n3A_1169 = arith.select %eq3A_1165, %neg3A_1168, %get3A_1158 : vector<16xi1>, vector<16xf32>
      %neg3A_1170 = arith.constant 0.000000e+00 : f32
      %neg3A_1171 = vector.broadcast %neg3A_1170 : f32 to vector<16xf32>
      %neg3A_1172 = arith.subf %neg3A_1171, %select_n3A_1169 : vector<16xf32>
      %le3A_1173 = arith.constant 0.847297847 : f32
      %le3A_1174 = vector.broadcast %le3A_1173 : f32 to vector<16xf32>
      %le3A_1175 = arith.cmpf ole, %neg3A_1172, %le3A_1174 : vector<16xf32>
      %abs3A_1176 = math.absf %get3A_1158 : vector<16xf32>
      %neg3A_1177 = arith.constant 0.000000e+00 : f32
      %neg3A_1178 = vector.broadcast %neg3A_1177 : f32 to vector<16xf32>
      %neg3A_1179 = arith.subf %neg3A_1178, %abs3A_1176 : vector<16xf32>
      %exp3A_1180 = math.exp %neg3A_1179 : vector<16xf32>
      %add3A_1181 = arith.constant 2.000000e+00 : f32
      %add3A_1182 = vector.broadcast %add3A_1181 : f32 to vector<16xf32>
      %add3A_1183 = arith.addf %add3A_1182, %exp3A_1180 : vector<16xf32>
      %div3A_1184 = arith.divf %exp3A_1180, %add3A_1183 : vector<16xf32>
      %mul3A_1185 = arith.mulf %div3A_1184, %div3A_1184 : vector<16xf32>
      %mul3A_1186 = arith.constant 0.222222224 : f32
      %mul3A_1187 = vector.broadcast %mul3A_1186 : f32 to vector<16xf32>
      %mul3A_1188 = arith.mulf %mul3A_1185, %mul3A_1187 : vector<16xf32>
      %add3A_1189 = arith.constant 0.285714298 : f32
      %add3A_1190 = vector.broadcast %add3A_1189 : f32 to vector<16xf32>
      %add3A_1191 = arith.addf %add3A_1190, %mul3A_1188 : vector<16xf32>
      %mul3A_1192 = arith.mulf %mul3A_1185, %add3A_1191 : vector<16xf32>
      %add3A_1193 = arith.constant 4.000000e-01 : f32
      %add3A_1194 = vector.broadcast %add3A_1193 : f32 to vector<16xf32>
      %add3A_1195 = arith.addf %add3A_1194, %mul3A_1192 : vector<16xf32>
      %mul3A_1196 = arith.mulf %mul3A_1185, %add3A_1195 : vector<16xf32>
      %add3A_1197 = arith.constant 0.666666686 : f32
      %add3A_1198 = vector.broadcast %add3A_1197 : f32 to vector<16xf32>
      %add3A_1199 = arith.addf %add3A_1198, %mul3A_1196 : vector<16xf32>
      %mul3A_1200 = arith.mulf %mul3A_1185, %add3A_1199 : vector<16xf32>
      %add3A_1201 = arith.constant 2.000000e+00 : f32
      %add3A_1202 = vector.broadcast %add3A_1201 : f32 to vector<16xf32>
      %add3A_1203 = arith.addf %add3A_1202, %mul3A_1200 : vector<16xf32>
      %mul3A_1204 = arith.mulf %div3A_1184, %add3A_1203 : vector<16xf32>
      %max3A_1205 = arith.constant 0.000000e+00 : f32
      %max3A_1206 = vector.broadcast %max3A_1205 : f32 to vector<16xf32>
      %max3A_1207 = arith.maximumf %select_n3A_1169, %max3A_1206 : vector<16xf32>
      %add3A_1208 = arith.addf %mul3A_1204, %max3A_1207 : vector<16xf32>
      %add3A_1209 = arith.constant 1.000000e+00 : f32
      %add3A_1210 = vector.broadcast %add3A_1209 : f32 to vector<16xf32>
      %add3A_1211 = arith.addf %add3A_1210, %exp3A_1180 : vector<16xf32>
      %div3A_1212 = arith.constant 1.000000e+00 : f32
      %div3A_1213 = vector.broadcast %div3A_1212 : f32 to vector<16xf32>
      %div3A_1214 = arith.divf %div3A_1213, %add3A_1211 : vector<16xf32>
      %ge3A_1215 = arith.constant 0.000000e+00 : f32
      %ge3A_1216 = vector.broadcast %ge3A_1215 : f32 to vector<16xf32>
      %ge3A_1217 = arith.cmpf oge, %neg3A_1172, %ge3A_1216 : vector<16xf32>
      %mul3A_1218 = arith.mulf %exp3A_1180, %div3A_1214 : vector<16xf32>
      %select_n3A_1219 = arith.select %ge3A_1217, %mul3A_1218, %div3A_1214 : vector<16xi1>, vector<16xf32>
      %mul3A_1220 = arith.constant 2.500000e-01 : f32
      %mul3A_1221 = vector.broadcast %mul3A_1220 : f32 to vector<16xf32>
      %mul3A_1222 = arith.mulf %mul3A_1221, %add3A_1208 : vector<16xf32>
      %mul3A_1223 = arith.mulf %select_n3A_1219, %select_n3A_1219 : vector<16xf32>
      %mul3A_1224 = arith.mulf %mul3A_1222, %mul3A_1223 : vector<16xf32>
      %jit3A_1225 = arith.constant 0.000000e+00 : f32
      %broadcast_in_dim3A_1226 = vector.broadcast %jit3A_1225 : f32 to vector<16xf32>
      %select_n3A_1227 = arith.select %le3A_1175, %mul3A_1224, %broadcast_in_dim3A_1226 : vector<16xi1>, vector<16xf32>
      %add3A_1228 = arith.addf %add3A_1148, %select_n3A_1227 : vector<16xf32>
      %jit3A_1229 = arith.constant 1.000000e+00 : f32
      %jit3A_1230 = arith.constant 0.000000e+00 : f32
      %broadcast_in_dim3A_1231 = vector.broadcast %jit3A_1229 : f32 to vector<16xf32>
      %broadcast_in_dim3A_1232 = vector.broadcast %jit3A_1230 : f32 to vector<16xf32>
      %select_n3A_1233 = arith.select %le3A_1175, %broadcast_in_dim3A_1231, %broadcast_in_dim3A_1232 : vector<16xi1>, vector<16xf32>
      %add3A_1234 = arith.addf %add3A_1154, %select_n3A_1233 : vector<16xf32>
      %get3A_1235 = arith.index_cast %scan3A_40 : i32 to index
      %get3A_1236 = arith.constant 240 : index
      %get3A_1237 = tpu.vector_load %arg5[%get3A_1235, %get3A_1236] {strides = array<i32>} : memref<16x512xf32, #tpu.memory_space<vmem>>, vector<1x16xf32>,
      %get3A_1238 = vector.shape_cast %get3A_1237 : vector<1x16xf32> to vector<16xf32>
      %get3A_1239 = arith.index_cast %scan3A_40 : i32 to index
      %get3A_1240 = arith.constant 240 : index
      %get3A_1241 = tpu.vector_load %arg6[%get3A_1239, %get3A_1240] {strides = array<i32>} : memref<16x512xi32, #tpu.memory_space<vmem>>, vector<1x16xi32>,
      %get3A_1242 = vector.shape_cast %get3A_1241 : vector<1x16xi32> to vector<16xi32>
      %eq3A_1243 = arith.constant 1 : i32
      %eq3A_1244 = vector.broadcast %eq3A_1243 : i32 to vector<16xi32>
      %eq3A_1245 = arith.cmpi eq, %get3A_1242, %eq3A_1244 : vector<16xi32>
      %neg3A_1246 = arith.constant 0.000000e+00 : f32
      %neg3A_1247 = vector.broadcast %neg3A_1246 : f32 to vector<16xf32>
      %neg3A_1248 = arith.subf %neg3A_1247, %get3A_1238 : vector<16xf32>
      %select_n3A_1249 = arith.select %eq3A_1245, %neg3A_1248, %get3A_1238 : vector<16xi1>, vector<16xf32>
      %neg3A_1250 = arith.constant 0.000000e+00 : f32
      %neg3A_1251 = vector.broadcast %neg3A_1250 : f32 to vector<16xf32>
      %neg3A_1252 = arith.subf %neg3A_1251, %select_n3A_1249 : vector<16xf32>
      %le3A_1253 = arith.constant 0.847297847 : f32
      %le3A_1254 = vector.broadcast %le3A_1253 : f32 to vector<16xf32>
      %le3A_1255 = arith.cmpf ole, %neg3A_1252, %le3A_1254 : vector<16xf32>
      %abs3A_1256 = math.absf %get3A_1238 : vector<16xf32>
      %neg3A_1257 = arith.constant 0.000000e+00 : f32
      %neg3A_1258 = vector.broadcast %neg3A_1257 : f32 to vector<16xf32>
      %neg3A_1259 = arith.subf %neg3A_1258, %abs3A_1256 : vector<16xf32>
      %exp3A_1260 = math.exp %neg3A_1259 : vector<16xf32>
      %add3A_1261 = arith.constant 2.000000e+00 : f32
      %add3A_1262 = vector.broadcast %add3A_1261 : f32 to vector<16xf32>
      %add3A_1263 = arith.addf %add3A_1262, %exp3A_1260 : vector<16xf32>
      %div3A_1264 = arith.divf %exp3A_1260, %add3A_1263 : vector<16xf32>
      %mul3A_1265 = arith.mulf %div3A_1264, %div3A_1264 : vector<16xf32>
      %mul3A_1266 = arith.constant 0.222222224 : f32
      %mul3A_1267 = vector.broadcast %mul3A_1266 : f32 to vector<16xf32>
      %mul3A_1268 = arith.mulf %mul3A_1265, %mul3A_1267 : vector<16xf32>
      %add3A_1269 = arith.constant 0.285714298 : f32
      %add3A_1270 = vector.broadcast %add3A_1269 : f32 to vector<16xf32>
      %add3A_1271 = arith.addf %add3A_1270, %mul3A_1268 : vector<16xf32>
      %mul3A_1272 = arith.mulf %mul3A_1265, %add3A_1271 : vector<16xf32>
      %add3A_1273 = arith.constant 4.000000e-01 : f32
      %add3A_1274 = vector.broadcast %add3A_1273 : f32 to vector<16xf32>
      %add3A_1275 = arith.addf %add3A_1274, %mul3A_1272 : vector<16xf32>
      %mul3A_1276 = arith.mulf %mul3A_1265, %add3A_1275 : vector<16xf32>
      %add3A_1277 = arith.constant 0.666666686 : f32
      %add3A_1278 = vector.broadcast %add3A_1277 : f32 to vector<16xf32>
      %add3A_1279 = arith.addf %add3A_1278, %mul3A_1276 : vector<16xf32>
      %mul3A_1280 = arith.mulf %mul3A_1265, %add3A_1279 : vector<16xf32>
      %add3A_1281 = arith.constant 2.000000e+00 : f32
      %add3A_1282 = vector.broadcast %add3A_1281 : f32 to vector<16xf32>
      %add3A_1283 = arith.addf %add3A_1282, %mul3A_1280 : vector<16xf32>
      %mul3A_1284 = arith.mulf %div3A_1264, %add3A_1283 : vector<16xf32>
      %max3A_1285 = arith.constant 0.000000e+00 : f32
      %max3A_1286 = vector.broadcast %max3A_1285 : f32 to vector<16xf32>
      %max3A_1287 = arith.maximumf %select_n3A_1249, %max3A_1286 : vector<16xf32>
      %add3A_1288 = arith.addf %mul3A_1284, %max3A_1287 : vector<16xf32>
      %add3A_1289 = arith.constant 1.000000e+00 : f32
      %add3A_1290 = vector.broadcast %add3A_1289 : f32 to vector<16xf32>
      %add3A_1291 = arith.addf %add3A_1290, %exp3A_1260 : vector<16xf32>
      %div3A_1292 = arith.constant 1.000000e+00 : f32
      %div3A_1293 = vector.broadcast %div3A_1292 : f32 to vector<16xf32>
      %div3A_1294 = arith.divf %div3A_1293, %add3A_1291 : vector<16xf32>
      %ge3A_1295 = arith.constant 0.000000e+00 : f32
      %ge3A_1296 = vector.broadcast %ge3A_1295 : f32 to vector<16xf32>
      %ge3A_1297 = arith.cmpf oge, %neg3A_1252, %ge3A_1296 : vector<16xf32>
      %mul3A_1298 = arith.mulf %exp3A_1260, %div3A_1294 : vector<16xf32>
      %select_n3A_1299 = arith.select %ge3A_1297, %mul3A_1298, %div3A_1294 : vector<16xi1>, vector<16xf32>
      %mul3A_1300 = arith.constant 2.500000e-01 : f32
      %mul3A_1301 = vector.broadcast %mul3A_1300 : f32 to vector<16xf32>
      %mul3A_1302 = arith.mulf %mul3A_1301, %add3A_1288 : vector<16xf32>
      %mul3A_1303 = arith.mulf %select_n3A_1299, %select_n3A_1299 : vector<16xf32>
      %mul3A_1304 = arith.mulf %mul3A_1302, %mul3A_1303 : vector<16xf32>
      %jit3A_1305 = arith.constant 0.000000e+00 : f32
      %broadcast_in_dim3A_1306 = vector.broadcast %jit3A_1305 : f32 to vector<16xf32>
      %select_n3A_1307 = arith.select %le3A_1255, %mul3A_1304, %broadcast_in_dim3A_1306 : vector<16xi1>, vector<16xf32>
      %add3A_1308 = arith.addf %add3A_1228, %select_n3A_1307 : vector<16xf32>
      %jit3A_1309 = arith.constant 1.000000e+00 : f32
      %jit3A_1310 = arith.constant 0.000000e+00 : f32
      %broadcast_in_dim3A_1311 = vector.broadcast %jit3A_1309 : f32 to vector<16xf32>
      %broadcast_in_dim3A_1312 = vector.broadcast %jit3A_1310 : f32 to vector<16xf32>
      %select_n3A_1313 = arith.select %le3A_1255, %broadcast_in_dim3A_1311, %broadcast_in_dim3A_1312 : vector<16xi1>, vector<16xf32>
      %add3A_1314 = arith.addf %add3A_1234, %select_n3A_1313 : vector<16xf32>
      %get3A_1315 = arith.index_cast %scan3A_40 : i32 to index
      %get3A_1316 = arith.constant 256 : index
      %get3A_1317 = tpu.vector_load %arg5[%get3A_1315, %get3A_1316] {strides = array<i32>} : memref<16x512xf32, #tpu.memory_space<vmem>>, vector<1x16xf32>,
      %get3A_1318 = vector.shape_cast %get3A_1317 : vector<1x16xf32> to vector<16xf32>
      %get3A_1319 = arith.index_cast %scan3A_40 : i32 to index
      %get3A_1320 = arith.constant 256 : index
      %get3A_1321 = tpu.vector_load %arg6[%get3A_1319, %get3A_1320] {strides = array<i32>} : memref<16x512xi32, #tpu.memory_space<vmem>>, vector<1x16xi32>,
      %get3A_1322 = vector.shape_cast %get3A_1321 : vector<1x16xi32> to vector<16xi32>
      %eq3A_1323 = arith.constant 1 : i32
      %eq3A_1324 = vector.broadcast %eq3A_1323 : i32 to vector<16xi32>
      %eq3A_1325 = arith.cmpi eq, %get3A_1322, %eq3A_1324 : vector<16xi32>
      %neg3A_1326 = arith.constant 0.000000e+00 : f32
      %neg3A_1327 = vector.broadcast %neg3A_1326 : f32 to vector<16xf32>
      %neg3A_1328 = arith.subf %neg3A_1327, %get3A_1318 : vector<16xf32>
      %select_n3A_1329 = arith.select %eq3A_1325, %neg3A_1328, %get3A_1318 : vector<16xi1>, vector<16xf32>
      %neg3A_1330 = arith.constant 0.000000e+00 : f32
      %neg3A_1331 = vector.broadcast %neg3A_1330 : f32 to vector<16xf32>
      %neg3A_1332 = arith.subf %neg3A_1331, %select_n3A_1329 : vector<16xf32>
      %le3A_1333 = arith.constant 0.847297847 : f32
      %le3A_1334 = vector.broadcast %le3A_1333 : f32 to vector<16xf32>
      %le3A_1335 = arith.cmpf ole, %neg3A_1332, %le3A_1334 : vector<16xf32>
      %abs3A_1336 = math.absf %get3A_1318 : vector<16xf32>
      %neg3A_1337 = arith.constant 0.000000e+00 : f32
      %neg3A_1338 = vector.broadcast %neg3A_1337 : f32 to vector<16xf32>
      %neg3A_1339 = arith.subf %neg3A_1338, %abs3A_1336 : vector<16xf32>
      %exp3A_1340 = math.exp %neg3A_1339 : vector<16xf32>
      %add3A_1341 = arith.constant 2.000000e+00 : f32
      %add3A_1342 = vector.broadcast %add3A_1341 : f32 to vector<16xf32>
      %add3A_1343 = arith.addf %add3A_1342, %exp3A_1340 : vector<16xf32>
      %div3A_1344 = arith.divf %exp3A_1340, %add3A_1343 : vector<16xf32>
      %mul3A_1345 = arith.mulf %div3A_1344, %div3A_1344 : vector<16xf32>
      %mul3A_1346 = arith.constant 0.222222224 : f32
      %mul3A_1347 = vector.broadcast %mul3A_1346 : f32 to vector<16xf32>
      %mul3A_1348 = arith.mulf %mul3A_1345, %mul3A_1347 : vector<16xf32>
      %add3A_1349 = arith.constant 0.285714298 : f32
      %add3A_1350 = vector.broadcast %add3A_1349 : f32 to vector<16xf32>
      %add3A_1351 = arith.addf %add3A_1350, %mul3A_1348 : vector<16xf32>
      %mul3A_1352 = arith.mulf %mul3A_1345, %add3A_1351 : vector<16xf32>
      %add3A_1353 = arith.constant 4.000000e-01 : f32
      %add3A_1354 = vector.broadcast %add3A_1353 : f32 to vector<16xf32>
      %add3A_1355 = arith.addf %add3A_1354, %mul3A_1352 : vector<16xf32>
      %mul3A_1356 = arith.mulf %mul3A_1345, %add3A_1355 : vector<16xf32>
      %add3A_1357 = arith.constant 0.666666686 : f32
      %add3A_1358 = vector.broadcast %add3A_1357 : f32 to vector<16xf32>
      %add3A_1359 = arith.addf %add3A_1358, %mul3A_1356 : vector<16xf32>
      %mul3A_1360 = arith.mulf %mul3A_1345, %add3A_1359 : vector<16xf32>
      %add3A_1361 = arith.constant 2.000000e+00 : f32
      %add3A_1362 = vector.broadcast %add3A_1361 : f32 to vector<16xf32>
      %add3A_1363 = arith.addf %add3A_1362, %mul3A_1360 : vector<16xf32>
      %mul3A_1364 = arith.mulf %div3A_1344, %add3A_1363 : vector<16xf32>
      %max3A_1365 = arith.constant 0.000000e+00 : f32
      %max3A_1366 = vector.broadcast %max3A_1365 : f32 to vector<16xf32>
      %max3A_1367 = arith.maximumf %select_n3A_1329, %max3A_1366 : vector<16xf32>
      %add3A_1368 = arith.addf %mul3A_1364, %max3A_1367 : vector<16xf32>
      %add3A_1369 = arith.constant 1.000000e+00 : f32
      %add3A_1370 = vector.broadcast %add3A_1369 : f32 to vector<16xf32>
      %add3A_1371 = arith.addf %add3A_1370, %exp3A_1340 : vector<16xf32>
      %div3A_1372 = arith.constant 1.000000e+00 : f32
      %div3A_1373 = vector.broadcast %div3A_1372 : f32 to vector<16xf32>
      %div3A_1374 = arith.divf %div3A_1373, %add3A_1371 : vector<16xf32>
      %ge3A_1375 = arith.constant 0.000000e+00 : f32
      %ge3A_1376 = vector.broadcast %ge3A_1375 : f32 to vector<16xf32>
      %ge3A_1377 = arith.cmpf oge, %neg3A_1332, %ge3A_1376 : vector<16xf32>
      %mul3A_1378 = arith.mulf %exp3A_1340, %div3A_1374 : vector<16xf32>
      %select_n3A_1379 = arith.select %ge3A_1377, %mul3A_1378, %div3A_1374 : vector<16xi1>, vector<16xf32>
      %mul3A_1380 = arith.constant 2.500000e-01 : f32
      %mul3A_1381 = vector.broadcast %mul3A_1380 : f32 to vector<16xf32>
      %mul3A_1382 = arith.mulf %mul3A_1381, %add3A_1368 : vector<16xf32>
      %mul3A_1383 = arith.mulf %select_n3A_1379, %select_n3A_1379 : vector<16xf32>
      %mul3A_1384 = arith.mulf %mul3A_1382, %mul3A_1383 : vector<16xf32>
      %jit3A_1385 = arith.constant 0.000000e+00 : f32
      %broadcast_in_dim3A_1386 = vector.broadcast %jit3A_1385 : f32 to vector<16xf32>
      %select_n3A_1387 = arith.select %le3A_1335, %mul3A_1384, %broadcast_in_dim3A_1386 : vector<16xi1>, vector<16xf32>
      %add3A_1388 = arith.addf %add3A_1308, %select_n3A_1387 : vector<16xf32>
      %jit3A_1389 = arith.constant 1.000000e+00 : f32
      %jit3A_1390 = arith.constant 0.000000e+00 : f32
      %broadcast_in_dim3A_1391 = vector.broadcast %jit3A_1389 : f32 to vector<16xf32>
      %broadcast_in_dim3A_1392 = vector.broadcast %jit3A_1390 : f32 to vector<16xf32>
      %select_n3A_1393 = arith.select %le3A_1335, %broadcast_in_dim3A_1391, %broadcast_in_dim3A_1392 : vector<16xi1>, vector<16xf32>
      %add3A_1394 = arith.addf %add3A_1314, %select_n3A_1393 : vector<16xf32>
      %get3A_1395 = arith.index_cast %scan3A_40 : i32 to index
      %get3A_1396 = arith.constant 272 : index
      %get3A_1397 = tpu.vector_load %arg5[%get3A_1395, %get3A_1396] {strides = array<i32>} : memref<16x512xf32, #tpu.memory_space<vmem>>, vector<1x16xf32>,
      %get3A_1398 = vector.shape_cast %get3A_1397 : vector<1x16xf32> to vector<16xf32>
      %get3A_1399 = arith.index_cast %scan3A_40 : i32 to index
      %get3A_1400 = arith.constant 272 : index
      %get3A_1401 = tpu.vector_load %arg6[%get3A_1399, %get3A_1400] {strides = array<i32>} : memref<16x512xi32, #tpu.memory_space<vmem>>, vector<1x16xi32>,
      %get3A_1402 = vector.shape_cast %get3A_1401 : vector<1x16xi32> to vector<16xi32>
      %eq3A_1403 = arith.constant 1 : i32
      %eq3A_1404 = vector.broadcast %eq3A_1403 : i32 to vector<16xi32>
      %eq3A_1405 = arith.cmpi eq, %get3A_1402, %eq3A_1404 : vector<16xi32>
      %neg3A_1406 = arith.constant 0.000000e+00 : f32
      %neg3A_1407 = vector.broadcast %neg3A_1406 : f32 to vector<16xf32>
      %neg3A_1408 = arith.subf %neg3A_1407, %get3A_1398 : vector<16xf32>
      %select_n3A_1409 = arith.select %eq3A_1405, %neg3A_1408, %get3A_1398 : vector<16xi1>, vector<16xf32>
      %neg3A_1410 = arith.constant 0.000000e+00 : f32
      %neg3A_1411 = vector.broadcast %neg3A_1410 : f32 to vector<16xf32>
      %neg3A_1412 = arith.subf %neg3A_1411, %select_n3A_1409 : vector<16xf32>
      %le3A_1413 = arith.constant 0.847297847 : f32
      %le3A_1414 = vector.broadcast %le3A_1413 : f32 to vector<16xf32>
      %le3A_1415 = arith.cmpf ole, %neg3A_1412, %le3A_1414 : vector<16xf32>
      %abs3A_1416 = math.absf %get3A_1398 : vector<16xf32>
      %neg3A_1417 = arith.constant 0.000000e+00 : f32
      %neg3A_1418 = vector.broadcast %neg3A_1417 : f32 to vector<16xf32>
      %neg3A_1419 = arith.subf %neg3A_1418, %abs3A_1416 : vector<16xf32>
      %exp3A_1420 = math.exp %neg3A_1419 : vector<16xf32>
      %add3A_1421 = arith.constant 2.000000e+00 : f32
      %add3A_1422 = vector.broadcast %add3A_1421 : f32 to vector<16xf32>
      %add3A_1423 = arith.addf %add3A_1422, %exp3A_1420 : vector<16xf32>
      %div3A_1424 = arith.divf %exp3A_1420, %add3A_1423 : vector<16xf32>
      %mul3A_1425 = arith.mulf %div3A_1424, %div3A_1424 : vector<16xf32>
      %mul3A_1426 = arith.constant 0.222222224 : f32
      %mul3A_1427 = vector.broadcast %mul3A_1426 : f32 to vector<16xf32>
      %mul3A_1428 = arith.mulf %mul3A_1425, %mul3A_1427 : vector<16xf32>
      %add3A_1429 = arith.constant 0.285714298 : f32
      %add3A_1430 = vector.broadcast %add3A_1429 : f32 to vector<16xf32>
      %add3A_1431 = arith.addf %add3A_1430, %mul3A_1428 : vector<16xf32>
      %mul3A_1432 = arith.mulf %mul3A_1425, %add3A_1431 : vector<16xf32>
      %add3A_1433 = arith.constant 4.000000e-01 : f32
      %add3A_1434 = vector.broadcast %add3A_1433 : f32 to vector<16xf32>
      %add3A_1435 = arith.addf %add3A_1434, %mul3A_1432 : vector<16xf32>
      %mul3A_1436 = arith.mulf %mul3A_1425, %add3A_1435 : vector<16xf32>
      %add3A_1437 = arith.constant 0.666666686 : f32
      %add3A_1438 = vector.broadcast %add3A_1437 : f32 to vector<16xf32>
      %add3A_1439 = arith.addf %add3A_1438, %mul3A_1436 : vector<16xf32>
      %mul3A_1440 = arith.mulf %mul3A_1425, %add3A_1439 : vector<16xf32>
      %add3A_1441 = arith.constant 2.000000e+00 : f32
      %add3A_1442 = vector.broadcast %add3A_1441 : f32 to vector<16xf32>
      %add3A_1443 = arith.addf %add3A_1442, %mul3A_1440 : vector<16xf32>
      %mul3A_1444 = arith.mulf %div3A_1424, %add3A_1443 : vector<16xf32>
      %max3A_1445 = arith.constant 0.000000e+00 : f32
      %max3A_1446 = vector.broadcast %max3A_1445 : f32 to vector<16xf32>
      %max3A_1447 = arith.maximumf %select_n3A_1409, %max3A_1446 : vector<16xf32>
      %add3A_1448 = arith.addf %mul3A_1444, %max3A_1447 : vector<16xf32>
      %add3A_1449 = arith.constant 1.000000e+00 : f32
      %add3A_1450 = vector.broadcast %add3A_1449 : f32 to vector<16xf32>
      %add3A_1451 = arith.addf %add3A_1450, %exp3A_1420 : vector<16xf32>
      %div3A_1452 = arith.constant 1.000000e+00 : f32
      %div3A_1453 = vector.broadcast %div3A_1452 : f32 to vector<16xf32>
      %div3A_1454 = arith.divf %div3A_1453, %add3A_1451 : vector<16xf32>
      %ge3A_1455 = arith.constant 0.000000e+00 : f32
      %ge3A_1456 = vector.broadcast %ge3A_1455 : f32 to vector<16xf32>
      %ge3A_1457 = arith.cmpf oge, %neg3A_1412, %ge3A_1456 : vector<16xf32>
      %mul3A_1458 = arith.mulf %exp3A_1420, %div3A_1454 : vector<16xf32>
      %select_n3A_1459 = arith.select %ge3A_1457, %mul3A_1458, %div3A_1454 : vector<16xi1>, vector<16xf32>
      %mul3A_1460 = arith.constant 2.500000e-01 : f32
      %mul3A_1461 = vector.broadcast %mul3A_1460 : f32 to vector<16xf32>
      %mul3A_1462 = arith.mulf %mul3A_1461, %add3A_1448 : vector<16xf32>
      %mul3A_1463 = arith.mulf %select_n3A_1459, %select_n3A_1459 : vector<16xf32>
      %mul3A_1464 = arith.mulf %mul3A_1462, %mul3A_1463 : vector<16xf32>
      %jit3A_1465 = arith.constant 0.000000e+00 : f32
      %broadcast_in_dim3A_1466 = vector.broadcast %jit3A_1465 : f32 to vector<16xf32>
      %select_n3A_1467 = arith.select %le3A_1415, %mul3A_1464, %broadcast_in_dim3A_1466 : vector<16xi1>, vector<16xf32>
      %add3A_1468 = arith.addf %add3A_1388, %select_n3A_1467 : vector<16xf32>
      %jit3A_1469 = arith.constant 1.000000e+00 : f32
      %jit3A_1470 = arith.constant 0.000000e+00 : f32
      %broadcast_in_dim3A_1471 = vector.broadcast %jit3A_1469 : f32 to vector<16xf32>
      %broadcast_in_dim3A_1472 = vector.broadcast %jit3A_1470 : f32 to vector<16xf32>
      %select_n3A_1473 = arith.select %le3A_1415, %broadcast_in_dim3A_1471, %broadcast_in_dim3A_1472 : vector<16xi1>, vector<16xf32>
      %add3A_1474 = arith.addf %add3A_1394, %select_n3A_1473 : vector<16xf32>
      %get3A_1475 = arith.index_cast %scan3A_40 : i32 to index
      %get3A_1476 = arith.constant 288 : index
      %get3A_1477 = tpu.vector_load %arg5[%get3A_1475, %get3A_1476] {strides = array<i32>} : memref<16x512xf32, #tpu.memory_space<vmem>>, vector<1x16xf32>,
      %get3A_1478 = vector.shape_cast %get3A_1477 : vector<1x16xf32> to vector<16xf32>
      %get3A_1479 = arith.index_cast %scan3A_40 : i32 to index
      %get3A_1480 = arith.constant 288 : index
      %get3A_1481 = tpu.vector_load %arg6[%get3A_1479, %get3A_1480] {strides = array<i32>} : memref<16x512xi32, #tpu.memory_space<vmem>>, vector<1x16xi32>,
      %get3A_1482 = vector.shape_cast %get3A_1481 : vector<1x16xi32> to vector<16xi32>
      %eq3A_1483 = arith.constant 1 : i32
      %eq3A_1484 = vector.broadcast %eq3A_1483 : i32 to vector<16xi32>
      %eq3A_1485 = arith.cmpi eq, %get3A_1482, %eq3A_1484 : vector<16xi32>
      %neg3A_1486 = arith.constant 0.000000e+00 : f32
      %neg3A_1487 = vector.broadcast %neg3A_1486 : f32 to vector<16xf32>
      %neg3A_1488 = arith.subf %neg3A_1487, %get3A_1478 : vector<16xf32>
      %select_n3A_1489 = arith.select %eq3A_1485, %neg3A_1488, %get3A_1478 : vector<16xi1>, vector<16xf32>
      %neg3A_1490 = arith.constant 0.000000e+00 : f32
      %neg3A_1491 = vector.broadcast %neg3A_1490 : f32 to vector<16xf32>
      %neg3A_1492 = arith.subf %neg3A_1491, %select_n3A_1489 : vector<16xf32>
      %le3A_1493 = arith.constant 0.847297847 : f32
      %le3A_1494 = vector.broadcast %le3A_1493 : f32 to vector<16xf32>
      %le3A_1495 = arith.cmpf ole, %neg3A_1492, %le3A_1494 : vector<16xf32>
      %abs3A_1496 = math.absf %get3A_1478 : vector<16xf32>
      %neg3A_1497 = arith.constant 0.000000e+00 : f32
      %neg3A_1498 = vector.broadcast %neg3A_1497 : f32 to vector<16xf32>
      %neg3A_1499 = arith.subf %neg3A_1498, %abs3A_1496 : vector<16xf32>
      %exp3A_1500 = math.exp %neg3A_1499 : vector<16xf32>
      %add3A_1501 = arith.constant 2.000000e+00 : f32
      %add3A_1502 = vector.broadcast %add3A_1501 : f32 to vector<16xf32>
      %add3A_1503 = arith.addf %add3A_1502, %exp3A_1500 : vector<16xf32>
      %div3A_1504 = arith.divf %exp3A_1500, %add3A_1503 : vector<16xf32>
      %mul3A_1505 = arith.mulf %div3A_1504, %div3A_1504 : vector<16xf32>
      %mul3A_1506 = arith.constant 0.222222224 : f32
      %mul3A_1507 = vector.broadcast %mul3A_1506 : f32 to vector<16xf32>
      %mul3A_1508 = arith.mulf %mul3A_1505, %mul3A_1507 : vector<16xf32>
      %add3A_1509 = arith.constant 0.285714298 : f32
      %add3A_1510 = vector.broadcast %add3A_1509 : f32 to vector<16xf32>
      %add3A_1511 = arith.addf %add3A_1510, %mul3A_1508 : vector<16xf32>
      %mul3A_1512 = arith.mulf %mul3A_1505, %add3A_1511 : vector<16xf32>
      %add3A_1513 = arith.constant 4.000000e-01 : f32
      %add3A_1514 = vector.broadcast %add3A_1513 : f32 to vector<16xf32>
      %add3A_1515 = arith.addf %add3A_1514, %mul3A_1512 : vector<16xf32>
      %mul3A_1516 = arith.mulf %mul3A_1505, %add3A_1515 : vector<16xf32>
      %add3A_1517 = arith.constant 0.666666686 : f32
      %add3A_1518 = vector.broadcast %add3A_1517 : f32 to vector<16xf32>
      %add3A_1519 = arith.addf %add3A_1518, %mul3A_1516 : vector<16xf32>
      %mul3A_1520 = arith.mulf %mul3A_1505, %add3A_1519 : vector<16xf32>
      %add3A_1521 = arith.constant 2.000000e+00 : f32
      %add3A_1522 = vector.broadcast %add3A_1521 : f32 to vector<16xf32>
      %add3A_1523 = arith.addf %add3A_1522, %mul3A_1520 : vector<16xf32>
      %mul3A_1524 = arith.mulf %div3A_1504, %add3A_1523 : vector<16xf32>
      %max3A_1525 = arith.constant 0.000000e+00 : f32
      %max3A_1526 = vector.broadcast %max3A_1525 : f32 to vector<16xf32>
      %max3A_1527 = arith.maximumf %select_n3A_1489, %max3A_1526 : vector<16xf32>
      %add3A_1528 = arith.addf %mul3A_1524, %max3A_1527 : vector<16xf32>
      %add3A_1529 = arith.constant 1.000000e+00 : f32
      %add3A_1530 = vector.broadcast %add3A_1529 : f32 to vector<16xf32>
      %add3A_1531 = arith.addf %add3A_1530, %exp3A_1500 : vector<16xf32>
      %div3A_1532 = arith.constant 1.000000e+00 : f32
      %div3A_1533 = vector.broadcast %div3A_1532 : f32 to vector<16xf32>
      %div3A_1534 = arith.divf %div3A_1533, %add3A_1531 : vector<16xf32>
      %ge3A_1535 = arith.constant 0.000000e+00 : f32
      %ge3A_1536 = vector.broadcast %ge3A_1535 : f32 to vector<16xf32>
      %ge3A_1537 = arith.cmpf oge, %neg3A_1492, %ge3A_1536 : vector<16xf32>
      %mul3A_1538 = arith.mulf %exp3A_1500, %div3A_1534 : vector<16xf32>
      %select_n3A_1539 = arith.select %ge3A_1537, %mul3A_1538, %div3A_1534 : vector<16xi1>, vector<16xf32>
      %mul3A_1540 = arith.constant 2.500000e-01 : f32
      %mul3A_1541 = vector.broadcast %mul3A_1540 : f32 to vector<16xf32>
      %mul3A_1542 = arith.mulf %mul3A_1541, %add3A_1528 : vector<16xf32>
      %mul3A_1543 = arith.mulf %select_n3A_1539, %select_n3A_1539 : vector<16xf32>
      %mul3A_1544 = arith.mulf %mul3A_1542, %mul3A_1543 : vector<16xf32>
      %jit3A_1545 = arith.constant 0.000000e+00 : f32
      %broadcast_in_dim3A_1546 = vector.broadcast %jit3A_1545 : f32 to vector<16xf32>
      %select_n3A_1547 = arith.select %le3A_1495, %mul3A_1544, %broadcast_in_dim3A_1546 : vector<16xi1>, vector<16xf32>
      %add3A_1548 = arith.addf %add3A_1468, %select_n3A_1547 : vector<16xf32>
      %jit3A_1549 = arith.constant 1.000000e+00 : f32
      %jit3A_1550 = arith.constant 0.000000e+00 : f32
      %broadcast_in_dim3A_1551 = vector.broadcast %jit3A_1549 : f32 to vector<16xf32>
      %broadcast_in_dim3A_1552 = vector.broadcast %jit3A_1550 : f32 to vector<16xf32>
      %select_n3A_1553 = arith.select %le3A_1495, %broadcast_in_dim3A_1551, %broadcast_in_dim3A_1552 : vector<16xi1>, vector<16xf32>
      %add3A_1554 = arith.addf %add3A_1474, %select_n3A_1553 : vector<16xf32>
      %get3A_1555 = arith.index_cast %scan3A_40 : i32 to index
      %get3A_1556 = arith.constant 304 : index
      %get3A_1557 = tpu.vector_load %arg5[%get3A_1555, %get3A_1556] {strides = array<i32>} : memref<16x512xf32, #tpu.memory_space<vmem>>, vector<1x16xf32>,
      %get3A_1558 = vector.shape_cast %get3A_1557 : vector<1x16xf32> to vector<16xf32>
      %get3A_1559 = arith.index_cast %scan3A_40 : i32 to index
      %get3A_1560 = arith.constant 304 : index
      %get3A_1561 = tpu.vector_load %arg6[%get3A_1559, %get3A_1560] {strides = array<i32>} : memref<16x512xi32, #tpu.memory_space<vmem>>, vector<1x16xi32>,
      %get3A_1562 = vector.shape_cast %get3A_1561 : vector<1x16xi32> to vector<16xi32>
      %eq3A_1563 = arith.constant 1 : i32
      %eq3A_1564 = vector.broadcast %eq3A_1563 : i32 to vector<16xi32>
      %eq3A_1565 = arith.cmpi eq, %get3A_1562, %eq3A_1564 : vector<16xi32>
      %neg3A_1566 = arith.constant 0.000000e+00 : f32
      %neg3A_1567 = vector.broadcast %neg3A_1566 : f32 to vector<16xf32>
      %neg3A_1568 = arith.subf %neg3A_1567, %get3A_1558 : vector<16xf32>
      %select_n3A_1569 = arith.select %eq3A_1565, %neg3A_1568, %get3A_1558 : vector<16xi1>, vector<16xf32>
      %neg3A_1570 = arith.constant 0.000000e+00 : f32
      %neg3A_1571 = vector.broadcast %neg3A_1570 : f32 to vector<16xf32>
      %neg3A_1572 = arith.subf %neg3A_1571, %select_n3A_1569 : vector<16xf32>
      %le3A_1573 = arith.constant 0.847297847 : f32
      %le3A_1574 = vector.broadcast %le3A_1573 : f32 to vector<16xf32>
      %le3A_1575 = arith.cmpf ole, %neg3A_1572, %le3A_1574 : vector<16xf32>
      %abs3A_1576 = math.absf %get3A_1558 : vector<16xf32>
      %neg3A_1577 = arith.constant 0.000000e+00 : f32
      %neg3A_1578 = vector.broadcast %neg3A_1577 : f32 to vector<16xf32>
      %neg3A_1579 = arith.subf %neg3A_1578, %abs3A_1576 : vector<16xf32>
      %exp3A_1580 = math.exp %neg3A_1579 : vector<16xf32>
      %add3A_1581 = arith.constant 2.000000e+00 : f32
      %add3A_1582 = vector.broadcast %add3A_1581 : f32 to vector<16xf32>
      %add3A_1583 = arith.addf %add3A_1582, %exp3A_1580 : vector<16xf32>
      %div3A_1584 = arith.divf %exp3A_1580, %add3A_1583 : vector<16xf32>
      %mul3A_1585 = arith.mulf %div3A_1584, %div3A_1584 : vector<16xf32>
      %mul3A_1586 = arith.constant 0.222222224 : f32
      %mul3A_1587 = vector.broadcast %mul3A_1586 : f32 to vector<16xf32>
      %mul3A_1588 = arith.mulf %mul3A_1585, %mul3A_1587 : vector<16xf32>
      %add3A_1589 = arith.constant 0.285714298 : f32
      %add3A_1590 = vector.broadcast %add3A_1589 : f32 to vector<16xf32>
      %add3A_1591 = arith.addf %add3A_1590, %mul3A_1588 : vector<16xf32>
      %mul3A_1592 = arith.mulf %mul3A_1585, %add3A_1591 : vector<16xf32>
      %add3A_1593 = arith.constant 4.000000e-01 : f32
      %add3A_1594 = vector.broadcast %add3A_1593 : f32 to vector<16xf32>
      %add3A_1595 = arith.addf %add3A_1594, %mul3A_1592 : vector<16xf32>
      %mul3A_1596 = arith.mulf %mul3A_1585, %add3A_1595 : vector<16xf32>
      %add3A_1597 = arith.constant 0.666666686 : f32
      %add3A_1598 = vector.broadcast %add3A_1597 : f32 to vector<16xf32>
      %add3A_1599 = arith.addf %add3A_1598, %mul3A_1596 : vector<16xf32>
      %mul3A_1600 = arith.mulf %mul3A_1585, %add3A_1599 : vector<16xf32>
      %add3A_1601 = arith.constant 2.000000e+00 : f32
      %add3A_1602 = vector.broadcast %add3A_1601 : f32 to vector<16xf32>
      %add3A_1603 = arith.addf %add3A_1602, %mul3A_1600 : vector<16xf32>
      %mul3A_1604 = arith.mulf %div3A_1584, %add3A_1603 : vector<16xf32>
      %max3A_1605 = arith.constant 0.000000e+00 : f32
      %max3A_1606 = vector.broadcast %max3A_1605 : f32 to vector<16xf32>
      %max3A_1607 = arith.maximumf %select_n3A_1569, %max3A_1606 : vector<16xf32>
      %add3A_1608 = arith.addf %mul3A_1604, %max3A_1607 : vector<16xf32>
      %add3A_1609 = arith.constant 1.000000e+00 : f32
      %add3A_1610 = vector.broadcast %add3A_1609 : f32 to vector<16xf32>
      %add3A_1611 = arith.addf %add3A_1610, %exp3A_1580 : vector<16xf32>
      %div3A_1612 = arith.constant 1.000000e+00 : f32
      %div3A_1613 = vector.broadcast %div3A_1612 : f32 to vector<16xf32>
      %div3A_1614 = arith.divf %div3A_1613, %add3A_1611 : vector<16xf32>
      %ge3A_1615 = arith.constant 0.000000e+00 : f32
      %ge3A_1616 = vector.broadcast %ge3A_1615 : f32 to vector<16xf32>
      %ge3A_1617 = arith.cmpf oge, %neg3A_1572, %ge3A_1616 : vector<16xf32>
      %mul3A_1618 = arith.mulf %exp3A_1580, %div3A_1614 : vector<16xf32>
      %select_n3A_1619 = arith.select %ge3A_1617, %mul3A_1618, %div3A_1614 : vector<16xi1>, vector<16xf32>
      %mul3A_1620 = arith.constant 2.500000e-01 : f32
      %mul3A_1621 = vector.broadcast %mul3A_1620 : f32 to vector<16xf32>
      %mul3A_1622 = arith.mulf %mul3A_1621, %add3A_1608 : vector<16xf32>
      %mul3A_1623 = arith.mulf %select_n3A_1619, %select_n3A_1619 : vector<16xf32>
      %mul3A_1624 = arith.mulf %mul3A_1622, %mul3A_1623 : vector<16xf32>
      %jit3A_1625 = arith.constant 0.000000e+00 : f32
      %broadcast_in_dim3A_1626 = vector.broadcast %jit3A_1625 : f32 to vector<16xf32>
      %select_n3A_1627 = arith.select %le3A_1575, %mul3A_1624, %broadcast_in_dim3A_1626 : vector<16xi1>, vector<16xf32>
      %add3A_1628 = arith.addf %add3A_1548, %select_n3A_1627 : vector<16xf32>
      %jit3A_1629 = arith.constant 1.000000e+00 : f32
      %jit3A_1630 = arith.constant 0.000000e+00 : f32
      %broadcast_in_dim3A_1631 = vector.broadcast %jit3A_1629 : f32 to vector<16xf32>
      %broadcast_in_dim3A_1632 = vector.broadcast %jit3A_1630 : f32 to vector<16xf32>
      %select_n3A_1633 = arith.select %le3A_1575, %broadcast_in_dim3A_1631, %broadcast_in_dim3A_1632 : vector<16xi1>, vector<16xf32>
      %add3A_1634 = arith.addf %add3A_1554, %select_n3A_1633 : vector<16xf32>
      %get3A_1635 = arith.index_cast %scan3A_40 : i32 to index
      %get3A_1636 = arith.constant 320 : index
      %get3A_1637 = tpu.vector_load %arg5[%get3A_1635, %get3A_1636] {strides = array<i32>} : memref<16x512xf32, #tpu.memory_space<vmem>>, vector<1x16xf32>,
      %get3A_1638 = vector.shape_cast %get3A_1637 : vector<1x16xf32> to vector<16xf32>
      %get3A_1639 = arith.index_cast %scan3A_40 : i32 to index
      %get3A_1640 = arith.constant 320 : index
      %get3A_1641 = tpu.vector_load %arg6[%get3A_1639, %get3A_1640] {strides = array<i32>} : memref<16x512xi32, #tpu.memory_space<vmem>>, vector<1x16xi32>,
      %get3A_1642 = vector.shape_cast %get3A_1641 : vector<1x16xi32> to vector<16xi32>
      %eq3A_1643 = arith.constant 1 : i32
      %eq3A_1644 = vector.broadcast %eq3A_1643 : i32 to vector<16xi32>
      %eq3A_1645 = arith.cmpi eq, %get3A_1642, %eq3A_1644 : vector<16xi32>
      %neg3A_1646 = arith.constant 0.000000e+00 : f32
      %neg3A_1647 = vector.broadcast %neg3A_1646 : f32 to vector<16xf32>
      %neg3A_1648 = arith.subf %neg3A_1647, %get3A_1638 : vector<16xf32>
      %select_n3A_1649 = arith.select %eq3A_1645, %neg3A_1648, %get3A_1638 : vector<16xi1>, vector<16xf32>
      %neg3A_1650 = arith.constant 0.000000e+00 : f32
      %neg3A_1651 = vector.broadcast %neg3A_1650 : f32 to vector<16xf32>
      %neg3A_1652 = arith.subf %neg3A_1651, %select_n3A_1649 : vector<16xf32>
      %le3A_1653 = arith.constant 0.847297847 : f32
      %le3A_1654 = vector.broadcast %le3A_1653 : f32 to vector<16xf32>
      %le3A_1655 = arith.cmpf ole, %neg3A_1652, %le3A_1654 : vector<16xf32>
      %abs3A_1656 = math.absf %get3A_1638 : vector<16xf32>
      %neg3A_1657 = arith.constant 0.000000e+00 : f32
      %neg3A_1658 = vector.broadcast %neg3A_1657 : f32 to vector<16xf32>
      %neg3A_1659 = arith.subf %neg3A_1658, %abs3A_1656 : vector<16xf32>
      %exp3A_1660 = math.exp %neg3A_1659 : vector<16xf32>
      %add3A_1661 = arith.constant 2.000000e+00 : f32
      %add3A_1662 = vector.broadcast %add3A_1661 : f32 to vector<16xf32>
      %add3A_1663 = arith.addf %add3A_1662, %exp3A_1660 : vector<16xf32>
      %div3A_1664 = arith.divf %exp3A_1660, %add3A_1663 : vector<16xf32>
      %mul3A_1665 = arith.mulf %div3A_1664, %div3A_1664 : vector<16xf32>
      %mul3A_1666 = arith.constant 0.222222224 : f32
      %mul3A_1667 = vector.broadcast %mul3A_1666 : f32 to vector<16xf32>
      %mul3A_1668 = arith.mulf %mul3A_1665, %mul3A_1667 : vector<16xf32>
      %add3A_1669 = arith.constant 0.285714298 : f32
      %add3A_1670 = vector.broadcast %add3A_1669 : f32 to vector<16xf32>
      %add3A_1671 = arith.addf %add3A_1670, %mul3A_1668 : vector<16xf32>
      %mul3A_1672 = arith.mulf %mul3A_1665, %add3A_1671 : vector<16xf32>
      %add3A_1673 = arith.constant 4.000000e-01 : f32
      %add3A_1674 = vector.broadcast %add3A_1673 : f32 to vector<16xf32>
      %add3A_1675 = arith.addf %add3A_1674, %mul3A_1672 : vector<16xf32>
      %mul3A_1676 = arith.mulf %mul3A_1665, %add3A_1675 : vector<16xf32>
      %add3A_1677 = arith.constant 0.666666686 : f32
      %add3A_1678 = vector.broadcast %add3A_1677 : f32 to vector<16xf32>
      %add3A_1679 = arith.addf %add3A_1678, %mul3A_1676 : vector<16xf32>
      %mul3A_1680 = arith.mulf %mul3A_1665, %add3A_1679 : vector<16xf32>
      %add3A_1681 = arith.constant 2.000000e+00 : f32
      %add3A_1682 = vector.broadcast %add3A_1681 : f32 to vector<16xf32>
      %add3A_1683 = arith.addf %add3A_1682, %mul3A_1680 : vector<16xf32>
      %mul3A_1684 = arith.mulf %div3A_1664, %add3A_1683 : vector<16xf32>
      %max3A_1685 = arith.constant 0.000000e+00 : f32
      %max3A_1686 = vector.broadcast %max3A_1685 : f32 to vector<16xf32>
      %max3A_1687 = arith.maximumf %select_n3A_1649, %max3A_1686 : vector<16xf32>
      %add3A_1688 = arith.addf %mul3A_1684, %max3A_1687 : vector<16xf32>
      %add3A_1689 = arith.constant 1.000000e+00 : f32
      %add3A_1690 = vector.broadcast %add3A_1689 : f32 to vector<16xf32>
      %add3A_1691 = arith.addf %add3A_1690, %exp3A_1660 : vector<16xf32>
      %div3A_1692 = arith.constant 1.000000e+00 : f32
      %div3A_1693 = vector.broadcast %div3A_1692 : f32 to vector<16xf32>
      %div3A_1694 = arith.divf %div3A_1693, %add3A_1691 : vector<16xf32>
      %ge3A_1695 = arith.constant 0.000000e+00 : f32
      %ge3A_1696 = vector.broadcast %ge3A_1695 : f32 to vector<16xf32>
      %ge3A_1697 = arith.cmpf oge, %neg3A_1652, %ge3A_1696 : vector<16xf32>
      %mul3A_1698 = arith.mulf %exp3A_1660, %div3A_1694 : vector<16xf32>
      %select_n3A_1699 = arith.select %ge3A_1697, %mul3A_1698, %div3A_1694 : vector<16xi1>, vector<16xf32>
      %mul3A_1700 = arith.constant 2.500000e-01 : f32
      %mul3A_1701 = vector.broadcast %mul3A_1700 : f32 to vector<16xf32>
      %mul3A_1702 = arith.mulf %mul3A_1701, %add3A_1688 : vector<16xf32>
      %mul3A_1703 = arith.mulf %select_n3A_1699, %select_n3A_1699 : vector<16xf32>
      %mul3A_1704 = arith.mulf %mul3A_1702, %mul3A_1703 : vector<16xf32>
      %jit3A_1705 = arith.constant 0.000000e+00 : f32
      %broadcast_in_dim3A_1706 = vector.broadcast %jit3A_1705 : f32 to vector<16xf32>
      %select_n3A_1707 = arith.select %le3A_1655, %mul3A_1704, %broadcast_in_dim3A_1706 : vector<16xi1>, vector<16xf32>
      %add3A_1708 = arith.addf %add3A_1628, %select_n3A_1707 : vector<16xf32>
      %jit3A_1709 = arith.constant 1.000000e+00 : f32
      %jit3A_1710 = arith.constant 0.000000e+00 : f32
      %broadcast_in_dim3A_1711 = vector.broadcast %jit3A_1709 : f32 to vector<16xf32>
      %broadcast_in_dim3A_1712 = vector.broadcast %jit3A_1710 : f32 to vector<16xf32>
      %select_n3A_1713 = arith.select %le3A_1655, %broadcast_in_dim3A_1711, %broadcast_in_dim3A_1712 : vector<16xi1>, vector<16xf32>
      %add3A_1714 = arith.addf %add3A_1634, %select_n3A_1713 : vector<16xf32>
      %get3A_1715 = arith.index_cast %scan3A_40 : i32 to index
      %get3A_1716 = arith.constant 336 : index
      %get3A_1717 = tpu.vector_load %arg5[%get3A_1715, %get3A_1716] {strides = array<i32>} : memref<16x512xf32, #tpu.memory_space<vmem>>, vector<1x16xf32>,
      %get3A_1718 = vector.shape_cast %get3A_1717 : vector<1x16xf32> to vector<16xf32>
      %get3A_1719 = arith.index_cast %scan3A_40 : i32 to index
      %get3A_1720 = arith.constant 336 : index
      %get3A_1721 = tpu.vector_load %arg6[%get3A_1719, %get3A_1720] {strides = array<i32>} : memref<16x512xi32, #tpu.memory_space<vmem>>, vector<1x16xi32>,
      %get3A_1722 = vector.shape_cast %get3A_1721 : vector<1x16xi32> to vector<16xi32>
      %eq3A_1723 = arith.constant 1 : i32
      %eq3A_1724 = vector.broadcast %eq3A_1723 : i32 to vector<16xi32>
      %eq3A_1725 = arith.cmpi eq, %get3A_1722, %eq3A_1724 : vector<16xi32>
      %neg3A_1726 = arith.constant 0.000000e+00 : f32
      %neg3A_1727 = vector.broadcast %neg3A_1726 : f32 to vector<16xf32>
      %neg3A_1728 = arith.subf %neg3A_1727, %get3A_1718 : vector<16xf32>
      %select_n3A_1729 = arith.select %eq3A_1725, %neg3A_1728, %get3A_1718 : vector<16xi1>, vector<16xf32>
      %neg3A_1730 = arith.constant 0.000000e+00 : f32
      %neg3A_1731 = vector.broadcast %neg3A_1730 : f32 to vector<16xf32>
      %neg3A_1732 = arith.subf %neg3A_1731, %select_n3A_1729 : vector<16xf32>
      %le3A_1733 = arith.constant 0.847297847 : f32
      %le3A_1734 = vector.broadcast %le3A_1733 : f32 to vector<16xf32>
      %le3A_1735 = arith.cmpf ole, %neg3A_1732, %le3A_1734 : vector<16xf32>
      %abs3A_1736 = math.absf %get3A_1718 : vector<16xf32>
      %neg3A_1737 = arith.constant 0.000000e+00 : f32
      %neg3A_1738 = vector.broadcast %neg3A_1737 : f32 to vector<16xf32>
      %neg3A_1739 = arith.subf %neg3A_1738, %abs3A_1736 : vector<16xf32>
      %exp3A_1740 = math.exp %neg3A_1739 : vector<16xf32>
      %add3A_1741 = arith.constant 2.000000e+00 : f32
      %add3A_1742 = vector.broadcast %add3A_1741 : f32 to vector<16xf32>
      %add3A_1743 = arith.addf %add3A_1742, %exp3A_1740 : vector<16xf32>
      %div3A_1744 = arith.divf %exp3A_1740, %add3A_1743 : vector<16xf32>
      %mul3A_1745 = arith.mulf %div3A_1744, %div3A_1744 : vector<16xf32>
      %mul3A_1746 = arith.constant 0.222222224 : f32
      %mul3A_1747 = vector.broadcast %mul3A_1746 : f32 to vector<16xf32>
      %mul3A_1748 = arith.mulf %mul3A_1745, %mul3A_1747 : vector<16xf32>
      %add3A_1749 = arith.constant 0.285714298 : f32
      %add3A_1750 = vector.broadcast %add3A_1749 : f32 to vector<16xf32>
      %add3A_1751 = arith.addf %add3A_1750, %mul3A_1748 : vector<16xf32>
      %mul3A_1752 = arith.mulf %mul3A_1745, %add3A_1751 : vector<16xf32>
      %add3A_1753 = arith.constant 4.000000e-01 : f32
      %add3A_1754 = vector.broadcast %add3A_1753 : f32 to vector<16xf32>
      %add3A_1755 = arith.addf %add3A_1754, %mul3A_1752 : vector<16xf32>
      %mul3A_1756 = arith.mulf %mul3A_1745, %add3A_1755 : vector<16xf32>
      %add3A_1757 = arith.constant 0.666666686 : f32
      %add3A_1758 = vector.broadcast %add3A_1757 : f32 to vector<16xf32>
      %add3A_1759 = arith.addf %add3A_1758, %mul3A_1756 : vector<16xf32>
      %mul3A_1760 = arith.mulf %mul3A_1745, %add3A_1759 : vector<16xf32>
      %add3A_1761 = arith.constant 2.000000e+00 : f32
      %add3A_1762 = vector.broadcast %add3A_1761 : f32 to vector<16xf32>
      %add3A_1763 = arith.addf %add3A_1762, %mul3A_1760 : vector<16xf32>
      %mul3A_1764 = arith.mulf %div3A_1744, %add3A_1763 : vector<16xf32>
      %max3A_1765 = arith.constant 0.000000e+00 : f32
      %max3A_1766 = vector.broadcast %max3A_1765 : f32 to vector<16xf32>
      %max3A_1767 = arith.maximumf %select_n3A_1729, %max3A_1766 : vector<16xf32>
      %add3A_1768 = arith.addf %mul3A_1764, %max3A_1767 : vector<16xf32>
      %add3A_1769 = arith.constant 1.000000e+00 : f32
      %add3A_1770 = vector.broadcast %add3A_1769 : f32 to vector<16xf32>
      %add3A_1771 = arith.addf %add3A_1770, %exp3A_1740 : vector<16xf32>
      %div3A_1772 = arith.constant 1.000000e+00 : f32
      %div3A_1773 = vector.broadcast %div3A_1772 : f32 to vector<16xf32>
      %div3A_1774 = arith.divf %div3A_1773, %add3A_1771 : vector<16xf32>
      %ge3A_1775 = arith.constant 0.000000e+00 : f32
      %ge3A_1776 = vector.broadcast %ge3A_1775 : f32 to vector<16xf32>
      %ge3A_1777 = arith.cmpf oge, %neg3A_1732, %ge3A_1776 : vector<16xf32>
      %mul3A_1778 = arith.mulf %exp3A_1740, %div3A_1774 : vector<16xf32>
      %select_n3A_1779 = arith.select %ge3A_1777, %mul3A_1778, %div3A_1774 : vector<16xi1>, vector<16xf32>
      %mul3A_1780 = arith.constant 2.500000e-01 : f32
      %mul3A_1781 = vector.broadcast %mul3A_1780 : f32 to vector<16xf32>
      %mul3A_1782 = arith.mulf %mul3A_1781, %add3A_1768 : vector<16xf32>
      %mul3A_1783 = arith.mulf %select_n3A_1779, %select_n3A_1779 : vector<16xf32>
      %mul3A_1784 = arith.mulf %mul3A_1782, %mul3A_1783 : vector<16xf32>
      %jit3A_1785 = arith.constant 0.000000e+00 : f32
      %broadcast_in_dim3A_1786 = vector.broadcast %jit3A_1785 : f32 to vector<16xf32>
      %select_n3A_1787 = arith.select %le3A_1735, %mul3A_1784, %broadcast_in_dim3A_1786 : vector<16xi1>, vector<16xf32>
      %add3A_1788 = arith.addf %add3A_1708, %select_n3A_1787 : vector<16xf32>
      %jit3A_1789 = arith.constant 1.000000e+00 : f32
      %jit3A_1790 = arith.constant 0.000000e+00 : f32
      %broadcast_in_dim3A_1791 = vector.broadcast %jit3A_1789 : f32 to vector<16xf32>
      %broadcast_in_dim3A_1792 = vector.broadcast %jit3A_1790 : f32 to vector<16xf32>
      %select_n3A_1793 = arith.select %le3A_1735, %broadcast_in_dim3A_1791, %broadcast_in_dim3A_1792 : vector<16xi1>, vector<16xf32>
      %add3A_1794 = arith.addf %add3A_1714, %select_n3A_1793 : vector<16xf32>
      %get3A_1795 = arith.index_cast %scan3A_40 : i32 to index
      %get3A_1796 = arith.constant 352 : index
      %get3A_1797 = tpu.vector_load %arg5[%get3A_1795, %get3A_1796] {strides = array<i32>} : memref<16x512xf32, #tpu.memory_space<vmem>>, vector<1x16xf32>,
      %get3A_1798 = vector.shape_cast %get3A_1797 : vector<1x16xf32> to vector<16xf32>
      %get3A_1799 = arith.index_cast %scan3A_40 : i32 to index
      %get3A_1800 = arith.constant 352 : index
      %get3A_1801 = tpu.vector_load %arg6[%get3A_1799, %get3A_1800] {strides = array<i32>} : memref<16x512xi32, #tpu.memory_space<vmem>>, vector<1x16xi32>,
      %get3A_1802 = vector.shape_cast %get3A_1801 : vector<1x16xi32> to vector<16xi32>
      %eq3A_1803 = arith.constant 1 : i32
      %eq3A_1804 = vector.broadcast %eq3A_1803 : i32 to vector<16xi32>
      %eq3A_1805 = arith.cmpi eq, %get3A_1802, %eq3A_1804 : vector<16xi32>
      %neg3A_1806 = arith.constant 0.000000e+00 : f32
      %neg3A_1807 = vector.broadcast %neg3A_1806 : f32 to vector<16xf32>
      %neg3A_1808 = arith.subf %neg3A_1807, %get3A_1798 : vector<16xf32>
      %select_n3A_1809 = arith.select %eq3A_1805, %neg3A_1808, %get3A_1798 : vector<16xi1>, vector<16xf32>
      %neg3A_1810 = arith.constant 0.000000e+00 : f32
      %neg3A_1811 = vector.broadcast %neg3A_1810 : f32 to vector<16xf32>
      %neg3A_1812 = arith.subf %neg3A_1811, %select_n3A_1809 : vector<16xf32>
      %le3A_1813 = arith.constant 0.847297847 : f32
      %le3A_1814 = vector.broadcast %le3A_1813 : f32 to vector<16xf32>
      %le3A_1815 = arith.cmpf ole, %neg3A_1812, %le3A_1814 : vector<16xf32>
      %abs3A_1816 = math.absf %get3A_1798 : vector<16xf32>
      %neg3A_1817 = arith.constant 0.000000e+00 : f32
      %neg3A_1818 = vector.broadcast %neg3A_1817 : f32 to vector<16xf32>
      %neg3A_1819 = arith.subf %neg3A_1818, %abs3A_1816 : vector<16xf32>
      %exp3A_1820 = math.exp %neg3A_1819 : vector<16xf32>
      %add3A_1821 = arith.constant 2.000000e+00 : f32
      %add3A_1822 = vector.broadcast %add3A_1821 : f32 to vector<16xf32>
      %add3A_1823 = arith.addf %add3A_1822, %exp3A_1820 : vector<16xf32>
      %div3A_1824 = arith.divf %exp3A_1820, %add3A_1823 : vector<16xf32>
      %mul3A_1825 = arith.mulf %div3A_1824, %div3A_1824 : vector<16xf32>
      %mul3A_1826 = arith.constant 0.222222224 : f32
      %mul3A_1827 = vector.broadcast %mul3A_1826 : f32 to vector<16xf32>
      %mul3A_1828 = arith.mulf %mul3A_1825, %mul3A_1827 : vector<16xf32>
      %add3A_1829 = arith.constant 0.285714298 : f32
      %add3A_1830 = vector.broadcast %add3A_1829 : f32 to vector<16xf32>
      %add3A_1831 = arith.addf %add3A_1830, %mul3A_1828 : vector<16xf32>
      %mul3A_1832 = arith.mulf %mul3A_1825, %add3A_1831 : vector<16xf32>
      %add3A_1833 = arith.constant 4.000000e-01 : f32
      %add3A_1834 = vector.broadcast %add3A_1833 : f32 to vector<16xf32>
      %add3A_1835 = arith.addf %add3A_1834, %mul3A_1832 : vector<16xf32>
      %mul3A_1836 = arith.mulf %mul3A_1825, %add3A_1835 : vector<16xf32>
      %add3A_1837 = arith.constant 0.666666686 : f32
      %add3A_1838 = vector.broadcast %add3A_1837 : f32 to vector<16xf32>
      %add3A_1839 = arith.addf %add3A_1838, %mul3A_1836 : vector<16xf32>
      %mul3A_1840 = arith.mulf %mul3A_1825, %add3A_1839 : vector<16xf32>
      %add3A_1841 = arith.constant 2.000000e+00 : f32
      %add3A_1842 = vector.broadcast %add3A_1841 : f32 to vector<16xf32>
      %add3A_1843 = arith.addf %add3A_1842, %mul3A_1840 : vector<16xf32>
      %mul3A_1844 = arith.mulf %div3A_1824, %add3A_1843 : vector<16xf32>
      %max3A_1845 = arith.constant 0.000000e+00 : f32
      %max3A_1846 = vector.broadcast %max3A_1845 : f32 to vector<16xf32>
      %max3A_1847 = arith.maximumf %select_n3A_1809, %max3A_1846 : vector<16xf32>
      %add3A_1848 = arith.addf %mul3A_1844, %max3A_1847 : vector<16xf32>
      %add3A_1849 = arith.constant 1.000000e+00 : f32
      %add3A_1850 = vector.broadcast %add3A_1849 : f32 to vector<16xf32>
      %add3A_1851 = arith.addf %add3A_1850, %exp3A_1820 : vector<16xf32>
      %div3A_1852 = arith.constant 1.000000e+00 : f32
      %div3A_1853 = vector.broadcast %div3A_1852 : f32 to vector<16xf32>
      %div3A_1854 = arith.divf %div3A_1853, %add3A_1851 : vector<16xf32>
      %ge3A_1855 = arith.constant 0.000000e+00 : f32
      %ge3A_1856 = vector.broadcast %ge3A_1855 : f32 to vector<16xf32>
      %ge3A_1857 = arith.cmpf oge, %neg3A_1812, %ge3A_1856 : vector<16xf32>
      %mul3A_1858 = arith.mulf %exp3A_1820, %div3A_1854 : vector<16xf32>
      %select_n3A_1859 = arith.select %ge3A_1857, %mul3A_1858, %div3A_1854 : vector<16xi1>, vector<16xf32>
      %mul3A_1860 = arith.constant 2.500000e-01 : f32
      %mul3A_1861 = vector.broadcast %mul3A_1860 : f32 to vector<16xf32>
      %mul3A_1862 = arith.mulf %mul3A_1861, %add3A_1848 : vector<16xf32>
      %mul3A_1863 = arith.mulf %select_n3A_1859, %select_n3A_1859 : vector<16xf32>
      %mul3A_1864 = arith.mulf %mul3A_1862, %mul3A_1863 : vector<16xf32>
      %jit3A_1865 = arith.constant 0.000000e+00 : f32
      %broadcast_in_dim3A_1866 = vector.broadcast %jit3A_1865 : f32 to vector<16xf32>
      %select_n3A_1867 = arith.select %le3A_1815, %mul3A_1864, %broadcast_in_dim3A_1866 : vector<16xi1>, vector<16xf32>
      %add3A_1868 = arith.addf %add3A_1788, %select_n3A_1867 : vector<16xf32>
      %jit3A_1869 = arith.constant 1.000000e+00 : f32
      %jit3A_1870 = arith.constant 0.000000e+00 : f32
      %broadcast_in_dim3A_1871 = vector.broadcast %jit3A_1869 : f32 to vector<16xf32>
      %broadcast_in_dim3A_1872 = vector.broadcast %jit3A_1870 : f32 to vector<16xf32>
      %select_n3A_1873 = arith.select %le3A_1815, %broadcast_in_dim3A_1871, %broadcast_in_dim3A_1872 : vector<16xi1>, vector<16xf32>
      %add3A_1874 = arith.addf %add3A_1794, %select_n3A_1873 : vector<16xf32>
      %get3A_1875 = arith.index_cast %scan3A_40 : i32 to index
      %get3A_1876 = arith.constant 368 : index
      %get3A_1877 = tpu.vector_load %arg5[%get3A_1875, %get3A_1876] {strides = array<i32>} : memref<16x512xf32, #tpu.memory_space<vmem>>, vector<1x16xf32>,
      %get3A_1878 = vector.shape_cast %get3A_1877 : vector<1x16xf32> to vector<16xf32>
      %get3A_1879 = arith.index_cast %scan3A_40 : i32 to index
      %get3A_1880 = arith.constant 368 : index
      %get3A_1881 = tpu.vector_load %arg6[%get3A_1879, %get3A_1880] {strides = array<i32>} : memref<16x512xi32, #tpu.memory_space<vmem>>, vector<1x16xi32>,
      %get3A_1882 = vector.shape_cast %get3A_1881 : vector<1x16xi32> to vector<16xi32>
      %eq3A_1883 = arith.constant 1 : i32
      %eq3A_1884 = vector.broadcast %eq3A_1883 : i32 to vector<16xi32>
      %eq3A_1885 = arith.cmpi eq, %get3A_1882, %eq3A_1884 : vector<16xi32>
      %neg3A_1886 = arith.constant 0.000000e+00 : f32
      %neg3A_1887 = vector.broadcast %neg3A_1886 : f32 to vector<16xf32>
      %neg3A_1888 = arith.subf %neg3A_1887, %get3A_1878 : vector<16xf32>
      %select_n3A_1889 = arith.select %eq3A_1885, %neg3A_1888, %get3A_1878 : vector<16xi1>, vector<16xf32>
      %neg3A_1890 = arith.constant 0.000000e+00 : f32
      %neg3A_1891 = vector.broadcast %neg3A_1890 : f32 to vector<16xf32>
      %neg3A_1892 = arith.subf %neg3A_1891, %select_n3A_1889 : vector<16xf32>
      %le3A_1893 = arith.constant 0.847297847 : f32
      %le3A_1894 = vector.broadcast %le3A_1893 : f32 to vector<16xf32>
      %le3A_1895 = arith.cmpf ole, %neg3A_1892, %le3A_1894 : vector<16xf32>
      %abs3A_1896 = math.absf %get3A_1878 : vector<16xf32>
      %neg3A_1897 = arith.constant 0.000000e+00 : f32
      %neg3A_1898 = vector.broadcast %neg3A_1897 : f32 to vector<16xf32>
      %neg3A_1899 = arith.subf %neg3A_1898, %abs3A_1896 : vector<16xf32>
      %exp3A_1900 = math.exp %neg3A_1899 : vector<16xf32>
      %add3A_1901 = arith.constant 2.000000e+00 : f32
      %add3A_1902 = vector.broadcast %add3A_1901 : f32 to vector<16xf32>
      %add3A_1903 = arith.addf %add3A_1902, %exp3A_1900 : vector<16xf32>
      %div3A_1904 = arith.divf %exp3A_1900, %add3A_1903 : vector<16xf32>
      %mul3A_1905 = arith.mulf %div3A_1904, %div3A_1904 : vector<16xf32>
      %mul3A_1906 = arith.constant 0.222222224 : f32
      %mul3A_1907 = vector.broadcast %mul3A_1906 : f32 to vector<16xf32>
      %mul3A_1908 = arith.mulf %mul3A_1905, %mul3A_1907 : vector<16xf32>
      %add3A_1909 = arith.constant 0.285714298 : f32
      %add3A_1910 = vector.broadcast %add3A_1909 : f32 to vector<16xf32>
      %add3A_1911 = arith.addf %add3A_1910, %mul3A_1908 : vector<16xf32>
      %mul3A_1912 = arith.mulf %mul3A_1905, %add3A_1911 : vector<16xf32>
      %add3A_1913 = arith.constant 4.000000e-01 : f32
      %add3A_1914 = vector.broadcast %add3A_1913 : f32 to vector<16xf32>
      %add3A_1915 = arith.addf %add3A_1914, %mul3A_1912 : vector<16xf32>
      %mul3A_1916 = arith.mulf %mul3A_1905, %add3A_1915 : vector<16xf32>
      %add3A_1917 = arith.constant 0.666666686 : f32
      %add3A_1918 = vector.broadcast %add3A_1917 : f32 to vector<16xf32>
      %add3A_1919 = arith.addf %add3A_1918, %mul3A_1916 : vector<16xf32>
      %mul3A_1920 = arith.mulf %mul3A_1905, %add3A_1919 : vector<16xf32>
      %add3A_1921 = arith.constant 2.000000e+00 : f32
      %add3A_1922 = vector.broadcast %add3A_1921 : f32 to vector<16xf32>
      %add3A_1923 = arith.addf %add3A_1922, %mul3A_1920 : vector<16xf32>
      %mul3A_1924 = arith.mulf %div3A_1904, %add3A_1923 : vector<16xf32>
      %max3A_1925 = arith.constant 0.000000e+00 : f32
      %max3A_1926 = vector.broadcast %max3A_1925 : f32 to vector<16xf32>
      %max3A_1927 = arith.maximumf %select_n3A_1889, %max3A_1926 : vector<16xf32>
      %add3A_1928 = arith.addf %mul3A_1924, %max3A_1927 : vector<16xf32>
      %add3A_1929 = arith.constant 1.000000e+00 : f32
      %add3A_1930 = vector.broadcast %add3A_1929 : f32 to vector<16xf32>
      %add3A_1931 = arith.addf %add3A_1930, %exp3A_1900 : vector<16xf32>
      %div3A_1932 = arith.constant 1.000000e+00 : f32
      %div3A_1933 = vector.broadcast %div3A_1932 : f32 to vector<16xf32>
      %div3A_1934 = arith.divf %div3A_1933, %add3A_1931 : vector<16xf32>
      %ge3A_1935 = arith.constant 0.000000e+00 : f32
      %ge3A_1936 = vector.broadcast %ge3A_1935 : f32 to vector<16xf32>
      %ge3A_1937 = arith.cmpf oge, %neg3A_1892, %ge3A_1936 : vector<16xf32>
      %mul3A_1938 = arith.mulf %exp3A_1900, %div3A_1934 : vector<16xf32>
      %select_n3A_1939 = arith.select %ge3A_1937, %mul3A_1938, %div3A_1934 : vector<16xi1>, vector<16xf32>
      %mul3A_1940 = arith.constant 2.500000e-01 : f32
      %mul3A_1941 = vector.broadcast %mul3A_1940 : f32 to vector<16xf32>
      %mul3A_1942 = arith.mulf %mul3A_1941, %add3A_1928 : vector<16xf32>
      %mul3A_1943 = arith.mulf %select_n3A_1939, %select_n3A_1939 : vector<16xf32>
      %mul3A_1944 = arith.mulf %mul3A_1942, %mul3A_1943 : vector<16xf32>
      %jit3A_1945 = arith.constant 0.000000e+00 : f32
      %broadcast_in_dim3A_1946 = vector.broadcast %jit3A_1945 : f32 to vector<16xf32>
      %select_n3A_1947 = arith.select %le3A_1895, %mul3A_1944, %broadcast_in_dim3A_1946 : vector<16xi1>, vector<16xf32>
      %add3A_1948 = arith.addf %add3A_1868, %select_n3A_1947 : vector<16xf32>
      %jit3A_1949 = arith.constant 1.000000e+00 : f32
      %jit3A_1950 = arith.constant 0.000000e+00 : f32
      %broadcast_in_dim3A_1951 = vector.broadcast %jit3A_1949 : f32 to vector<16xf32>
      %broadcast_in_dim3A_1952 = vector.broadcast %jit3A_1950 : f32 to vector<16xf32>
      %select_n3A_1953 = arith.select %le3A_1895, %broadcast_in_dim3A_1951, %broadcast_in_dim3A_1952 : vector<16xi1>, vector<16xf32>
      %add3A_1954 = arith.addf %add3A_1874, %select_n3A_1953 : vector<16xf32>
      %get3A_1955 = arith.index_cast %scan3A_40 : i32 to index
      %get3A_1956 = arith.constant 384 : index
      %get3A_1957 = tpu.vector_load %arg5[%get3A_1955, %get3A_1956] {strides = array<i32>} : memref<16x512xf32, #tpu.memory_space<vmem>>, vector<1x16xf32>,
      %get3A_1958 = vector.shape_cast %get3A_1957 : vector<1x16xf32> to vector<16xf32>
      %get3A_1959 = arith.index_cast %scan3A_40 : i32 to index
      %get3A_1960 = arith.constant 384 : index
      %get3A_1961 = tpu.vector_load %arg6[%get3A_1959, %get3A_1960] {strides = array<i32>} : memref<16x512xi32, #tpu.memory_space<vmem>>, vector<1x16xi32>,
      %get3A_1962 = vector.shape_cast %get3A_1961 : vector<1x16xi32> to vector<16xi32>
      %eq3A_1963 = arith.constant 1 : i32
      %eq3A_1964 = vector.broadcast %eq3A_1963 : i32 to vector<16xi32>
      %eq3A_1965 = arith.cmpi eq, %get3A_1962, %eq3A_1964 : vector<16xi32>
      %neg3A_1966 = arith.constant 0.000000e+00 : f32
      %neg3A_1967 = vector.broadcast %neg3A_1966 : f32 to vector<16xf32>
      %neg3A_1968 = arith.subf %neg3A_1967, %get3A_1958 : vector<16xf32>
      %select_n3A_1969 = arith.select %eq3A_1965, %neg3A_1968, %get3A_1958 : vector<16xi1>, vector<16xf32>
      %neg3A_1970 = arith.constant 0.000000e+00 : f32
      %neg3A_1971 = vector.broadcast %neg3A_1970 : f32 to vector<16xf32>
      %neg3A_1972 = arith.subf %neg3A_1971, %select_n3A_1969 : vector<16xf32>
      %le3A_1973 = arith.constant 0.847297847 : f32
      %le3A_1974 = vector.broadcast %le3A_1973 : f32 to vector<16xf32>
      %le3A_1975 = arith.cmpf ole, %neg3A_1972, %le3A_1974 : vector<16xf32>
      %abs3A_1976 = math.absf %get3A_1958 : vector<16xf32>
      %neg3A_1977 = arith.constant 0.000000e+00 : f32
      %neg3A_1978 = vector.broadcast %neg3A_1977 : f32 to vector<16xf32>
      %neg3A_1979 = arith.subf %neg3A_1978, %abs3A_1976 : vector<16xf32>
      %exp3A_1980 = math.exp %neg3A_1979 : vector<16xf32>
      %add3A_1981 = arith.constant 2.000000e+00 : f32
      %add3A_1982 = vector.broadcast %add3A_1981 : f32 to vector<16xf32>
      %add3A_1983 = arith.addf %add3A_1982, %exp3A_1980 : vector<16xf32>
      %div3A_1984 = arith.divf %exp3A_1980, %add3A_1983 : vector<16xf32>
      %mul3A_1985 = arith.mulf %div3A_1984, %div3A_1984 : vector<16xf32>
      %mul3A_1986 = arith.constant 0.222222224 : f32
      %mul3A_1987 = vector.broadcast %mul3A_1986 : f32 to vector<16xf32>
      %mul3A_1988 = arith.mulf %mul3A_1985, %mul3A_1987 : vector<16xf32>
      %add3A_1989 = arith.constant 0.285714298 : f32
      %add3A_1990 = vector.broadcast %add3A_1989 : f32 to vector<16xf32>
      %add3A_1991 = arith.addf %add3A_1990, %mul3A_1988 : vector<16xf32>
      %mul3A_1992 = arith.mulf %mul3A_1985, %add3A_1991 : vector<16xf32>
      %add3A_1993 = arith.constant 4.000000e-01 : f32
      %add3A_1994 = vector.broadcast %add3A_1993 : f32 to vector<16xf32>
      %add3A_1995 = arith.addf %add3A_1994, %mul3A_1992 : vector<16xf32>
      %mul3A_1996 = arith.mulf %mul3A_1985, %add3A_1995 : vector<16xf32>
      %add3A_1997 = arith.constant 0.666666686 : f32
      %add3A_1998 = vector.broadcast %add3A_1997 : f32 to vector<16xf32>
      %add3A_1999 = arith.addf %add3A_1998, %mul3A_1996 : vector<16xf32>
      %mul3A_2000 = arith.mulf %mul3A_1985, %add3A_1999 : vector<16xf32>
      %add3A_2001 = arith.constant 2.000000e+00 : f32
      %add3A_2002 = vector.broadcast %add3A_2001 : f32 to vector<16xf32>
      %add3A_2003 = arith.addf %add3A_2002, %mul3A_2000 : vector<16xf32>
      %mul3A_2004 = arith.mulf %div3A_1984, %add3A_2003 : vector<16xf32>
      %max3A_2005 = arith.constant 0.000000e+00 : f32
      %max3A_2006 = vector.broadcast %max3A_2005 : f32 to vector<16xf32>
      %max3A_2007 = arith.maximumf %select_n3A_1969, %max3A_2006 : vector<16xf32>
      %add3A_2008 = arith.addf %mul3A_2004, %max3A_2007 : vector<16xf32>
      %add3A_2009 = arith.constant 1.000000e+00 : f32
      %add3A_2010 = vector.broadcast %add3A_2009 : f32 to vector<16xf32>
      %add3A_2011 = arith.addf %add3A_2010, %exp3A_1980 : vector<16xf32>
      %div3A_2012 = arith.constant 1.000000e+00 : f32
      %div3A_2013 = vector.broadcast %div3A_2012 : f32 to vector<16xf32>
      %div3A_2014 = arith.divf %div3A_2013, %add3A_2011 : vector<16xf32>
      %ge3A_2015 = arith.constant 0.000000e+00 : f32
      %ge3A_2016 = vector.broadcast %ge3A_2015 : f32 to vector<16xf32>
      %ge3A_2017 = arith.cmpf oge, %neg3A_1972, %ge3A_2016 : vector<16xf32>
      %mul3A_2018 = arith.mulf %exp3A_1980, %div3A_2014 : vector<16xf32>
      %select_n3A_2019 = arith.select %ge3A_2017, %mul3A_2018, %div3A_2014 : vector<16xi1>, vector<16xf32>
      %mul3A_2020 = arith.constant 2.500000e-01 : f32
      %mul3A_2021 = vector.broadcast %mul3A_2020 : f32 to vector<16xf32>
      %mul3A_2022 = arith.mulf %mul3A_2021, %add3A_2008 : vector<16xf32>
      %mul3A_2023 = arith.mulf %select_n3A_2019, %select_n3A_2019 : vector<16xf32>
      %mul3A_2024 = arith.mulf %mul3A_2022, %mul3A_2023 : vector<16xf32>
      %jit3A_2025 = arith.constant 0.000000e+00 : f32
      %broadcast_in_dim3A_2026 = vector.broadcast %jit3A_2025 : f32 to vector<16xf32>
      %select_n3A_2027 = arith.select %le3A_1975, %mul3A_2024, %broadcast_in_dim3A_2026 : vector<16xi1>, vector<16xf32>
      %add3A_2028 = arith.addf %add3A_1948, %select_n3A_2027 : vector<16xf32>
      %jit3A_2029 = arith.constant 1.000000e+00 : f32
      %jit3A_2030 = arith.constant 0.000000e+00 : f32
      %broadcast_in_dim3A_2031 = vector.broadcast %jit3A_2029 : f32 to vector<16xf32>
      %broadcast_in_dim3A_2032 = vector.broadcast %jit3A_2030 : f32 to vector<16xf32>
      %select_n3A_2033 = arith.select %le3A_1975, %broadcast_in_dim3A_2031, %broadcast_in_dim3A_2032 : vector<16xi1>, vector<16xf32>
      %add3A_2034 = arith.addf %add3A_1954, %select_n3A_2033 : vector<16xf32>
      %get3A_2035 = arith.index_cast %scan3A_40 : i32 to index
      %get3A_2036 = arith.constant 400 : index
      %get3A_2037 = tpu.vector_load %arg5[%get3A_2035, %get3A_2036] {strides = array<i32>} : memref<16x512xf32, #tpu.memory_space<vmem>>, vector<1x16xf32>,
      %get3A_2038 = vector.shape_cast %get3A_2037 : vector<1x16xf32> to vector<16xf32>
      %get3A_2039 = arith.index_cast %scan3A_40 : i32 to index
      %get3A_2040 = arith.constant 400 : index
      %get3A_2041 = tpu.vector_load %arg6[%get3A_2039, %get3A_2040] {strides = array<i32>} : memref<16x512xi32, #tpu.memory_space<vmem>>, vector<1x16xi32>,
      %get3A_2042 = vector.shape_cast %get3A_2041 : vector<1x16xi32> to vector<16xi32>
      %eq3A_2043 = arith.constant 1 : i32
      %eq3A_2044 = vector.broadcast %eq3A_2043 : i32 to vector<16xi32>
      %eq3A_2045 = arith.cmpi eq, %get3A_2042, %eq3A_2044 : vector<16xi32>
      %neg3A_2046 = arith.constant 0.000000e+00 : f32
      %neg3A_2047 = vector.broadcast %neg3A_2046 : f32 to vector<16xf32>
      %neg3A_2048 = arith.subf %neg3A_2047, %get3A_2038 : vector<16xf32>
      %select_n3A_2049 = arith.select %eq3A_2045, %neg3A_2048, %get3A_2038 : vector<16xi1>, vector<16xf32>
      %neg3A_2050 = arith.constant 0.000000e+00 : f32
      %neg3A_2051 = vector.broadcast %neg3A_2050 : f32 to vector<16xf32>
      %neg3A_2052 = arith.subf %neg3A_2051, %select_n3A_2049 : vector<16xf32>
      %le3A_2053 = arith.constant 0.847297847 : f32
      %le3A_2054 = vector.broadcast %le3A_2053 : f32 to vector<16xf32>
      %le3A_2055 = arith.cmpf ole, %neg3A_2052, %le3A_2054 : vector<16xf32>
      %abs3A_2056 = math.absf %get3A_2038 : vector<16xf32>
      %neg3A_2057 = arith.constant 0.000000e+00 : f32
      %neg3A_2058 = vector.broadcast %neg3A_2057 : f32 to vector<16xf32>
      %neg3A_2059 = arith.subf %neg3A_2058, %abs3A_2056 : vector<16xf32>
      %exp3A_2060 = math.exp %neg3A_2059 : vector<16xf32>
      %add3A_2061 = arith.constant 2.000000e+00 : f32
      %add3A_2062 = vector.broadcast %add3A_2061 : f32 to vector<16xf32>
      %add3A_2063 = arith.addf %add3A_2062, %exp3A_2060 : vector<16xf32>
      %div3A_2064 = arith.divf %exp3A_2060, %add3A_2063 : vector<16xf32>
      %mul3A_2065 = arith.mulf %div3A_2064, %div3A_2064 : vector<16xf32>
      %mul3A_2066 = arith.constant 0.222222224 : f32
      %mul3A_2067 = vector.broadcast %mul3A_2066 : f32 to vector<16xf32>
      %mul3A_2068 = arith.mulf %mul3A_2065, %mul3A_2067 : vector<16xf32>
      %add3A_2069 = arith.constant 0.285714298 : f32
      %add3A_2070 = vector.broadcast %add3A_2069 : f32 to vector<16xf32>
      %add3A_2071 = arith.addf %add3A_2070, %mul3A_2068 : vector<16xf32>
      %mul3A_2072 = arith.mulf %mul3A_2065, %add3A_2071 : vector<16xf32>
      %add3A_2073 = arith.constant 4.000000e-01 : f32
      %add3A_2074 = vector.broadcast %add3A_2073 : f32 to vector<16xf32>
      %add3A_2075 = arith.addf %add3A_2074, %mul3A_2072 : vector<16xf32>
      %mul3A_2076 = arith.mulf %mul3A_2065, %add3A_2075 : vector<16xf32>
      %add3A_2077 = arith.constant 0.666666686 : f32
      %add3A_2078 = vector.broadcast %add3A_2077 : f32 to vector<16xf32>
      %add3A_2079 = arith.addf %add3A_2078, %mul3A_2076 : vector<16xf32>
      %mul3A_2080 = arith.mulf %mul3A_2065, %add3A_2079 : vector<16xf32>
      %add3A_2081 = arith.constant 2.000000e+00 : f32
      %add3A_2082 = vector.broadcast %add3A_2081 : f32 to vector<16xf32>
      %add3A_2083 = arith.addf %add3A_2082, %mul3A_2080 : vector<16xf32>
      %mul3A_2084 = arith.mulf %div3A_2064, %add3A_2083 : vector<16xf32>
      %max3A_2085 = arith.constant 0.000000e+00 : f32
      %max3A_2086 = vector.broadcast %max3A_2085 : f32 to vector<16xf32>
      %max3A_2087 = arith.maximumf %select_n3A_2049, %max3A_2086 : vector<16xf32>
      %add3A_2088 = arith.addf %mul3A_2084, %max3A_2087 : vector<16xf32>
      %add3A_2089 = arith.constant 1.000000e+00 : f32
      %add3A_2090 = vector.broadcast %add3A_2089 : f32 to vector<16xf32>
      %add3A_2091 = arith.addf %add3A_2090, %exp3A_2060 : vector<16xf32>
      %div3A_2092 = arith.constant 1.000000e+00 : f32
      %div3A_2093 = vector.broadcast %div3A_2092 : f32 to vector<16xf32>
      %div3A_2094 = arith.divf %div3A_2093, %add3A_2091 : vector<16xf32>
      %ge3A_2095 = arith.constant 0.000000e+00 : f32
      %ge3A_2096 = vector.broadcast %ge3A_2095 : f32 to vector<16xf32>
      %ge3A_2097 = arith.cmpf oge, %neg3A_2052, %ge3A_2096 : vector<16xf32>
      %mul3A_2098 = arith.mulf %exp3A_2060, %div3A_2094 : vector<16xf32>
      %select_n3A_2099 = arith.select %ge3A_2097, %mul3A_2098, %div3A_2094 : vector<16xi1>, vector<16xf32>
      %mul3A_2100 = arith.constant 2.500000e-01 : f32
      %mul3A_2101 = vector.broadcast %mul3A_2100 : f32 to vector<16xf32>
      %mul3A_2102 = arith.mulf %mul3A_2101, %add3A_2088 : vector<16xf32>
      %mul3A_2103 = arith.mulf %select_n3A_2099, %select_n3A_2099 : vector<16xf32>
      %mul3A_2104 = arith.mulf %mul3A_2102, %mul3A_2103 : vector<16xf32>
      %jit3A_2105 = arith.constant 0.000000e+00 : f32
      %broadcast_in_dim3A_2106 = vector.broadcast %jit3A_2105 : f32 to vector<16xf32>
      %select_n3A_2107 = arith.select %le3A_2055, %mul3A_2104, %broadcast_in_dim3A_2106 : vector<16xi1>, vector<16xf32>
      %add3A_2108 = arith.addf %add3A_2028, %select_n3A_2107 : vector<16xf32>
      %jit3A_2109 = arith.constant 1.000000e+00 : f32
      %jit3A_2110 = arith.constant 0.000000e+00 : f32
      %broadcast_in_dim3A_2111 = vector.broadcast %jit3A_2109 : f32 to vector<16xf32>
      %broadcast_in_dim3A_2112 = vector.broadcast %jit3A_2110 : f32 to vector<16xf32>
      %select_n3A_2113 = arith.select %le3A_2055, %broadcast_in_dim3A_2111, %broadcast_in_dim3A_2112 : vector<16xi1>, vector<16xf32>
      %add3A_2114 = arith.addf %add3A_2034, %select_n3A_2113 : vector<16xf32>
      %get3A_2115 = arith.index_cast %scan3A_40 : i32 to index
      %get3A_2116 = arith.constant 416 : index
      %get3A_2117 = tpu.vector_load %arg5[%get3A_2115, %get3A_2116] {strides = array<i32>} : memref<16x512xf32, #tpu.memory_space<vmem>>, vector<1x16xf32>,
      %get3A_2118 = vector.shape_cast %get3A_2117 : vector<1x16xf32> to vector<16xf32>
      %get3A_2119 = arith.index_cast %scan3A_40 : i32 to index
      %get3A_2120 = arith.constant 416 : index
      %get3A_2121 = tpu.vector_load %arg6[%get3A_2119, %get3A_2120] {strides = array<i32>} : memref<16x512xi32, #tpu.memory_space<vmem>>, vector<1x16xi32>,
      %get3A_2122 = vector.shape_cast %get3A_2121 : vector<1x16xi32> to vector<16xi32>
      %eq3A_2123 = arith.constant 1 : i32
      %eq3A_2124 = vector.broadcast %eq3A_2123 : i32 to vector<16xi32>
      %eq3A_2125 = arith.cmpi eq, %get3A_2122, %eq3A_2124 : vector<16xi32>
      %neg3A_2126 = arith.constant 0.000000e+00 : f32
      %neg3A_2127 = vector.broadcast %neg3A_2126 : f32 to vector<16xf32>
      %neg3A_2128 = arith.subf %neg3A_2127, %get3A_2118 : vector<16xf32>
      %select_n3A_2129 = arith.select %eq3A_2125, %neg3A_2128, %get3A_2118 : vector<16xi1>, vector<16xf32>
      %neg3A_2130 = arith.constant 0.000000e+00 : f32
      %neg3A_2131 = vector.broadcast %neg3A_2130 : f32 to vector<16xf32>
      %neg3A_2132 = arith.subf %neg3A_2131, %select_n3A_2129 : vector<16xf32>
      %le3A_2133 = arith.constant 0.847297847 : f32
      %le3A_2134 = vector.broadcast %le3A_2133 : f32 to vector<16xf32>
      %le3A_2135 = arith.cmpf ole, %neg3A_2132, %le3A_2134 : vector<16xf32>
      %abs3A_2136 = math.absf %get3A_2118 : vector<16xf32>
      %neg3A_2137 = arith.constant 0.000000e+00 : f32
      %neg3A_2138 = vector.broadcast %neg3A_2137 : f32 to vector<16xf32>
      %neg3A_2139 = arith.subf %neg3A_2138, %abs3A_2136 : vector<16xf32>
      %exp3A_2140 = math.exp %neg3A_2139 : vector<16xf32>
      %add3A_2141 = arith.constant 2.000000e+00 : f32
      %add3A_2142 = vector.broadcast %add3A_2141 : f32 to vector<16xf32>
      %add3A_2143 = arith.addf %add3A_2142, %exp3A_2140 : vector<16xf32>
      %div3A_2144 = arith.divf %exp3A_2140, %add3A_2143 : vector<16xf32>
      %mul3A_2145 = arith.mulf %div3A_2144, %div3A_2144 : vector<16xf32>
      %mul3A_2146 = arith.constant 0.222222224 : f32
      %mul3A_2147 = vector.broadcast %mul3A_2146 : f32 to vector<16xf32>
      %mul3A_2148 = arith.mulf %mul3A_2145, %mul3A_2147 : vector<16xf32>
      %add3A_2149 = arith.constant 0.285714298 : f32
      %add3A_2150 = vector.broadcast %add3A_2149 : f32 to vector<16xf32>
      %add3A_2151 = arith.addf %add3A_2150, %mul3A_2148 : vector<16xf32>
      %mul3A_2152 = arith.mulf %mul3A_2145, %add3A_2151 : vector<16xf32>
      %add3A_2153 = arith.constant 4.000000e-01 : f32
      %add3A_2154 = vector.broadcast %add3A_2153 : f32 to vector<16xf32>
      %add3A_2155 = arith.addf %add3A_2154, %mul3A_2152 : vector<16xf32>
      %mul3A_2156 = arith.mulf %mul3A_2145, %add3A_2155 : vector<16xf32>
      %add3A_2157 = arith.constant 0.666666686 : f32
      %add3A_2158 = vector.broadcast %add3A_2157 : f32 to vector<16xf32>
      %add3A_2159 = arith.addf %add3A_2158, %mul3A_2156 : vector<16xf32>
      %mul3A_2160 = arith.mulf %mul3A_2145, %add3A_2159 : vector<16xf32>
      %add3A_2161 = arith.constant 2.000000e+00 : f32
      %add3A_2162 = vector.broadcast %add3A_2161 : f32 to vector<16xf32>
      %add3A_2163 = arith.addf %add3A_2162, %mul3A_2160 : vector<16xf32>
      %mul3A_2164 = arith.mulf %div3A_2144, %add3A_2163 : vector<16xf32>
      %max3A_2165 = arith.constant 0.000000e+00 : f32
      %max3A_2166 = vector.broadcast %max3A_2165 : f32 to vector<16xf32>
      %max3A_2167 = arith.maximumf %select_n3A_2129, %max3A_2166 : vector<16xf32>
      %add3A_2168 = arith.addf %mul3A_2164, %max3A_2167 : vector<16xf32>
      %add3A_2169 = arith.constant 1.000000e+00 : f32
      %add3A_2170 = vector.broadcast %add3A_2169 : f32 to vector<16xf32>
      %add3A_2171 = arith.addf %add3A_2170, %exp3A_2140 : vector<16xf32>
      %div3A_2172 = arith.constant 1.000000e+00 : f32
      %div3A_2173 = vector.broadcast %div3A_2172 : f32 to vector<16xf32>
      %div3A_2174 = arith.divf %div3A_2173, %add3A_2171 : vector<16xf32>
      %ge3A_2175 = arith.constant 0.000000e+00 : f32
      %ge3A_2176 = vector.broadcast %ge3A_2175 : f32 to vector<16xf32>
      %ge3A_2177 = arith.cmpf oge, %neg3A_2132, %ge3A_2176 : vector<16xf32>
      %mul3A_2178 = arith.mulf %exp3A_2140, %div3A_2174 : vector<16xf32>
      %select_n3A_2179 = arith.select %ge3A_2177, %mul3A_2178, %div3A_2174 : vector<16xi1>, vector<16xf32>
      %mul3A_2180 = arith.constant 2.500000e-01 : f32
      %mul3A_2181 = vector.broadcast %mul3A_2180 : f32 to vector<16xf32>
      %mul3A_2182 = arith.mulf %mul3A_2181, %add3A_2168 : vector<16xf32>
      %mul3A_2183 = arith.mulf %select_n3A_2179, %select_n3A_2179 : vector<16xf32>
      %mul3A_2184 = arith.mulf %mul3A_2182, %mul3A_2183 : vector<16xf32>
      %jit3A_2185 = arith.constant 0.000000e+00 : f32
      %broadcast_in_dim3A_2186 = vector.broadcast %jit3A_2185 : f32 to vector<16xf32>
      %select_n3A_2187 = arith.select %le3A_2135, %mul3A_2184, %broadcast_in_dim3A_2186 : vector<16xi1>, vector<16xf32>
      %add3A_2188 = arith.addf %add3A_2108, %select_n3A_2187 : vector<16xf32>
      %jit3A_2189 = arith.constant 1.000000e+00 : f32
      %jit3A_2190 = arith.constant 0.000000e+00 : f32
      %broadcast_in_dim3A_2191 = vector.broadcast %jit3A_2189 : f32 to vector<16xf32>
      %broadcast_in_dim3A_2192 = vector.broadcast %jit3A_2190 : f32 to vector<16xf32>
      %select_n3A_2193 = arith.select %le3A_2135, %broadcast_in_dim3A_2191, %broadcast_in_dim3A_2192 : vector<16xi1>, vector<16xf32>
      %add3A_2194 = arith.addf %add3A_2114, %select_n3A_2193 : vector<16xf32>
      %get3A_2195 = arith.index_cast %scan3A_40 : i32 to index
      %get3A_2196 = arith.constant 432 : index
      %get3A_2197 = tpu.vector_load %arg5[%get3A_2195, %get3A_2196] {strides = array<i32>} : memref<16x512xf32, #tpu.memory_space<vmem>>, vector<1x16xf32>,
      %get3A_2198 = vector.shape_cast %get3A_2197 : vector<1x16xf32> to vector<16xf32>
      %get3A_2199 = arith.index_cast %scan3A_40 : i32 to index
      %get3A_2200 = arith.constant 432 : index
      %get3A_2201 = tpu.vector_load %arg6[%get3A_2199, %get3A_2200] {strides = array<i32>} : memref<16x512xi32, #tpu.memory_space<vmem>>, vector<1x16xi32>,
      %get3A_2202 = vector.shape_cast %get3A_2201 : vector<1x16xi32> to vector<16xi32>
      %eq3A_2203 = arith.constant 1 : i32
      %eq3A_2204 = vector.broadcast %eq3A_2203 : i32 to vector<16xi32>
      %eq3A_2205 = arith.cmpi eq, %get3A_2202, %eq3A_2204 : vector<16xi32>
      %neg3A_2206 = arith.constant 0.000000e+00 : f32
      %neg3A_2207 = vector.broadcast %neg3A_2206 : f32 to vector<16xf32>
      %neg3A_2208 = arith.subf %neg3A_2207, %get3A_2198 : vector<16xf32>
      %select_n3A_2209 = arith.select %eq3A_2205, %neg3A_2208, %get3A_2198 : vector<16xi1>, vector<16xf32>
      %neg3A_2210 = arith.constant 0.000000e+00 : f32
      %neg3A_2211 = vector.broadcast %neg3A_2210 : f32 to vector<16xf32>
      %neg3A_2212 = arith.subf %neg3A_2211, %select_n3A_2209 : vector<16xf32>
      %le3A_2213 = arith.constant 0.847297847 : f32
      %le3A_2214 = vector.broadcast %le3A_2213 : f32 to vector<16xf32>
      %le3A_2215 = arith.cmpf ole, %neg3A_2212, %le3A_2214 : vector<16xf32>
      %abs3A_2216 = math.absf %get3A_2198 : vector<16xf32>
      %neg3A_2217 = arith.constant 0.000000e+00 : f32
      %neg3A_2218 = vector.broadcast %neg3A_2217 : f32 to vector<16xf32>
      %neg3A_2219 = arith.subf %neg3A_2218, %abs3A_2216 : vector<16xf32>
      %exp3A_2220 = math.exp %neg3A_2219 : vector<16xf32>
      %add3A_2221 = arith.constant 2.000000e+00 : f32
      %add3A_2222 = vector.broadcast %add3A_2221 : f32 to vector<16xf32>
      %add3A_2223 = arith.addf %add3A_2222, %exp3A_2220 : vector<16xf32>
      %div3A_2224 = arith.divf %exp3A_2220, %add3A_2223 : vector<16xf32>
      %mul3A_2225 = arith.mulf %div3A_2224, %div3A_2224 : vector<16xf32>
      %mul3A_2226 = arith.constant 0.222222224 : f32
      %mul3A_2227 = vector.broadcast %mul3A_2226 : f32 to vector<16xf32>
      %mul3A_2228 = arith.mulf %mul3A_2225, %mul3A_2227 : vector<16xf32>
      %add3A_2229 = arith.constant 0.285714298 : f32
      %add3A_2230 = vector.broadcast %add3A_2229 : f32 to vector<16xf32>
      %add3A_2231 = arith.addf %add3A_2230, %mul3A_2228 : vector<16xf32>
      %mul3A_2232 = arith.mulf %mul3A_2225, %add3A_2231 : vector<16xf32>
      %add3A_2233 = arith.constant 4.000000e-01 : f32
      %add3A_2234 = vector.broadcast %add3A_2233 : f32 to vector<16xf32>
      %add3A_2235 = arith.addf %add3A_2234, %mul3A_2232 : vector<16xf32>
      %mul3A_2236 = arith.mulf %mul3A_2225, %add3A_2235 : vector<16xf32>
      %add3A_2237 = arith.constant 0.666666686 : f32
      %add3A_2238 = vector.broadcast %add3A_2237 : f32 to vector<16xf32>
      %add3A_2239 = arith.addf %add3A_2238, %mul3A_2236 : vector<16xf32>
      %mul3A_2240 = arith.mulf %mul3A_2225, %add3A_2239 : vector<16xf32>
      %add3A_2241 = arith.constant 2.000000e+00 : f32
      %add3A_2242 = vector.broadcast %add3A_2241 : f32 to vector<16xf32>
      %add3A_2243 = arith.addf %add3A_2242, %mul3A_2240 : vector<16xf32>
      %mul3A_2244 = arith.mulf %div3A_2224, %add3A_2243 : vector<16xf32>
      %max3A_2245 = arith.constant 0.000000e+00 : f32
      %max3A_2246 = vector.broadcast %max3A_2245 : f32 to vector<16xf32>
      %max3A_2247 = arith.maximumf %select_n3A_2209, %max3A_2246 : vector<16xf32>
      %add3A_2248 = arith.addf %mul3A_2244, %max3A_2247 : vector<16xf32>
      %add3A_2249 = arith.constant 1.000000e+00 : f32
      %add3A_2250 = vector.broadcast %add3A_2249 : f32 to vector<16xf32>
      %add3A_2251 = arith.addf %add3A_2250, %exp3A_2220 : vector<16xf32>
      %div3A_2252 = arith.constant 1.000000e+00 : f32
      %div3A_2253 = vector.broadcast %div3A_2252 : f32 to vector<16xf32>
      %div3A_2254 = arith.divf %div3A_2253, %add3A_2251 : vector<16xf32>
      %ge3A_2255 = arith.constant 0.000000e+00 : f32
      %ge3A_2256 = vector.broadcast %ge3A_2255 : f32 to vector<16xf32>
      %ge3A_2257 = arith.cmpf oge, %neg3A_2212, %ge3A_2256 : vector<16xf32>
      %mul3A_2258 = arith.mulf %exp3A_2220, %div3A_2254 : vector<16xf32>
      %select_n3A_2259 = arith.select %ge3A_2257, %mul3A_2258, %div3A_2254 : vector<16xi1>, vector<16xf32>
      %mul3A_2260 = arith.constant 2.500000e-01 : f32
      %mul3A_2261 = vector.broadcast %mul3A_2260 : f32 to vector<16xf32>
      %mul3A_2262 = arith.mulf %mul3A_2261, %add3A_2248 : vector<16xf32>
      %mul3A_2263 = arith.mulf %select_n3A_2259, %select_n3A_2259 : vector<16xf32>
      %mul3A_2264 = arith.mulf %mul3A_2262, %mul3A_2263 : vector<16xf32>
      %jit3A_2265 = arith.constant 0.000000e+00 : f32
      %broadcast_in_dim3A_2266 = vector.broadcast %jit3A_2265 : f32 to vector<16xf32>
      %select_n3A_2267 = arith.select %le3A_2215, %mul3A_2264, %broadcast_in_dim3A_2266 : vector<16xi1>, vector<16xf32>
      %add3A_2268 = arith.addf %add3A_2188, %select_n3A_2267 : vector<16xf32>
      %jit3A_2269 = arith.constant 1.000000e+00 : f32
      %jit3A_2270 = arith.constant 0.000000e+00 : f32
      %broadcast_in_dim3A_2271 = vector.broadcast %jit3A_2269 : f32 to vector<16xf32>
      %broadcast_in_dim3A_2272 = vector.broadcast %jit3A_2270 : f32 to vector<16xf32>
      %select_n3A_2273 = arith.select %le3A_2215, %broadcast_in_dim3A_2271, %broadcast_in_dim3A_2272 : vector<16xi1>, vector<16xf32>
      %add3A_2274 = arith.addf %add3A_2194, %select_n3A_2273 : vector<16xf32>
      %get3A_2275 = arith.index_cast %scan3A_40 : i32 to index
      %get3A_2276 = arith.constant 448 : index
      %get3A_2277 = tpu.vector_load %arg5[%get3A_2275, %get3A_2276] {strides = array<i32>} : memref<16x512xf32, #tpu.memory_space<vmem>>, vector<1x16xf32>,
      %get3A_2278 = vector.shape_cast %get3A_2277 : vector<1x16xf32> to vector<16xf32>
      %get3A_2279 = arith.index_cast %scan3A_40 : i32 to index
      %get3A_2280 = arith.constant 448 : index
      %get3A_2281 = tpu.vector_load %arg6[%get3A_2279, %get3A_2280] {strides = array<i32>} : memref<16x512xi32, #tpu.memory_space<vmem>>, vector<1x16xi32>,
      %get3A_2282 = vector.shape_cast %get3A_2281 : vector<1x16xi32> to vector<16xi32>
      %eq3A_2283 = arith.constant 1 : i32
      %eq3A_2284 = vector.broadcast %eq3A_2283 : i32 to vector<16xi32>
      %eq3A_2285 = arith.cmpi eq, %get3A_2282, %eq3A_2284 : vector<16xi32>
      %neg3A_2286 = arith.constant 0.000000e+00 : f32
      %neg3A_2287 = vector.broadcast %neg3A_2286 : f32 to vector<16xf32>
      %neg3A_2288 = arith.subf %neg3A_2287, %get3A_2278 : vector<16xf32>
      %select_n3A_2289 = arith.select %eq3A_2285, %neg3A_2288, %get3A_2278 : vector<16xi1>, vector<16xf32>
      %neg3A_2290 = arith.constant 0.000000e+00 : f32
      %neg3A_2291 = vector.broadcast %neg3A_2290 : f32 to vector<16xf32>
      %neg3A_2292 = arith.subf %neg3A_2291, %select_n3A_2289 : vector<16xf32>
      %le3A_2293 = arith.constant 0.847297847 : f32
      %le3A_2294 = vector.broadcast %le3A_2293 : f32 to vector<16xf32>
      %le3A_2295 = arith.cmpf ole, %neg3A_2292, %le3A_2294 : vector<16xf32>
      %abs3A_2296 = math.absf %get3A_2278 : vector<16xf32>
      %neg3A_2297 = arith.constant 0.000000e+00 : f32
      %neg3A_2298 = vector.broadcast %neg3A_2297 : f32 to vector<16xf32>
      %neg3A_2299 = arith.subf %neg3A_2298, %abs3A_2296 : vector<16xf32>
      %exp3A_2300 = math.exp %neg3A_2299 : vector<16xf32>
      %add3A_2301 = arith.constant 2.000000e+00 : f32
      %add3A_2302 = vector.broadcast %add3A_2301 : f32 to vector<16xf32>
      %add3A_2303 = arith.addf %add3A_2302, %exp3A_2300 : vector<16xf32>
      %div3A_2304 = arith.divf %exp3A_2300, %add3A_2303 : vector<16xf32>
      %mul3A_2305 = arith.mulf %div3A_2304, %div3A_2304 : vector<16xf32>
      %mul3A_2306 = arith.constant 0.222222224 : f32
      %mul3A_2307 = vector.broadcast %mul3A_2306 : f32 to vector<16xf32>
      %mul3A_2308 = arith.mulf %mul3A_2305, %mul3A_2307 : vector<16xf32>
      %add3A_2309 = arith.constant 0.285714298 : f32
      %add3A_2310 = vector.broadcast %add3A_2309 : f32 to vector<16xf32>
      %add3A_2311 = arith.addf %add3A_2310, %mul3A_2308 : vector<16xf32>
      %mul3A_2312 = arith.mulf %mul3A_2305, %add3A_2311 : vector<16xf32>
      %add3A_2313 = arith.constant 4.000000e-01 : f32
      %add3A_2314 = vector.broadcast %add3A_2313 : f32 to vector<16xf32>
      %add3A_2315 = arith.addf %add3A_2314, %mul3A_2312 : vector<16xf32>
      %mul3A_2316 = arith.mulf %mul3A_2305, %add3A_2315 : vector<16xf32>
      %add3A_2317 = arith.constant 0.666666686 : f32
      %add3A_2318 = vector.broadcast %add3A_2317 : f32 to vector<16xf32>
      %add3A_2319 = arith.addf %add3A_2318, %mul3A_2316 : vector<16xf32>
      %mul3A_2320 = arith.mulf %mul3A_2305, %add3A_2319 : vector<16xf32>
      %add3A_2321 = arith.constant 2.000000e+00 : f32
      %add3A_2322 = vector.broadcast %add3A_2321 : f32 to vector<16xf32>
      %add3A_2323 = arith.addf %add3A_2322, %mul3A_2320 : vector<16xf32>
      %mul3A_2324 = arith.mulf %div3A_2304, %add3A_2323 : vector<16xf32>
      %max3A_2325 = arith.constant 0.000000e+00 : f32
      %max3A_2326 = vector.broadcast %max3A_2325 : f32 to vector<16xf32>
      %max3A_2327 = arith.maximumf %select_n3A_2289, %max3A_2326 : vector<16xf32>
      %add3A_2328 = arith.addf %mul3A_2324, %max3A_2327 : vector<16xf32>
      %add3A_2329 = arith.constant 1.000000e+00 : f32
      %add3A_2330 = vector.broadcast %add3A_2329 : f32 to vector<16xf32>
      %add3A_2331 = arith.addf %add3A_2330, %exp3A_2300 : vector<16xf32>
      %div3A_2332 = arith.constant 1.000000e+00 : f32
      %div3A_2333 = vector.broadcast %div3A_2332 : f32 to vector<16xf32>
      %div3A_2334 = arith.divf %div3A_2333, %add3A_2331 : vector<16xf32>
      %ge3A_2335 = arith.constant 0.000000e+00 : f32
      %ge3A_2336 = vector.broadcast %ge3A_2335 : f32 to vector<16xf32>
      %ge3A_2337 = arith.cmpf oge, %neg3A_2292, %ge3A_2336 : vector<16xf32>
      %mul3A_2338 = arith.mulf %exp3A_2300, %div3A_2334 : vector<16xf32>
      %select_n3A_2339 = arith.select %ge3A_2337, %mul3A_2338, %div3A_2334 : vector<16xi1>, vector<16xf32>
      %mul3A_2340 = arith.constant 2.500000e-01 : f32
      %mul3A_2341 = vector.broadcast %mul3A_2340 : f32 to vector<16xf32>
      %mul3A_2342 = arith.mulf %mul3A_2341, %add3A_2328 : vector<16xf32>
      %mul3A_2343 = arith.mulf %select_n3A_2339, %select_n3A_2339 : vector<16xf32>
      %mul3A_2344 = arith.mulf %mul3A_2342, %mul3A_2343 : vector<16xf32>
      %jit3A_2345 = arith.constant 0.000000e+00 : f32
      %broadcast_in_dim3A_2346 = vector.broadcast %jit3A_2345 : f32 to vector<16xf32>
      %select_n3A_2347 = arith.select %le3A_2295, %mul3A_2344, %broadcast_in_dim3A_2346 : vector<16xi1>, vector<16xf32>
      %add3A_2348 = arith.addf %add3A_2268, %select_n3A_2347 : vector<16xf32>
      %jit3A_2349 = arith.constant 1.000000e+00 : f32
      %jit3A_2350 = arith.constant 0.000000e+00 : f32
      %broadcast_in_dim3A_2351 = vector.broadcast %jit3A_2349 : f32 to vector<16xf32>
      %broadcast_in_dim3A_2352 = vector.broadcast %jit3A_2350 : f32 to vector<16xf32>
      %select_n3A_2353 = arith.select %le3A_2295, %broadcast_in_dim3A_2351, %broadcast_in_dim3A_2352 : vector<16xi1>, vector<16xf32>
      %add3A_2354 = arith.addf %add3A_2274, %select_n3A_2353 : vector<16xf32>
      %get3A_2355 = arith.index_cast %scan3A_40 : i32 to index
      %get3A_2356 = arith.constant 464 : index
      %get3A_2357 = tpu.vector_load %arg5[%get3A_2355, %get3A_2356] {strides = array<i32>} : memref<16x512xf32, #tpu.memory_space<vmem>>, vector<1x16xf32>,
      %get3A_2358 = vector.shape_cast %get3A_2357 : vector<1x16xf32> to vector<16xf32>
      %get3A_2359 = arith.index_cast %scan3A_40 : i32 to index
      %get3A_2360 = arith.constant 464 : index
      %get3A_2361 = tpu.vector_load %arg6[%get3A_2359, %get3A_2360] {strides = array<i32>} : memref<16x512xi32, #tpu.memory_space<vmem>>, vector<1x16xi32>,
      %get3A_2362 = vector.shape_cast %get3A_2361 : vector<1x16xi32> to vector<16xi32>
      %eq3A_2363 = arith.constant 1 : i32
      %eq3A_2364 = vector.broadcast %eq3A_2363 : i32 to vector<16xi32>
      %eq3A_2365 = arith.cmpi eq, %get3A_2362, %eq3A_2364 : vector<16xi32>
      %neg3A_2366 = arith.constant 0.000000e+00 : f32
      %neg3A_2367 = vector.broadcast %neg3A_2366 : f32 to vector<16xf32>
      %neg3A_2368 = arith.subf %neg3A_2367, %get3A_2358 : vector<16xf32>
      %select_n3A_2369 = arith.select %eq3A_2365, %neg3A_2368, %get3A_2358 : vector<16xi1>, vector<16xf32>
      %neg3A_2370 = arith.constant 0.000000e+00 : f32
      %neg3A_2371 = vector.broadcast %neg3A_2370 : f32 to vector<16xf32>
      %neg3A_2372 = arith.subf %neg3A_2371, %select_n3A_2369 : vector<16xf32>
      %le3A_2373 = arith.constant 0.847297847 : f32
      %le3A_2374 = vector.broadcast %le3A_2373 : f32 to vector<16xf32>
      %le3A_2375 = arith.cmpf ole, %neg3A_2372, %le3A_2374 : vector<16xf32>
      %abs3A_2376 = math.absf %get3A_2358 : vector<16xf32>
      %neg3A_2377 = arith.constant 0.000000e+00 : f32
      %neg3A_2378 = vector.broadcast %neg3A_2377 : f32 to vector<16xf32>
      %neg3A_2379 = arith.subf %neg3A_2378, %abs3A_2376 : vector<16xf32>
      %exp3A_2380 = math.exp %neg3A_2379 : vector<16xf32>
      %add3A_2381 = arith.constant 2.000000e+00 : f32
      %add3A_2382 = vector.broadcast %add3A_2381 : f32 to vector<16xf32>
      %add3A_2383 = arith.addf %add3A_2382, %exp3A_2380 : vector<16xf32>
      %div3A_2384 = arith.divf %exp3A_2380, %add3A_2383 : vector<16xf32>
      %mul3A_2385 = arith.mulf %div3A_2384, %div3A_2384 : vector<16xf32>
      %mul3A_2386 = arith.constant 0.222222224 : f32
      %mul3A_2387 = vector.broadcast %mul3A_2386 : f32 to vector<16xf32>
      %mul3A_2388 = arith.mulf %mul3A_2385, %mul3A_2387 : vector<16xf32>
      %add3A_2389 = arith.constant 0.285714298 : f32
      %add3A_2390 = vector.broadcast %add3A_2389 : f32 to vector<16xf32>
      %add3A_2391 = arith.addf %add3A_2390, %mul3A_2388 : vector<16xf32>
      %mul3A_2392 = arith.mulf %mul3A_2385, %add3A_2391 : vector<16xf32>
      %add3A_2393 = arith.constant 4.000000e-01 : f32
      %add3A_2394 = vector.broadcast %add3A_2393 : f32 to vector<16xf32>
      %add3A_2395 = arith.addf %add3A_2394, %mul3A_2392 : vector<16xf32>
      %mul3A_2396 = arith.mulf %mul3A_2385, %add3A_2395 : vector<16xf32>
      %add3A_2397 = arith.constant 0.666666686 : f32
      %add3A_2398 = vector.broadcast %add3A_2397 : f32 to vector<16xf32>
      %add3A_2399 = arith.addf %add3A_2398, %mul3A_2396 : vector<16xf32>
      %mul3A_2400 = arith.mulf %mul3A_2385, %add3A_2399 : vector<16xf32>
      %add3A_2401 = arith.constant 2.000000e+00 : f32
      %add3A_2402 = vector.broadcast %add3A_2401 : f32 to vector<16xf32>
      %add3A_2403 = arith.addf %add3A_2402, %mul3A_2400 : vector<16xf32>
      %mul3A_2404 = arith.mulf %div3A_2384, %add3A_2403 : vector<16xf32>
      %max3A_2405 = arith.constant 0.000000e+00 : f32
      %max3A_2406 = vector.broadcast %max3A_2405 : f32 to vector<16xf32>
      %max3A_2407 = arith.maximumf %select_n3A_2369, %max3A_2406 : vector<16xf32>
      %add3A_2408 = arith.addf %mul3A_2404, %max3A_2407 : vector<16xf32>
      %add3A_2409 = arith.constant 1.000000e+00 : f32
      %add3A_2410 = vector.broadcast %add3A_2409 : f32 to vector<16xf32>
      %add3A_2411 = arith.addf %add3A_2410, %exp3A_2380 : vector<16xf32>
      %div3A_2412 = arith.constant 1.000000e+00 : f32
      %div3A_2413 = vector.broadcast %div3A_2412 : f32 to vector<16xf32>
      %div3A_2414 = arith.divf %div3A_2413, %add3A_2411 : vector<16xf32>
      %ge3A_2415 = arith.constant 0.000000e+00 : f32
      %ge3A_2416 = vector.broadcast %ge3A_2415 : f32 to vector<16xf32>
      %ge3A_2417 = arith.cmpf oge, %neg3A_2372, %ge3A_2416 : vector<16xf32>
      %mul3A_2418 = arith.mulf %exp3A_2380, %div3A_2414 : vector<16xf32>
      %select_n3A_2419 = arith.select %ge3A_2417, %mul3A_2418, %div3A_2414 : vector<16xi1>, vector<16xf32>
      %mul3A_2420 = arith.constant 2.500000e-01 : f32
      %mul3A_2421 = vector.broadcast %mul3A_2420 : f32 to vector<16xf32>
      %mul3A_2422 = arith.mulf %mul3A_2421, %add3A_2408 : vector<16xf32>
      %mul3A_2423 = arith.mulf %select_n3A_2419, %select_n3A_2419 : vector<16xf32>
      %mul3A_2424 = arith.mulf %mul3A_2422, %mul3A_2423 : vector<16xf32>
      %jit3A_2425 = arith.constant 0.000000e+00 : f32
      %broadcast_in_dim3A_2426 = vector.broadcast %jit3A_2425 : f32 to vector<16xf32>
      %select_n3A_2427 = arith.select %le3A_2375, %mul3A_2424, %broadcast_in_dim3A_2426 : vector<16xi1>, vector<16xf32>
      %add3A_2428 = arith.addf %add3A_2348, %select_n3A_2427 : vector<16xf32>
      %jit3A_2429 = arith.constant 1.000000e+00 : f32
      %jit3A_2430 = arith.constant 0.000000e+00 : f32
      %broadcast_in_dim3A_2431 = vector.broadcast %jit3A_2429 : f32 to vector<16xf32>
      %broadcast_in_dim3A_2432 = vector.broadcast %jit3A_2430 : f32 to vector<16xf32>
      %select_n3A_2433 = arith.select %le3A_2375, %broadcast_in_dim3A_2431, %broadcast_in_dim3A_2432 : vector<16xi1>, vector<16xf32>
      %add3A_2434 = arith.addf %add3A_2354, %select_n3A_2433 : vector<16xf32>
      %get3A_2435 = arith.index_cast %scan3A_40 : i32 to index
      %get3A_2436 = arith.constant 480 : index
      %get3A_2437 = tpu.vector_load %arg5[%get3A_2435, %get3A_2436] {strides = array<i32>} : memref<16x512xf32, #tpu.memory_space<vmem>>, vector<1x16xf32>,
      %get3A_2438 = vector.shape_cast %get3A_2437 : vector<1x16xf32> to vector<16xf32>
      %get3A_2439 = arith.index_cast %scan3A_40 : i32 to index
      %get3A_2440 = arith.constant 480 : index
      %get3A_2441 = tpu.vector_load %arg6[%get3A_2439, %get3A_2440] {strides = array<i32>} : memref<16x512xi32, #tpu.memory_space<vmem>>, vector<1x16xi32>,
      %get3A_2442 = vector.shape_cast %get3A_2441 : vector<1x16xi32> to vector<16xi32>
      %eq3A_2443 = arith.constant 1 : i32
      %eq3A_2444 = vector.broadcast %eq3A_2443 : i32 to vector<16xi32>
      %eq3A_2445 = arith.cmpi eq, %get3A_2442, %eq3A_2444 : vector<16xi32>
      %neg3A_2446 = arith.constant 0.000000e+00 : f32
      %neg3A_2447 = vector.broadcast %neg3A_2446 : f32 to vector<16xf32>
      %neg3A_2448 = arith.subf %neg3A_2447, %get3A_2438 : vector<16xf32>
      %select_n3A_2449 = arith.select %eq3A_2445, %neg3A_2448, %get3A_2438 : vector<16xi1>, vector<16xf32>
      %neg3A_2450 = arith.constant 0.000000e+00 : f32
      %neg3A_2451 = vector.broadcast %neg3A_2450 : f32 to vector<16xf32>
      %neg3A_2452 = arith.subf %neg3A_2451, %select_n3A_2449 : vector<16xf32>
      %le3A_2453 = arith.constant 0.847297847 : f32
      %le3A_2454 = vector.broadcast %le3A_2453 : f32 to vector<16xf32>
      %le3A_2455 = arith.cmpf ole, %neg3A_2452, %le3A_2454 : vector<16xf32>
      %abs3A_2456 = math.absf %get3A_2438 : vector<16xf32>
      %neg3A_2457 = arith.constant 0.000000e+00 : f32
      %neg3A_2458 = vector.broadcast %neg3A_2457 : f32 to vector<16xf32>
      %neg3A_2459 = arith.subf %neg3A_2458, %abs3A_2456 : vector<16xf32>
      %exp3A_2460 = math.exp %neg3A_2459 : vector<16xf32>
      %add3A_2461 = arith.constant 2.000000e+00 : f32
      %add3A_2462 = vector.broadcast %add3A_2461 : f32 to vector<16xf32>
      %add3A_2463 = arith.addf %add3A_2462, %exp3A_2460 : vector<16xf32>
      %div3A_2464 = arith.divf %exp3A_2460, %add3A_2463 : vector<16xf32>
      %mul3A_2465 = arith.mulf %div3A_2464, %div3A_2464 : vector<16xf32>
      %mul3A_2466 = arith.constant 0.222222224 : f32
      %mul3A_2467 = vector.broadcast %mul3A_2466 : f32 to vector<16xf32>
      %mul3A_2468 = arith.mulf %mul3A_2465, %mul3A_2467 : vector<16xf32>
      %add3A_2469 = arith.constant 0.285714298 : f32
      %add3A_2470 = vector.broadcast %add3A_2469 : f32 to vector<16xf32>
      %add3A_2471 = arith.addf %add3A_2470, %mul3A_2468 : vector<16xf32>
      %mul3A_2472 = arith.mulf %mul3A_2465, %add3A_2471 : vector<16xf32>
      %add3A_2473 = arith.constant 4.000000e-01 : f32
      %add3A_2474 = vector.broadcast %add3A_2473 : f32 to vector<16xf32>
      %add3A_2475 = arith.addf %add3A_2474, %mul3A_2472 : vector<16xf32>
      %mul3A_2476 = arith.mulf %mul3A_2465, %add3A_2475 : vector<16xf32>
      %add3A_2477 = arith.constant 0.666666686 : f32
      %add3A_2478 = vector.broadcast %add3A_2477 : f32 to vector<16xf32>
      %add3A_2479 = arith.addf %add3A_2478, %mul3A_2476 : vector<16xf32>
      %mul3A_2480 = arith.mulf %mul3A_2465, %add3A_2479 : vector<16xf32>
      %add3A_2481 = arith.constant 2.000000e+00 : f32
      %add3A_2482 = vector.broadcast %add3A_2481 : f32 to vector<16xf32>
      %add3A_2483 = arith.addf %add3A_2482, %mul3A_2480 : vector<16xf32>
      %mul3A_2484 = arith.mulf %div3A_2464, %add3A_2483 : vector<16xf32>
      %max3A_2485 = arith.constant 0.000000e+00 : f32
      %max3A_2486 = vector.broadcast %max3A_2485 : f32 to vector<16xf32>
      %max3A_2487 = arith.maximumf %select_n3A_2449, %max3A_2486 : vector<16xf32>
      %add3A_2488 = arith.addf %mul3A_2484, %max3A_2487 : vector<16xf32>
      %add3A_2489 = arith.constant 1.000000e+00 : f32
      %add3A_2490 = vector.broadcast %add3A_2489 : f32 to vector<16xf32>
      %add3A_2491 = arith.addf %add3A_2490, %exp3A_2460 : vector<16xf32>
      %div3A_2492 = arith.constant 1.000000e+00 : f32
      %div3A_2493 = vector.broadcast %div3A_2492 : f32 to vector<16xf32>
      %div3A_2494 = arith.divf %div3A_2493, %add3A_2491 : vector<16xf32>
      %ge3A_2495 = arith.constant 0.000000e+00 : f32
      %ge3A_2496 = vector.broadcast %ge3A_2495 : f32 to vector<16xf32>
      %ge3A_2497 = arith.cmpf oge, %neg3A_2452, %ge3A_2496 : vector<16xf32>
      %mul3A_2498 = arith.mulf %exp3A_2460, %div3A_2494 : vector<16xf32>
      %select_n3A_2499 = arith.select %ge3A_2497, %mul3A_2498, %div3A_2494 : vector<16xi1>, vector<16xf32>
      %mul3A_2500 = arith.constant 2.500000e-01 : f32
      %mul3A_2501 = vector.broadcast %mul3A_2500 : f32 to vector<16xf32>
      %mul3A_2502 = arith.mulf %mul3A_2501, %add3A_2488 : vector<16xf32>
      %mul3A_2503 = arith.mulf %select_n3A_2499, %select_n3A_2499 : vector<16xf32>
      %mul3A_2504 = arith.mulf %mul3A_2502, %mul3A_2503 : vector<16xf32>
      %jit3A_2505 = arith.constant 0.000000e+00 : f32
      %broadcast_in_dim3A_2506 = vector.broadcast %jit3A_2505 : f32 to vector<16xf32>
      %select_n3A_2507 = arith.select %le3A_2455, %mul3A_2504, %broadcast_in_dim3A_2506 : vector<16xi1>, vector<16xf32>
      %add3A_2508 = arith.addf %add3A_2428, %select_n3A_2507 : vector<16xf32>
      %jit3A_2509 = arith.constant 1.000000e+00 : f32
      %jit3A_2510 = arith.constant 0.000000e+00 : f32
      %broadcast_in_dim3A_2511 = vector.broadcast %jit3A_2509 : f32 to vector<16xf32>
      %broadcast_in_dim3A_2512 = vector.broadcast %jit3A_2510 : f32 to vector<16xf32>
      %select_n3A_2513 = arith.select %le3A_2455, %broadcast_in_dim3A_2511, %broadcast_in_dim3A_2512 : vector<16xi1>, vector<16xf32>
      %add3A_2514 = arith.addf %add3A_2434, %select_n3A_2513 : vector<16xf32>
      %get3A_2515 = arith.index_cast %scan3A_40 : i32 to index
      %get3A_2516 = arith.constant 496 : index
      %get3A_2517 = tpu.vector_load %arg5[%get3A_2515, %get3A_2516] {strides = array<i32>} : memref<16x512xf32, #tpu.memory_space<vmem>>, vector<1x16xf32>,
      %get3A_2518 = vector.shape_cast %get3A_2517 : vector<1x16xf32> to vector<16xf32>
      %get3A_2519 = arith.index_cast %scan3A_40 : i32 to index
      %get3A_2520 = arith.constant 496 : index
      %get3A_2521 = tpu.vector_load %arg6[%get3A_2519, %get3A_2520] {strides = array<i32>} : memref<16x512xi32, #tpu.memory_space<vmem>>, vector<1x16xi32>,
      %get3A_2522 = vector.shape_cast %get3A_2521 : vector<1x16xi32> to vector<16xi32>
      %eq3A_2523 = arith.constant 1 : i32
      %eq3A_2524 = vector.broadcast %eq3A_2523 : i32 to vector<16xi32>
      %eq3A_2525 = arith.cmpi eq, %get3A_2522, %eq3A_2524 : vector<16xi32>
      %neg3A_2526 = arith.constant 0.000000e+00 : f32
      %neg3A_2527 = vector.broadcast %neg3A_2526 : f32 to vector<16xf32>
      %neg3A_2528 = arith.subf %neg3A_2527, %get3A_2518 : vector<16xf32>
      %select_n3A_2529 = arith.select %eq3A_2525, %neg3A_2528, %get3A_2518 : vector<16xi1>, vector<16xf32>
      %neg3A_2530 = arith.constant 0.000000e+00 : f32
      %neg3A_2531 = vector.broadcast %neg3A_2530 : f32 to vector<16xf32>
      %neg3A_2532 = arith.subf %neg3A_2531, %select_n3A_2529 : vector<16xf32>
      %le3A_2533 = arith.constant 0.847297847 : f32
      %le3A_2534 = vector.broadcast %le3A_2533 : f32 to vector<16xf32>
      %le3A_2535 = arith.cmpf ole, %neg3A_2532, %le3A_2534 : vector<16xf32>
      %abs3A_2536 = math.absf %get3A_2518 : vector<16xf32>
      %neg3A_2537 = arith.constant 0.000000e+00 : f32
      %neg3A_2538 = vector.broadcast %neg3A_2537 : f32 to vector<16xf32>
      %neg3A_2539 = arith.subf %neg3A_2538, %abs3A_2536 : vector<16xf32>
      %exp3A_2540 = math.exp %neg3A_2539 : vector<16xf32>
      %add3A_2541 = arith.constant 2.000000e+00 : f32
      %add3A_2542 = vector.broadcast %add3A_2541 : f32 to vector<16xf32>
      %add3A_2543 = arith.addf %add3A_2542, %exp3A_2540 : vector<16xf32>
      %div3A_2544 = arith.divf %exp3A_2540, %add3A_2543 : vector<16xf32>
      %mul3A_2545 = arith.mulf %div3A_2544, %div3A_2544 : vector<16xf32>
      %mul3A_2546 = arith.constant 0.222222224 : f32
      %mul3A_2547 = vector.broadcast %mul3A_2546 : f32 to vector<16xf32>
      %mul3A_2548 = arith.mulf %mul3A_2545, %mul3A_2547 : vector<16xf32>
      %add3A_2549 = arith.constant 0.285714298 : f32
      %add3A_2550 = vector.broadcast %add3A_2549 : f32 to vector<16xf32>
      %add3A_2551 = arith.addf %add3A_2550, %mul3A_2548 : vector<16xf32>
      %mul3A_2552 = arith.mulf %mul3A_2545, %add3A_2551 : vector<16xf32>
      %add3A_2553 = arith.constant 4.000000e-01 : f32
      %add3A_2554 = vector.broadcast %add3A_2553 : f32 to vector<16xf32>
      %add3A_2555 = arith.addf %add3A_2554, %mul3A_2552 : vector<16xf32>
      %mul3A_2556 = arith.mulf %mul3A_2545, %add3A_2555 : vector<16xf32>
      %add3A_2557 = arith.constant 0.666666686 : f32
      %add3A_2558 = vector.broadcast %add3A_2557 : f32 to vector<16xf32>
      %add3A_2559 = arith.addf %add3A_2558, %mul3A_2556 : vector<16xf32>
      %mul3A_2560 = arith.mulf %mul3A_2545, %add3A_2559 : vector<16xf32>
      %add3A_2561 = arith.constant 2.000000e+00 : f32
      %add3A_2562 = vector.broadcast %add3A_2561 : f32 to vector<16xf32>
      %add3A_2563 = arith.addf %add3A_2562, %mul3A_2560 : vector<16xf32>
      %mul3A_2564 = arith.mulf %div3A_2544, %add3A_2563 : vector<16xf32>
      %max3A_2565 = arith.constant 0.000000e+00 : f32
      %max3A_2566 = vector.broadcast %max3A_2565 : f32 to vector<16xf32>
      %max3A_2567 = arith.maximumf %select_n3A_2529, %max3A_2566 : vector<16xf32>
      %add3A_2568 = arith.addf %mul3A_2564, %max3A_2567 : vector<16xf32>
      %add3A_2569 = arith.constant 1.000000e+00 : f32
      %add3A_2570 = vector.broadcast %add3A_2569 : f32 to vector<16xf32>
      %add3A_2571 = arith.addf %add3A_2570, %exp3A_2540 : vector<16xf32>
      %div3A_2572 = arith.constant 1.000000e+00 : f32
      %div3A_2573 = vector.broadcast %div3A_2572 : f32 to vector<16xf32>
      %div3A_2574 = arith.divf %div3A_2573, %add3A_2571 : vector<16xf32>
      %ge3A_2575 = arith.constant 0.000000e+00 : f32
      %ge3A_2576 = vector.broadcast %ge3A_2575 : f32 to vector<16xf32>
      %ge3A_2577 = arith.cmpf oge, %neg3A_2532, %ge3A_2576 : vector<16xf32>
      %mul3A_2578 = arith.mulf %exp3A_2540, %div3A_2574 : vector<16xf32>
      %select_n3A_2579 = arith.select %ge3A_2577, %mul3A_2578, %div3A_2574 : vector<16xi1>, vector<16xf32>
      %mul3A_2580 = arith.constant 2.500000e-01 : f32
      %mul3A_2581 = vector.broadcast %mul3A_2580 : f32 to vector<16xf32>
      %mul3A_2582 = arith.mulf %mul3A_2581, %add3A_2568 : vector<16xf32>
      %mul3A_2583 = arith.mulf %select_n3A_2579, %select_n3A_2579 : vector<16xf32>
      %mul3A_2584 = arith.mulf %mul3A_2582, %mul3A_2583 : vector<16xf32>
      %jit3A_2585 = arith.constant 0.000000e+00 : f32
      %broadcast_in_dim3A_2586 = vector.broadcast %jit3A_2585 : f32 to vector<16xf32>
      %select_n3A_2587 = arith.select %le3A_2535, %mul3A_2584, %broadcast_in_dim3A_2586 : vector<16xi1>, vector<16xf32>
      %add3A_2588 = arith.addf %add3A_2508, %select_n3A_2587 : vector<16xf32>
      %jit3A_2589 = arith.constant 1.000000e+00 : f32
      %jit3A_2590 = arith.constant 0.000000e+00 : f32
      %broadcast_in_dim3A_2591 = vector.broadcast %jit3A_2589 : f32 to vector<16xf32>
      %broadcast_in_dim3A_2592 = vector.broadcast %jit3A_2590 : f32 to vector<16xf32>
      %select_n3A_2593 = arith.select %le3A_2535, %broadcast_in_dim3A_2591, %broadcast_in_dim3A_2592 : vector<16xi1>, vector<16xf32>
      %add3A_2594 = arith.addf %add3A_2514, %select_n3A_2593 : vector<16xf32>
      scf.yield %add3A_2588, %add3A_2594 : vector<16xf32>, vector<16xf32>
    }
    %scan3A_28 = arith.constant 16 : i32
    %swap3A = arith.constant 0 : i32
    %swap3A_29 = arith.index_cast %swap3A : i32 to index
    %swap3A_30 = arith.constant 0 : index
    %swap3A_31 = tpu.vector_load %arg7[%swap3A_29, %swap3A_30] {strides = array<i32>} : memref<2x16xf32, #tpu.memory_space<vmem>>, vector<1x16xf32>,
    %swap3A_32 = vector.shape_cast %swap3A_31 : vector<1x16xf32> to vector<16xf32>
    %swap3A_33 = vector.shape_cast %scan3A_27#0 : vector<16xf32> to vector<1x16xf32>
    tpu.vector_store %arg7[%swap3A_29, %swap3A_30], %swap3A_33 {strides = array<i32>} : memref<2x16xf32, #tpu.memory_space<vmem>>, vector<1x16xf32>,
    %swap3A_34 = arith.constant 1 : i32
    %swap3A_35 = arith.index_cast %swap3A_34 : i32 to index
    %swap3A_36 = arith.constant 0 : index
    %swap3A_37 = tpu.vector_load %arg7[%swap3A_35, %swap3A_36] {strides = array<i32>} : memref<2x16xf32, #tpu.memory_space<vmem>>, vector<1x16xf32>,
    %swap3A_38 = vector.shape_cast %swap3A_37 : vector<1x16xf32> to vector<16xf32>
    %swap3A_39 = vector.shape_cast %scan3A_27#1 : vector<16xf32> to vector<1x16xf32>
    tpu.vector_store %arg7[%swap3A_35, %swap3A_36], %swap3A_39 {strides = array<i32>} : memref<2x16xf32, #tpu.memory_space<vmem>>, vector<1x16xf32>,
    "tpu.region"() ({
      %run_scoped3A_40 = tpu.sem_alloc : memref<!tpu.dma_semaphore, #tpu.memory_space<semaphore_mem>>
      %dma_start3A = arith.constant 0 : i32
      %dma_start3A_41 = arith.constant 0 : i32
      %dma_start3A_42 = tpu.memref_slice %arg4[%add3A, %dma_start3A, %dma_start3A_41] : memref<32x2x16xf32, #tpu.memory_space<hbm>> -> memref<1x2x16xf32, #tpu.memory_space<hbm>>
      %dma_start3A_43 = tpu.memref_squeeze %dma_start3A_42 : memref<1x2x16xf32, #tpu.memory_space<hbm>> -> memref<2x16xf32, #tpu.memory_space<hbm>>
      %dma_start3A_44 = arith.constant 0 : i32
      %dma_start3A_45 = arith.constant 0 : i32
      %dma_start3A_46 = tpu.memref_slice %arg4[%add3A, %dma_start3A_44, %dma_start3A_45] : memref<32x2x16xf32, #tpu.memory_space<hbm>> -> memref<1x2x16xf32, #tpu.memory_space<hbm>>
      %dma_start3A_47 = tpu.memref_squeeze %dma_start3A_46 : memref<1x2x16xf32, #tpu.memory_space<hbm>> -> memref<2x16xf32, #tpu.memory_space<hbm>>
      tpu.enqueue_dma source(%arg7 : memref<2x16xf32, #tpu.memory_space<vmem>>) target(%dma_start3A_47 : memref<2x16xf32, #tpu.memory_space<hbm>>) target_semaphore(%run_scoped3A_40 : memref<!tpu.dma_semaphore, #tpu.memory_space<semaphore_mem>>)
      %dma_wait3A = arith.constant 0 : i32
      %dma_wait3A_48 = arith.constant 0 : i32
      %dma_wait3A_49 = tpu.memref_slice %arg4[%add3A, %dma_wait3A, %dma_wait3A_48] : memref<32x2x16xf32, #tpu.memory_space<hbm>> -> memref<1x2x16xf32, #tpu.memory_space<hbm>>
      %dma_wait3A_50 = tpu.memref_squeeze %dma_wait3A_49 : memref<1x2x16xf32, #tpu.memory_space<hbm>> -> memref<2x16xf32, #tpu.memory_space<hbm>>
      %dma_wait3A_51 = arith.constant 0 : i32
      %dma_wait3A_52 = arith.constant 0 : i32
      %dma_wait3A_53 = tpu.memref_slice %arg4[%add3A, %dma_wait3A_51, %dma_wait3A_52] : memref<32x2x16xf32, #tpu.memory_space<hbm>> -> memref<1x2x16xf32, #tpu.memory_space<hbm>>
      %dma_wait3A_54 = tpu.memref_squeeze %dma_wait3A_53 : memref<1x2x16xf32, #tpu.memory_space<hbm>> -> memref<2x16xf32, #tpu.memory_space<hbm>>
      tpu.wait_dma2 semaphore(%run_scoped3A_40 : memref<!tpu.dma_semaphore, #tpu.memory_space<semaphore_mem>>) src(%arg7 : memref<2x16xf32, #tpu.memory_space<vmem>>) dst(%dma_wait3A_54 : memref<2x16xf32, #tpu.memory_space<hbm>>)
      tpu.yield
    }) : () -> ()
    return
  }
}

module attributes {stable_mosaic.version = 14 : i64} {
  func.func @_tc_body(%arg0: i32, %arg1: i32, %arg2: memref<1x1x128x512xf32, #tpu.memory_space<vmem>>, %arg3: memref<1x1x128x512xi32, #tpu.memory_space<vmem>>, %arg4: memref<1x1xf32, #tpu.memory_space<smem>>, %arg5: memref<1x1xf32, #tpu.memory_space<smem>>) attributes {dimension_semantics = [#tpu.dimension_semantics<arbitrary>, #tpu.dimension_semantics<arbitrary>], iteration_bounds = array<i64: 4, 3>, scalar_prefetch = 0 : i64, scratch_operands = 0 : i64, tpu.core_type = #tpu.core_type<tc>, window_params = [{transform_indices = @transform_0, window_bounds = array<i64: 1, 1, 128, 512>}, {transform_indices = @transform_1, window_bounds = array<i64: 1, 1, 128, 512>}, {transform_indices = @transform_2, window_bounds = array<i64: 1, 1>}, {transform_indices = @transform_3, window_bounds = array<i64: 1, 1>}]} {
    %mul3A = arith.constant 3 : i32
    %mul3A_0 = arith.muli %arg0, %mul3A : i32
    %add3A = arith.addi %mul3A_0, %arg1 : i32
    %get3A = arith.constant 0 : index
    %get3A_1 = arith.constant 0 : index
    %get3A_2 = arith.constant 0 : index
    %get3A_3 = arith.constant 0 : index
    %get3A_4 = vector.load %arg2[%get3A, %get3A_1, %get3A_2, %get3A_3] : memref<1x1x128x512xf32, #tpu.memory_space<vmem>>, vector<1x1x128x512xf32>
    %get3A_5 = vector.shape_cast %get3A_4 : vector<1x1x128x512xf32> to vector<128x512xf32>
    %get3A_6 = arith.constant 0 : index
    %get3A_7 = arith.constant 0 : index
    %get3A_8 = arith.constant 0 : index
    %get3A_9 = arith.constant 0 : index
    %get3A_10 = vector.load %arg3[%get3A_6, %get3A_7, %get3A_8, %get3A_9] : memref<1x1x128x512xi32, #tpu.memory_space<vmem>>, vector<1x1x128x512xi32>
    %get3A_11 = vector.shape_cast %get3A_10 : vector<1x1x128x512xi32> to vector<128x512xi32>
    %eq3A = arith.constant 1 : i32
    %eq3A_12 = vector.broadcast %eq3A : i32 to vector<128x512xi32>
    %eq3A_13 = arith.cmpi eq, %get3A_11, %eq3A_12 : vector<128x512xi32>
    %neg3A = arith.constant 0.000000e+00 : f32
    %neg3A_14 = vector.broadcast %neg3A : f32 to vector<128x512xf32>
    %neg3A_15 = arith.subf %neg3A_14, %get3A_5 : vector<128x512xf32>
    %select_n3A = arith.select %eq3A_13, %neg3A_15, %get3A_5 : vector<128x512xi1>, vector<128x512xf32>
    %neg3A_16 = arith.constant 0.000000e+00 : f32
    %neg3A_17 = vector.broadcast %neg3A_16 : f32 to vector<128x512xf32>
    %neg3A_18 = arith.subf %neg3A_17, %select_n3A : vector<128x512xf32>
    %le3A = arith.constant 0.847297847 : f32
    %le3A_19 = vector.broadcast %le3A : f32 to vector<128x512xf32>
    %le3A_20 = arith.cmpf ole, %neg3A_18, %le3A_19 : vector<128x512xf32>
    %abs3A = math.absf %get3A_5 : vector<128x512xf32>
    %neg3A_21 = arith.constant 0.000000e+00 : f32
    %neg3A_22 = vector.broadcast %neg3A_21 : f32 to vector<128x512xf32>
    %neg3A_23 = arith.subf %neg3A_22, %abs3A : vector<128x512xf32>
    %exp3A = math.exp %neg3A_23 : vector<128x512xf32>
    %add3A_24 = arith.constant 2.000000e+00 : f32
    %add3A_25 = vector.broadcast %add3A_24 : f32 to vector<128x512xf32>
    %add3A_26 = arith.addf %add3A_25, %exp3A : vector<128x512xf32>
    %div3A = arith.divf %exp3A, %add3A_26 : vector<128x512xf32>
    %mul3A_27 = arith.mulf %div3A, %div3A : vector<128x512xf32>
    %mul3A_28 = arith.constant 0.222222224 : f32
    %mul3A_29 = vector.broadcast %mul3A_28 : f32 to vector<128x512xf32>
    %mul3A_30 = arith.mulf %mul3A_27, %mul3A_29 : vector<128x512xf32>
    %add3A_31 = arith.constant 0.285714298 : f32
    %add3A_32 = vector.broadcast %add3A_31 : f32 to vector<128x512xf32>
    %add3A_33 = arith.addf %add3A_32, %mul3A_30 : vector<128x512xf32>
    %mul3A_34 = arith.mulf %mul3A_27, %add3A_33 : vector<128x512xf32>
    %add3A_35 = arith.constant 4.000000e-01 : f32
    %add3A_36 = vector.broadcast %add3A_35 : f32 to vector<128x512xf32>
    %add3A_37 = arith.addf %add3A_36, %mul3A_34 : vector<128x512xf32>
    %mul3A_38 = arith.mulf %mul3A_27, %add3A_37 : vector<128x512xf32>
    %add3A_39 = arith.constant 0.666666686 : f32
    %add3A_40 = vector.broadcast %add3A_39 : f32 to vector<128x512xf32>
    %add3A_41 = arith.addf %add3A_40, %mul3A_38 : vector<128x512xf32>
    %mul3A_42 = arith.mulf %mul3A_27, %add3A_41 : vector<128x512xf32>
    %add3A_43 = arith.constant 2.000000e+00 : f32
    %add3A_44 = vector.broadcast %add3A_43 : f32 to vector<128x512xf32>
    %add3A_45 = arith.addf %add3A_44, %mul3A_42 : vector<128x512xf32>
    %mul3A_46 = arith.mulf %div3A, %add3A_45 : vector<128x512xf32>
    %max3A = arith.constant 0.000000e+00 : f32
    %max3A_47 = vector.broadcast %max3A : f32 to vector<128x512xf32>
    %max3A_48 = arith.maximumf %select_n3A, %max3A_47 : vector<128x512xf32>
    %add3A_49 = arith.addf %mul3A_46, %max3A_48 : vector<128x512xf32>
    %add3A_50 = arith.constant 1.000000e+00 : f32
    %add3A_51 = vector.broadcast %add3A_50 : f32 to vector<128x512xf32>
    %add3A_52 = arith.addf %add3A_51, %exp3A : vector<128x512xf32>
    %div3A_53 = arith.constant 1.000000e+00 : f32
    %div3A_54 = vector.broadcast %div3A_53 : f32 to vector<128x512xf32>
    %div3A_55 = arith.divf %div3A_54, %add3A_52 : vector<128x512xf32>
    %ge3A = arith.constant 0.000000e+00 : f32
    %ge3A_56 = vector.broadcast %ge3A : f32 to vector<128x512xf32>
    %ge3A_57 = arith.cmpf oge, %neg3A_18, %ge3A_56 : vector<128x512xf32>
    %mul3A_58 = arith.mulf %exp3A, %div3A_55 : vector<128x512xf32>
    %select_n3A_59 = arith.select %ge3A_57, %mul3A_58, %div3A_55 : vector<128x512xi1>, vector<128x512xf32>
    %mul3A_60 = arith.constant 2.500000e-01 : f32
    %mul3A_61 = vector.broadcast %mul3A_60 : f32 to vector<128x512xf32>
    %mul3A_62 = arith.mulf %mul3A_61, %add3A_49 : vector<128x512xf32>
    %mul3A_63 = arith.mulf %select_n3A_59, %select_n3A_59 : vector<128x512xf32>
    %mul3A_64 = arith.mulf %mul3A_62, %mul3A_63 : vector<128x512xf32>
    %convert_element_type3A = arith.extui %le3A_20 : vector<128x512xi1> to vector<128x512xi32>
    %convert_element_type3A_65 = arith.sitofp %convert_element_type3A : vector<128x512xi32> to vector<128x512xf32>
    %mul3A_66 = arith.mulf %mul3A_64, %convert_element_type3A_65 : vector<128x512xf32>
    %reduce_sum3A = vector.shape_cast %mul3A_66 : vector<128x512xf32> to vector<1x128x512xf32>
    %reduce_sum3A_67 = arith.constant dense<0.000000e+00> : vector<1xf32>
    %reduce_sum3A_68 = vector.multi_reduction <add>, %reduce_sum3A, %reduce_sum3A_67 [1, 2] : vector<1x128x512xf32> to vector<1xf32>
    %reduce_sum3A_69 = vector.shape_cast %reduce_sum3A_68 : vector<1xf32> to vector<1x1x1xf32>
    %reduce_sum3A_70 = vector.extract %reduce_sum3A_69[0, 0, 0] : f32 from vector<1x1x1xf32>
    %reduce_sum3A_71 = vector.shape_cast %convert_element_type3A_65 : vector<128x512xf32> to vector<1x128x512xf32>
    %reduce_sum3A_72 = arith.constant dense<0.000000e+00> : vector<1xf32>
    %reduce_sum3A_73 = vector.multi_reduction <add>, %reduce_sum3A_71, %reduce_sum3A_72 [1, 2] : vector<1x128x512xf32> to vector<1xf32>
    %reduce_sum3A_74 = vector.shape_cast %reduce_sum3A_73 : vector<1xf32> to vector<1x1x1xf32>
    %reduce_sum3A_75 = vector.extract %reduce_sum3A_74[0, 0, 0] : f32 from vector<1x1x1xf32>
    %eq3A_76 = arith.constant 0 : i32
    %eq3A_77 = arith.cmpi eq, %add3A, %eq3A_76 : i32
    %convert_element_type3A_78 = arith.extui %eq3A_77 : i1 to i32
    %cond3A = arith.constant 0 : i32
    %cond3A_79 = arith.cmpi ne, %convert_element_type3A_78, %cond3A : i32
    scf.if %cond3A_79 {
      %swap3A = arith.constant 0 : index
      %swap3A_84 = arith.constant 0 : index
      %swap3A_85 = memref.load %arg4[%swap3A, %swap3A_84] : memref<1x1xf32, #tpu.memory_space<smem>>
      memref.store %reduce_sum3A_70, %arg4[%swap3A, %swap3A_84] : memref<1x1xf32, #tpu.memory_space<smem>>
      %swap3A_86 = arith.constant 0 : index
      %swap3A_87 = arith.constant 0 : index
      %swap3A_88 = memref.load %arg5[%swap3A_86, %swap3A_87] : memref<1x1xf32, #tpu.memory_space<smem>>
      memref.store %reduce_sum3A_75, %arg5[%swap3A_86, %swap3A_87] : memref<1x1xf32, #tpu.memory_space<smem>>
    } else {
    }
    %gt3A = arith.constant 0 : i32
    %gt3A_80 = arith.cmpi sgt, %add3A, %gt3A : i32
    %convert_element_type3A_81 = arith.extui %gt3A_80 : i1 to i32
    %cond3A_82 = arith.constant 0 : i32
    %cond3A_83 = arith.cmpi ne, %convert_element_type3A_81, %cond3A_82 : i32
    scf.if %cond3A_83 {
      %get3A_84 = arith.constant 0 : index
      %get3A_85 = arith.constant 0 : index
      %get3A_86 = memref.load %arg4[%get3A_84, %get3A_85] : memref<1x1xf32, #tpu.memory_space<smem>>
      %add3A_87 = arith.addf %get3A_86, %reduce_sum3A_70 : f32
      %swap3A = arith.constant 0 : index
      %swap3A_88 = arith.constant 0 : index
      %swap3A_89 = memref.load %arg4[%swap3A, %swap3A_88] : memref<1x1xf32, #tpu.memory_space<smem>>
      memref.store %add3A_87, %arg4[%swap3A, %swap3A_88] : memref<1x1xf32, #tpu.memory_space<smem>>
      %get3A_90 = arith.constant 0 : index
      %get3A_91 = arith.constant 0 : index
      %get3A_92 = memref.load %arg5[%get3A_90, %get3A_91] : memref<1x1xf32, #tpu.memory_space<smem>>
      %add3A_93 = arith.addf %get3A_92, %reduce_sum3A_75 : f32
      %swap3A_94 = arith.constant 0 : index
      %swap3A_95 = arith.constant 0 : index
      %swap3A_96 = memref.load %arg5[%swap3A_94, %swap3A_95] : memref<1x1xf32, #tpu.memory_space<smem>>
      memref.store %add3A_93, %arg5[%swap3A_94, %swap3A_95] : memref<1x1xf32, #tpu.memory_space<smem>>
    } else {
    }
    return
  }
  func.func @transform_0(%arg0: i32, %arg1: i32) -> (i32, i32, i32, i32) {
    %add3A = arith.constant 1 : i32
    %add3A_0 = arith.addi %add3A, %arg1 : i32
    %c0_i32 = arith.constant 0 : i32
    %c0_i32_1 = arith.constant 0 : i32
    %c0_i32_2 = arith.constant 0 : i32
    return %arg0, %c0_i32, %add3A_0, %c0_i32_1 : i32, i32, i32, i32
  }
  func.func @transform_1(%arg0: i32, %arg1: i32) -> (i32, i32, i32, i32) {
    %add3A = arith.constant 1 : i32
    %add3A_0 = arith.addi %add3A, %arg1 : i32
    %c0_i32 = arith.constant 0 : i32
    %c0_i32_1 = arith.constant 0 : i32
    %c0_i32_2 = arith.constant 0 : i32
    return %arg0, %c0_i32, %add3A_0, %c0_i32_1 : i32, i32, i32, i32
  }
  func.func @transform_2(%arg0: i32, %arg1: i32) -> (i32, i32) {
    %c0_i32 = arith.constant 0 : i32
    %c0_i32_0 = arith.constant 0 : i32
    %c0_i32_1 = arith.constant 0 : i32
    return %c0_i32, %c0_i32_0 : i32, i32
  }
  func.func @transform_3(%arg0: i32, %arg1: i32) -> (i32, i32) {
    %c0_i32 = arith.constant 0 : i32
    %c0_i32_0 = arith.constant 0 : i32
    %c0_i32_1 = arith.constant 0 : i32
    return %c0_i32, %c0_i32_0 : i32, i32
  }
}

</mosaic_0001>

<sc_bundles>
// kernel: kernel.4.cloned.1.call-start
scs
__scs_entry_jumppad:
0x0: {  	(pc) =	sbr.rel $0x88, $3  }
0x1: {  	(tag) =	ssettag $0x0;
	lr =	simm.s32 $0x1  }
0x2: {  	[smem:$0x3F9F] =	sst lr;
	_ =	strace $0xD0000000  }
0x3: {  	_ = 	snop  }
0x4: {  	_ = 	snop  }
0x5: {  	_ = 	snop  }
0x6: {  	_ = 	snop  }
0x7: {  	_ = 	snop  }
__scs_overlays_trampoline_lowered:
0x8: {  	[smem:$0x3FAE] =	sst s0  }
0x9: {  	[smem:$0x3FAF] =	sst s1  }
0xa: {  	[smem:$0x3FB0] =	sst s2  }
0xb: {  	[smem:$0x3FB1] =	sst s3  }
0xc: {  	[smem:$0x3FB2] =	sst s4  }
0xd: {  	[smem:$0x3FB3] =	sst s5  }
0xe: {  	[smem:$0x3FB4] =	sst s6  }
0xf: {  	[smem:$0x3FB5] =	sst s7  }
0x10: {  	[smem:$0x3FB6] =	sst s8  }
0x11: {  	[smem:$0x3FB7] =	sst s9;
	s0 =	simm.s32 @!p0 $0x0  }
0x12: {  	s1 =	sld [smem:$0x3F9D];
	s0 =	simm.s32 @p0 $0x1  }
0x13: {  	[smem:$0x3FB8] =	sst s0;
	s0 =	simm.s32 @!p1 $0x0  }
0x14: {  	s2 =	sld [smem:$0x3F9C];
	s0 =	simm.s32 @p1 $0x1  }
0x15: {  	[smem:$0x3FB9] =	sst s0;
	s0 =	simm.s32 @!p2 $0x0  }
0x16: {  	s3 =	sld [smem:$0x3FDB];
	s0 =	simm.s32 @p2 $0x1  }
0x17: {  	s4 =	simm.s32 $0x1BF5;
	[smem:$0x3FBB] =	sst s0  }
0x18: {  	s0 =	sld [smem:$0x3F9E];
	_ =	swait.ge [sflag:s4], $0x0  }
0x19: {  	s7 =	sld [smem:$0x3F9F]  }
0x1a: {  	s8 =	sadd.s32 $0xFFFFE003, lr  }
0x1b: {  	s9 =	sadd.s32 $0xFFFFFEF7, lr;
	s5 =	simm.s32 $0xFFFFFFFF;
	p2 =	slt.u32 s8, $0xFFFFF086  }
0x1c: {  	p1 =	slt.u32 s9, $0xF7A;
	s5 =	simm.s32 @!p2 $0x0  }
0x1d: {  	s5 =	simm.s32 @p1 $0x1;
	p0 =	seq.s32 s7, s2  }
0x1e: {  	s7 =	smul.u32 @!p0 $0xF7A, s2;
	p2 =	seq.s32 @!p0 s5, $0x0  }
0x1f: {  	s9 =	smul.u32 $0xF7A, s1;
	s8 =	simm.s32 @!p0 $0x1BF5;
	p2 =	por !p2, p0  }
0x20: {  	[sflag:s8] =	ssyncset.s32 @!p0 $0xFFFFF086;
	s6 =	sadd.s32 @!p0 s3, s7;
	s7 =	simm.s32 @!p0 $0x108  }
0x21: {  	s3 =	sadd.s32 s3, s9;
	s6 =	sadd.s32 @!p0 $0x88, s6;
	s7 =	simm.s32 @p2 $0x1082  }
0x22: {  	[simem:s7], [sflag:s8] =	dma.local @!p0 [hbm:s6], $0xF7A  }
0x23: {  	s9 =	sor.u32 $0xD0000000, s2;
	s6 =	simm.s32 $0x108;
	_ =	swait.ge @!p0 [sflag:s8], $0x0  }
0x24: {  	s3 =	sadd.s32 $0x88, s3;
	s6 =	simm.s32 @!p1 $0x1082;
	[sflag:s4] =	ssyncset.s32 $0xFFFFF086  }
0x25: {  	[simem:s6], [sflag:s4] =	dma.local [hbm:s3], $0xF7A  }
0x26: {  	[smem:$0x3F9F] =	sst s1;
	(tag) =	ssettag s2;
	_ =	strace s9  }
0x27: {  	s1 =	sld [smem:$0x3FAF]  }
0x28: {  	s2 =	sld [smem:$0x3FB0]  }
0x29: {  	s4 =	sld [smem:$0x3FB2]  }
0x2a: {  	p0 =	seq.s32 s5, $0x0;
	s5 =	sld [smem:$0x3FB3]  }
0x2b: {  	s6 =	sld [smem:$0x3FB4]  }
0x2c: {  	s7 =	sld [smem:$0x3FB5]  }
0x2d: {  	s3 =	simm.s32 $0x108;
	s8 =	sld [smem:$0x3FB6]  }
0x2e: {  	s3 =	simm.s32 @!p0 $0x1082;
	s9 =	sld [smem:$0x3FB7]  }
0x2f: {  	lr =	sadd.s32 s0, s3;
	s0 =	sld [smem:$0x3FAE]  }
0x30: {  	s3 =	sld [smem:$0x3FB1]  }
0x31: {  	[smem:$0x3FBA] =	sst s10  }
0x32: {  	s10 =	sld [smem:$0x3FB8];
	_ =	sdelay $0x3  }
0x33: {  	p0 =	seq.s32 s10, $0x1;
	s10 =	sld [smem:$0x3FBA];
	_ =	sdelay $0x3  }
0x34: {  	[smem:$0x3FBA] =	sst s10  }
0x35: {  	s10 =	sld [smem:$0x3FB9];
	_ =	sdelay $0x3  }
0x36: {  	p1 =	seq.s32 s10, $0x1;
	s10 =	sld [smem:$0x3FBA];
	_ =	sdelay $0x3  }
0x37: {  	[smem:$0x3FBA] =	sst s10  }
0x38: {  	s10 =	sld [smem:$0x3FBB]  }
0x39: {  	_ = 	snop;
	(pc) =	sbr.ind lr, $3  }
0x3a: {  	_ = 	snop  }
0x3b: {  	_ = 	snop  }
0x3c: {  	p2 =	seq.s32 s10, $0x1;
	s10 =	sld [smem:$0x3FBA]  }
0x3d: {  	_ =	shalt  }
0x3e: {  	_ =	shalt  }
0x3f: {  	_ =	shalt  }
0x40: {  	_ =	shalt  }
0x41: {  	_ =	shalt  }
0x42: {  	_ =	shalt  }
0x43: {  	_ =	shalt  }
0x44: {  	_ =	shalt  }
0x45: {  	_ =	shalt  }
0x46: {  	_ =	shalt  }
0x47: {  	_ =	shalt  }
0x48: {  	_ =	shalt  }
0x49: {  	_ =	shalt  }
0x4a: {  	_ =	shalt  }
0x4b: {  	_ =	shalt  }
0x4c: {  	_ =	shalt  }
0x4d: {  	_ =	shalt  }
0x4e: {  	_ =	shalt  }
0x4f: {  	_ =	shalt  }
0x50: {  	_ =	shalt  }
0x51: {  	_ =	shalt  }
0x52: {  	_ =	shalt  }
0x53: {  	_ =	shalt  }
0x54: {  	_ =	shalt  }
0x55: {  	_ =	shalt  }
0x56: {  	_ =	shalt  }
0x57: {  	_ =	shalt  }
0x58: {  	_ =	shalt  }
0x59: {  	_ =	shalt  }
0x5a: {  	_ =	shalt  }
0x5b: {  	_ =	shalt  }
0x5c: {  	_ =	shalt  }
0x5d: {  	_ =	shalt  }
0x5e: {  	_ =	shalt  }
0x5f: {  	_ =	shalt  }
0x60: {  	_ =	shalt  }
0x61: {  	_ =	shalt  }
0x62: {  	_ =	shalt  }
0x63: {  	_ =	shalt  }
0x64: {  	_ =	shalt  }
0x65: {  	_ =	shalt  }
0x66: {  	_ =	shalt  }
0x67: {  	_ =	shalt  }
0x68: {  	_ =	shalt  }
0x69: {  	_ =	shalt  }
0x6a: {  	_ =	shalt  }
0x6b: {  	_ =	shalt  }
0x6c: {  	_ =	shalt  }
0x6d: {  	_ =	shalt  }
0x6e: {  	_ =	shalt  }
0x6f: {  	_ =	shalt  }
0x70: {  	_ =	shalt  }
0x71: {  	_ =	shalt  }
0x72: {  	_ =	shalt  }
0x73: {  	_ =	shalt  }
0x74: {  	_ =	shalt  }
0x75: {  	_ =	shalt  }
0x76: {  	_ =	shalt  }
0x77: {  	_ =	shalt  }
0x78: {  	_ =	shalt  }
0x79: {  	_ =	shalt  }
0x7a: {  	_ =	shalt  }
0x7b: {  	_ =	shalt  }
0x7c: {  	_ =	shalt  }
0x7d: {  	_ =	shalt  }
0x7e: {  	_ =	shalt  }
0x7f: {  	_ =	shalt  }
0x80: {  	_ =	shalt  }
0x81: {  	_ =	shalt  }
0x82: {  	_ =	shalt  }
0x83: {  	_ =	shalt  }
0x84: {  	_ =	shalt  }
0x85: {  	_ =	shalt  }
0x86: {  	_ =	shalt  }
0x87: {  	_ =	shalt  }
.Lfunc_end0:
.L_simem_size_0:
called_computation_lowered:
.L_overlay_start_0:
0x88: {  	s2 =	sld [smem:$0x3FD9]  }
0x89: {  	s3 =	sld [smem:$0x3FFE];
	_ =	sdelay $0x1  }
0x8a: {  	s1 =	srdreg.scid  }
0x8b: {  	s0 =	sand.u32 $0x1, s1  }
0x8c: {  	s17 =	sshll.u32 s0, $0xA;
	s2 =	sadd.s32 s3, s2  }
0x8d: {  	s2 =	sadd.s32 s2, s17  }
0x8e: {  	[smem:$0x3FC6] =	sst s2  }
0x8f: {  	_ = 	snop  }
0x90: {  	s2 =	sld [smem:$0x3FC9]  }
0x91: {  	s18 =	sld [smem:$0x3FC8];
	(tm) =	ssettm $0x1  }
0x92: {  	s4 =	sld [smem:$0x3FFB];
	_ =	sdelay $0x3  }
0x93: {  	_ =	strace s4  }
0x94: {  	s4 =	sld [smem:$0x3FFC];
	_ =	sdelay $0x3  }
0x95: {  	_ =	strace s4  }
0x96: {  	s4 =	sld [smem:$0x3FFD];
	_ =	sdelay $0x3  }
0x97: {  	_ =	strace s4  }
0x98: {  	_ =	strace $0x8FFFFFFF  }
0x99: {  	s19 =	sld [smem:$0x3FDB];
	_ =	sdelay $0x1  }
0x9a: {  	s5 =	simm.s32 $_scs_section_size  }
0x9b: {  	s6 =	simm.s32 $_size__tile_overlayer_lowered;
	s7 =	simm.s32 $_tile_overlayer_lowered  }
0x9c: {  	s22 =	simm.s32 $0x1BFF;
	s21 =	sshll.u32 s7, $0x1;
	s4 =	sadd.s32 s5, s19  }
0x9d: {  	s8 =	simm.s32 $0x0;
	s20 =	sshll.u32 s6, $0x1;
	s6 =	sadd.s32 s21, s4  }
0x9e: {  	[timem:s8], [sflag:s22] =	dma.local [hbm:s6], s20  }
0x9f: {  	_ =	swait.ge [sflag:s22], s20  }
0xa0: {  	s5 =	ssub.s32 $0x0, s20;
	[sflag:s22] =	ssyncset.done $0x0  }
0xa1: {  	[sflag:s22] =	ssyncadd.s32 s5;
	_ =	sdelay $0x1  }
0xa2: {  	s23 =	simm.s32 $0x1B8B  }
0xa3: {  	_ =	swait.ge [sflag:s23], $0x1  }
0xa4: {  	[sflag:s23] =	ssyncset.done $0x0  }
0xa5: {  	s25 =	simm.s32 $0x1B8E;
	s24 =	sld [smem:$0x3FFE];
	[sflag:s23] =	ssyncadd.s32 $0xFFFFFFFF  }
0xa6: {  	s26 =	simm.s32 $execute0_lowered;
	[smem:$0x3FD2] =	sst s25  }
0xa7: {  	s6 =	sshll.u32 s26, $0x1;
	_ =	strace $0x80000046;
	[dreg:$0x1] =	wrdreg $0xFFFFFFFF  }
0xa8: {  	s28 =	simm.s32 $_size_execute0_lowered;
	s4 =	sadd.s32 s4, s6;
	[dreg:$0x0] =	wrdreg $0x0  }
0xa9: {  	s6 =	sshll.u32 s28, $0x1;
	[dreg:$0x2] =	wrdreg s4  }
0xaa: {  	[dreg:$0x3] =	wrdreg s6  }
0xab: {  	[dreg:$0x4] =	wrdreg $0xC0  }
0xac: {  	_ =	task [dreg:s8], $0x5FFFF  }
0xad: {  	[dreg:$0x1] =	wrdreg $0xFFFFFFFF  }
0xae: {  	[dreg:$0x0] =	wrdreg $0x60  }
0xaf: {  	[dreg:$0x2] =	wrdreg s2  }
0xb0: {  	[dreg:$0x3] =	wrdreg s18  }
0xb1: {  	[dreg:$0x4] =	wrdreg s24  }
0xb2: {  	[dreg:$0x5] =	wrdreg $0x9  }
0xb3: {  	_ =	task.clear_ibuf [dreg:s8], $0x6FFFF;
	_ =	strace $0x90000046  }
0xb4: {  	s29 =	simm.s32 $0x9;
	_ =	strace $0x80000048  }
0xb5: {  	_ =	swait.ge [sflag:s29], $0x1  }
0xb6: {  	[sflag:s29] =	ssyncadd.s32 $0xFFFFFFFF  }
0xb7: {  	_ =	strace $0x90000048  }
0xb8: {  	_ =	sfence  }
0xb9: {  	s30 =	sld [smem:$0x0];
	_ =	sdelay $0x2  }
0xba: {  	s31 =	sshll.u32 s1, $0xD;
	s1 =	sshrl.u32 s1, $0x2  }
0xbb: {  	s3 =	sand.u32 $0x4000, s31;
	s1 =	sadd.s32 s1, s30  }
0xbc: {  	s0 =	sor.u32 s3, s0;
	s1 =	sshll.u32 s1, $0x11  }
0xbd: {  	s0 =	sor.u32 s1, s0  }
0xbe: {  	s0 =	sadd.s32 $0x8F2B, s0  }
0xbf: {  	[sflag:s0] =	ssyncadd.remote.s32 $0x1  }
0xc0: {  	_ =	sfence.sel $0xFFFF  }
0xc1: {  	[dreg:$0x0] =	wrdreg $0xFFFFFFFF;
	(pc) =	sbr.abs _section_cstart, $3  }
0xc2: {  	[dreg:$0x1] =	wrdreg $0xFFFFFFFF  }
0xc3: {  	_ =	task.clear_ibuf [dreg:s8], $0x2FFFF;
	_ =	strace $0x9FFFFFFF  }
0xc4: {  	(tm) =	ssettm $0x7FFFFFFF  }
0xc5: {  	_ =	shalt  }
tec
execute0_lowered:
.L_overlay_start_1:
0x0: {  	(tag) =	ssettag $0x1  }
0x1: {  	s3 =	rddreg [dreg:$0x0]  }
0x2: {  	s4 =	rddreg [dreg:$0x1]  }
0x3: {  	s5 =	rddreg [dreg:$0x2]  }
0x4: {  	s1 =	srdreg.scid;
	s0 =	stileid.u32  }
0x5: {  	s6 =	sand.u32 $0x1, s1;
	s2 =	sshll.u32 s0, $0x1;
	s7 =	sshrl.u32 s0, $0x2  }
0x6: {  	s1 =	rddreg [dreg:$0x3];
	s8 =	sor.u32 s6, s2;
	s7 =	smul.u32 $0x1F0000, s7  }
0x7: {  	s2 =	simm.s32 $0x0;
	s6 =	ssub.s32 $0x2, s6;
	s9 =	sshll.u32 s8, $0xD  }
0x8: {  	[smem:$0x7FF] =	sst s2;
	s10 =	sshrl.u32 s6, $0x1;
	s31 =	sshll.u32 s8, $0x5  }
0x9: {  	s8 =	simm.s32 $0x2000;
	s7 =	sadd.s32 s9, s7;
	_ =	strace $0x80000047  }
0xa: {  	s6 =	ssub.s32 s6, s10;
	s5 =	sadd.s32 s5, s31;
	s9 =	simm.s32 $0x4000  }
0xb: {  	s10 =	simm.s32 $0x0;
	s7 =	sshrl.u32 s7, $0x3;
	s6 =	smax.u32 s6, $0x1  }
0xc: {  	v0 =	vimm.f32 $0.0e+00;
	s3 =	sadd.s32 s3, s7;
	s4 =	sadd.s32 s4, s7;
	s7 =	simm.s32 $0x1  }
.LBB2_1:
0xd: {  	[tilespmem:s2], [sflag:$0x1] =	stream.linear.gather [hbm4b:s3+s2], $0x2000, $0x38;
	[tilespmem:$0x4100] =	vst v63  }
0xe: {  	_ =	swait.ge [sflag:s7], $0x2000  }
0xf: {  	[sflag:s7] =	ssyncset.done $0x0  }
0x10: {  	[sflag:s7] =	ssyncadd.s32 $0xFFFFE000  }
0x11: {  	[tilespmem:s8], [sflag:$0x1] =	stream.linear.gather [hbm4b:s4+s2], $0x2000, $0x38;
	[tilespmem:$0x4100] =	vst v63  }
0x12: {  	_ =	swait.ge [sflag:s7], $0x2000  }
0x13: {  	[sflag:s7] =	ssyncset.done $0x0  }
0x14: {  	s11 =	simm.s32 $0x0;
	s12 =	simm.s32 $0x0;
	v6 =	vimm.f32 $0.0e+00;
	v3 =	vimm.f32 $0.0e+00;
	[sflag:s7] =	ssyncadd.s32 $0xFFFFE000  }
.LBB2_2:
0x15: {  	s13 =	sand.u32 $0x1000, s12;
	s14 =	sand.u32 $0x380, s11  }
0x16: {  	s13 =	sor.u32 s14, s13  }
0x17: {  	v15 =	vld [tilespmem:s13+$0x0];
	_ =	sdelay $0x4  }
0x18: {  	v1 =	vand.u32 $0x7FFFFFFF, v15  }
0x19: {  	v1 =	vsub.f32 $0.0e+00, v1;
	_ =	sdelay $0x1  }
0x1a: {  	v1 =	vmul.f32 $1.442695020e+00, v1;
	_ =	sdelay $0x1  }
0x1b: {  	(erf) = vpow2.f32 v1;
	_ =	sdelay $0x3  }
0x1c: {  	v13 =	vld [tilespmem:s13+$0x10];
	_ =	sdelay $0x4  }
0x1d: {  	v2 =	vand.u32 $0x7FFFFFFF, v13;
	v1 =	vpop (erf)  }
0x1e: {  	v2 =	vsub.f32 $0.0e+00, v2;
	v4 =	vadd.f32 $2.000000000e+00, v1  }
0x1f: {  	v5 =	vadd.f32 $1.000000000e+00, v1  }
0x20: {  	v2 =	vmul.f32 $1.442695020e+00, v2;
	(erf) = vrcp.f32 v4  }
0x21: {  	(erf) = vrcp.f32 v5  }
0x22: {  	(erf) = vpow2.f32 v2;
	_ =	sdelay $0x3  }
0x23: {  	v11 =	vld [tilespmem:s13+$0x20];
	_ =	sdelay $0x2  }
0x24: {  	v2 =	vpop (erf)  }
0x25: {  	v32 =	vpop (erf)  }
0x26: {  	v4 =	vand.u32 $0x7FFFFFFF, v11;
	v35 =	vpop (erf)  }
0x27: {  	v4 =	vsub.f32 $0.0e+00, v4;
	v5 =	vadd.f32 $2.000000000e+00, v35  }
0x28: {  	v7 =	vadd.f32 $1.000000000e+00, v35  }
0x29: {  	v4 =	vmul.f32 $1.442695020e+00, v4;
	(erf) = vrcp.f32 v5  }
0x2a: {  	(erf) = vrcp.f32 v7  }
0x2b: {  	(erf) = vpow2.f32 v4;
	_ =	sdelay $0x3  }
0x2c: {  	v16 =	vld [tilespmem:s13+$0x30];
	_ =	sdelay $0x2  }
0x2d: {  	v5 =	vpop (erf)  }
0x2e: {  	v41 =	vpop (erf)  }
0x2f: {  	v4 =	vand.u32 $0x7FFFFFFF, v16;
	v23 =	vpop (erf)  }
0x30: {  	v4 =	vsub.f32 $0.0e+00, v4;
	v7 =	vadd.f32 $2.000000000e+00, v23  }
0x31: {  	v8 =	vadd.f32 $1.000000000e+00, v23  }
0x32: {  	v4 =	vmul.f32 $1.442695020e+00, v4;
	(erf) = vrcp.f32 v7  }
0x33: {  	(erf) = vrcp.f32 v8  }
0x34: {  	(erf) = vpow2.f32 v4;
	_ =	sdelay $0x3  }
0x35: {  	v9 =	vld [tilespmem:s13+$0x40];
	_ =	sdelay $0x2  }
0x36: {  	v43 =	vpop (erf)  }
0x37: {  	v39 =	vpop (erf)  }
0x38: {  	v4 =	vand.u32 $0x7FFFFFFF, v9;
	v22 =	vpop (erf)  }
0x39: {  	v4 =	vsub.f32 $0.0e+00, v4;
	v7 =	vadd.f32 $2.000000000e+00, v22  }
0x3a: {  	v8 =	vadd.f32 $1.000000000e+00, v22  }
0x3b: {  	v4 =	vmul.f32 $1.442695020e+00, v4;
	(erf) = vrcp.f32 v7  }
0x3c: {  	(erf) = vrcp.f32 v8  }
0x3d: {  	(erf) = vpow2.f32 v4;
	_ =	sdelay $0x3  }
0x3e: {  	v26 =	vld [tilespmem:s13+$0x50];
	_ =	sdelay $0x2  }
0x3f: {  	v42 =	vpop (erf)  }
0x40: {  	v34 =	vpop (erf)  }
0x41: {  	v4 =	vand.u32 $0x7FFFFFFF, v26;
	v17 =	vpop (erf)  }
0x42: {  	v4 =	vsub.f32 $0.0e+00, v4;
	v7 =	vadd.f32 $2.000000000e+00, v17  }
0x43: {  	v8 =	vadd.f32 $1.000000000e+00, v17  }
0x44: {  	v4 =	vmul.f32 $1.442695020e+00, v4;
	(erf) = vrcp.f32 v7  }
0x45: {  	(erf) = vrcp.f32 v8  }
0x46: {  	(erf) = vpow2.f32 v4;
	_ =	sdelay $0x3  }
0x47: {  	v24 =	vld [tilespmem:s13+$0x60];
	_ =	sdelay $0x2  }
0x48: {  	v40 =	vpop (erf)  }
0x49: {  	v25 =	vpop (erf)  }
0x4a: {  	v4 =	vand.u32 $0x7FFFFFFF, v24;
	v8 =	vpop (erf)  }
0x4b: {  	v4 =	vsub.f32 $0.0e+00, v4;
	v7 =	vadd.f32 $2.000000000e+00, v8  }
0x4c: {  	v10 =	vadd.f32 $1.000000000e+00, v8  }
0x4d: {  	v4 =	vmul.f32 $1.442695020e+00, v4;
	(erf) = vrcp.f32 v7  }
0x4e: {  	(erf) = vrcp.f32 v10  }
0x4f: {  	(erf) = vpow2.f32 v4;
	_ =	sdelay $0x3  }
0x50: {  	v12 =	vld [tilespmem:s13+$0x70];
	_ =	sdelay $0x2  }
0x51: {  	v38 =	vpop (erf)  }
0x52: {  	v31 =	vpop (erf)  }
0x53: {  	v4 =	vand.u32 $0x7FFFFFFF, v12;
	v28 =	vpop (erf)  }
0x54: {  	v4 =	vsub.f32 $0.0e+00, v4;
	v7 =	vadd.f32 $2.000000000e+00, v28  }
0x55: {  	v56 =	vadd.f32 $1.000000000e+00, v28  }
0x56: {  	v4 =	vmul.f32 $1.442695020e+00, v4;
	(erf) = vrcp.f32 v7  }
0x57: {  	(erf) = vrcp.f32 v56  }
0x58: {  	(erf) = vpow2.f32 v4;
	_ =	sdelay $0x3  }
0x59: {  	v18 =	vld [tilespmem:s13+$0x400];
	_ =	sdelay $0x2  }
0x5a: {  	v36 =	vpop (erf)  }
0x5b: {  	v29 =	vpop (erf)  }
0x5c: {  	v4 =	vand.u32 $0x7FFFFFFF, v18;
	v21 =	vpop (erf)  }
0x5d: {  	v4 =	vsub.f32 $0.0e+00, v4;
	v7 =	vadd.f32 $2.000000000e+00, v21  }
0x5e: {  	v57 =	vadd.f32 $1.000000000e+00, v21  }
0x5f: {  	v4 =	vmul.f32 $1.442695020e+00, v4;
	(erf) = vrcp.f32 v7  }
0x60: {  	(erf) = vrcp.f32 v57  }
0x61: {  	(erf) = vpow2.f32 v4;
	_ =	sdelay $0x3  }
0x62: {  	v7 =	vld [tilespmem:s13+$0x410];
	_ =	sdelay $0x2  }
0x63: {  	v37 =	vpop (erf)  }
0x64: {  	v27 =	vpop (erf)  }
0x65: {  	v4 =	vand.u32 $0x7FFFFFFF, v7;
	v19 =	vpop (erf)  }
0x66: {  	v4 =	vsub.f32 $0.0e+00, v4;
	v58 =	vadd.f32 $2.000000000e+00, v19  }
0x67: {  	v14 =	vadd.f32 $1.000000000e+00, v19  }
0x68: {  	v4 =	vmul.f32 $1.442695020e+00, v4;
	(erf) = vrcp.f32 v58  }
0x69: {  	v46 =	vmul.f32 v5, v35;
	(erf) = vrcp.f32 v14  }
0x6a: {  	(erf) = vpow2.f32 v4  }
0x6b: {  	v47 =	vmul.f32 v46, v46;
	_ =	sdelay $0x1  }
0x6c: {  	v61 =	vmul.f32 $2.222222240e-01, v47  }
0x6d: {  	v4 =	vld [tilespmem:s13+$0x420]  }
0x6e: {  	v49 =	vadd.f32 $2.857142980e-01, v61;
	_ =	sdelay $0x1  }
0x6f: {  	v44 =	vmul.f32 v2, v1;
	v49 =	vmul.f32 v49, v47;
	v33 =	vpop (erf)  }
0x70: {  	v20 =	vpop (erf)  }
0x71: {  	v45 =	vmul.f32 v44, v44;
	v49 =	vadd.f32 $4.000000060e-01, v49;
	v2 =	vand.u32 $0x7FFFFFFF, v4;
	v10 =	vpop (erf)  }
0x72: {  	v2 =	vsub.f32 $0.0e+00, v2;
	v59 =	vadd.f32 $2.000000000e+00, v10  }
0x73: {  	v48 =	vld [tilespmem:s13+$0x2000];
	v60 =	vmul.f32 $2.222222240e-01, v45;
	v49 =	vmul.f32 v49, v47;
	v30 =	vadd.f32 $1.000000000e+00, v10  }
0x74: {  	v2 =	vmul.f32 $1.442695020e+00, v2;
	(erf) = vrcp.f32 v59  }
0x75: {  	v49 =	vadd.f32 $6.666666860e-01, v49;
	(erf) = vrcp.f32 v30  }
0x76: {  	v55 =	vld [tilespmem:s13+$0x2010];
	(erf) = vpow2.f32 v2;
	v2 =	vadd.f32 $2.857142980e-01, v60  }
0x77: {  	v47 =	vmul.f32 v49, v47  }
0x78: {  	vm0 =	veq.s32 v48, $0x1;
	v5 =	vmul.f32 v2, v45  }
0x79: {  	v54 =	vsub.f32 $0.0e+00, v15;
	v1 =	vmul.f32 v32, v1;
	v47 =	vadd.f32 $2.000000000e+00, v47  }
0x7a: {  	v35 =	vmul.f32 v41, v35;
	v43 =	vmul.f32 v43, v23;
	v5 =	vadd.f32 $4.000000060e-01, v5  }
0x7b: {  	vm7 =	veq.s32 v55, $0x1;
	v23 =	vmul.f32 v39, v23;
	v46 =	vmul.f32 v47, v46  }
0x7c: {  	v42 =	vmul.f32 v42, v22;
	v57 =	vsub.f32 $0.0e+00, v13;
	v2 =	vld [tilespmem:s13+$0x430];
	v5 =	vmul.f32 v5, v45  }
0x7d: {  	v15 =	vsel vm0, v54, v15;
	v22 =	vmul.f32 v34, v22;
	v40 =	vmul.f32 v40, v17  }
0x7e: {  	v17 =	vmul.f32 v25, v17;
	v38 =	vmul.f32 v38, v8;
	v13 =	vsel vm7, v57, v13;
	v30 =	vpop (erf)  }
0x7f: {  	v61 =	vmax.f32 v13, $0.0e+00;
	v49 =	vxor.u32 $0x80000000, v13;
	v14 =	vpop (erf);
	v50 =	vadd.f32 $6.666666860e-01, v5  }
0x80: {  	v8 =	vmul.f32 v31, v8;
	v46 =	vadd.f32 v46, v61;
	vm8 =	vge.f32 v49, $0.0e+00;
	v5 =	vpop (erf)  }
0x81: {  	v51 =	vand.u32 $0x7FFFFFFF, v2;
	v45 =	vmul.f32 v50, v45;
	v52 =	vadd.f32 $2.000000000e+00, v5  }
0x82: {  	v35 =	vsel vm8, v35, v41;
	v51 =	vsub.f32 $0.0e+00, v51;
	v62 =	vadd.f32 $1.000000000e+00, v5  }
0x83: {  	v57 =	vmul.f32 $2.500000000e-01, v46;
	v45 =	vadd.f32 $2.000000000e+00, v45;
	(erf) = vrcp.f32 v52  }
0x84: {  	v63 =	vmul.f32 $1.442695020e+00, v51;
	v50 =	vxor.u32 $0x80000000, v15;
	(erf) = vrcp.f32 v62  }
0x85: {  	vm6 =	vge.f32 v50, $0.0e+00;
	v44 =	vmul.f32 v45, v44;
	v45 =	vmul.f32 v43, v43  }
0x86: {  	v15 =	vmax.f32 v15, $0.0e+00;
	v32 =	vsel vm6, v1, v32;
	v1 =	vld [tilespmem:s13+$0x440];
	(erf) = vpow2.f32 v63  }
0x87: {  	v35 =	vmul.f32 v35, v35;
	v15 =	vadd.f32 v44, v15;
	v56 =	vmul.f32 $2.222222240e-01, v45  }
0x88: {  	v46 =	vmul.f32 v42, v42;
	v37 =	vmul.f32 v37, v21  }
0x89: {  	v60 =	vmul.f32 v32, v32;
	v58 =	vmul.f32 $2.500000000e-01, v15;
	v59 =	vadd.f32 $2.857142980e-01, v56  }
0x8a: {  	vm9 =	vle.f32 v49, $8.472978470e-01;
	v21 =	vmul.f32 v27, v21;
	v33 =	vmul.f32 v33, v19  }
0x8b: {  	v55 =	vand.u32 $0x7FFFFFFF, v1;
	v62 =	vmul.f32 v59, v45;
	v44 =	vmul.f32 v58, v60  }
0x8c: {  	v19 =	vmul.f32 v20, v19;
	vm1 =	vle.f32 v50, $8.472978470e-01;
	v51 =	vsub.f32 $0.0e+00, v55;
	v59 =	vld [tilespmem:s13+$0x2020]  }
0x8d: {  	v32 =	vpop (erf);
	v63 =	vadd.f32 $4.000000060e-01, v62;
	v44 =	vnsel vm1, $0x0, v44;
	v62 =	vmul.f32 $2.222222240e-01, v46  }
0x8e: {  	v58 =	vmul.f32 $1.442695020e+00, v51;
	v60 =	vsub.f32 $0.0e+00, v11;
	v15 =	vpop (erf);
	v44 =	vadd.f32 v44, v3  }
0x8f: {  	v3 =	vmul.f32 v57, v35;
	v13 =	vpop (erf);
	v47 =	vmul.f32 v63, v45;
	v53 =	vadd.f32 $2.857142980e-01, v62  }
0x90: {  	v63 =	vsel vm1, $0x3F800000, v0;
	v62 =	vsub.f32 $0.0e+00, v16;
	v54 =	vadd.f32 $2.000000000e+00, v13  }
0x91: {  	v56 =	vadd.f32 $1.000000000e+00, v13;
	v49 =	vnsel vm9, $0x0, v3;
	vm10 =	veq.s32 v59, $0x1  }
0x92: {  	v6 =	vadd.f32 v63, v6;
	v47 =	vadd.f32 $6.666666860e-01, v47;
	v11 =	vsel vm10, v60, v11  }
0x93: {  	v3 =	vld [tilespmem:s13+$0x450];
	v41 =	vmul.f32 v53, v46;
	v44 =	vadd.f32 v49, v44;
	v49 =	vmul.f32 v40, v40  }
0x94: {  	v59 =	vld [tilespmem:s13+$0x2030];
	(erf) = vrcp.f32 v54;
	v54 =	vxor.u32 $0x80000000, v11;
	v11 =	vmax.f32 v11, $0.0e+00  }
0x95: {  	(erf) = vrcp.f32 v56;
	v45 =	vmul.f32 v47, v45;
	vm11 =	vge.f32 v54, $0.0e+00  }
0x96: {  	v41 =	vadd.f32 $4.000000060e-01, v41;
	vm12 =	vle.f32 v54, $8.472978470e-01;
	v54 =	vmul.f32 v38, v38  }
0x97: {  	(erf) = vpow2.f32 v58;
	v39 =	vsel vm11, v23, v39;
	v63 =	vsel vm12, $0x3F800000, v0  }
0x98: {  	v61 =	vadd.f32 $2.000000000e+00, v45;
	v39 =	vmul.f32 v39, v39;
	v57 =	vand.u32 $0x7FFFFFFF, v3  }
0x99: {  	v41 =	vmul.f32 v41, v46;
	vm13 =	veq.s32 v59, $0x1;
	v58 =	vsub.f32 $0.0e+00, v57  }
0x9a: {  	v16 =	vsel vm13, v62, v16;
	v52 =	vmul.f32 v61, v43;
	v61 =	vsel vm9, $0x3F800000, v0  }
0x9b: {  	v41 =	vadd.f32 $6.666666860e-01, v41;
	v51 =	vxor.u32 $0x80000000, v16;
	v16 =	vmax.f32 v16, $0.0e+00  }
0x9c: {  	v45 =	vmul.f32 $1.442695020e+00, v58;
	v50 =	vadd.f32 v61, v6;
	v6 =	vmul.f32 $2.222222240e-01, v49  }
0x9d: {  	v57 =	vld [tilespmem:s13+$0x2040];
	vm14 =	vge.f32 v51, $0.0e+00;
	vm15 =	vle.f32 v51, $8.472978470e-01;
	v58 =	vmul.f32 $2.222222240e-01, v54  }
0x9e: {  	v11 =	vadd.f32 v52, v11;
	v41 =	vmul.f32 v41, v46;
	v22 =	vsel vm14, v22, v34  }
0x9f: {  	v46 =	vmul.f32 v36, v28;
	v51 =	vsel vm15, $0x3F800000, v0;
	v6 =	vadd.f32 $2.857142980e-01, v6  }
0xa0: {  	v28 =	vmul.f32 v29, v28;
	v43 =	vadd.f32 v63, v50;
	v47 =	vadd.f32 $2.857142980e-01, v58;
	v35 =	vpop (erf)  }
0xa1: {  	v63 =	vsub.f32 $0.0e+00, v9;
	v41 =	vadd.f32 $2.000000000e+00, v41;
	v23 =	vpop (erf);
	v48 =	vmul.f32 v6, v49  }
0xa2: {  	v55 =	vmul.f32 $2.500000000e-01, v11;
	vm4 =	veq.s32 v57, $0x1;
	v6 =	vld [tilespmem:s13+$0x460];
	v47 =	vmul.f32 v47, v54;
	v11 =	vpop (erf)  }
0xa3: {  	v41 =	vmul.f32 v41, v42;
	v56 =	vadd.f32 $2.000000000e+00, v11;
	v52 =	vadd.f32 $4.000000060e-01, v48  }
0xa4: {  	v9 =	vsel vm4, v63, v9;
	v39 =	vmul.f32 v55, v39;
	v60 =	vadd.f32 $1.000000000e+00, v11  }
0xa5: {  	v16 =	vadd.f32 v41, v16;
	(erf) = vrcp.f32 v56;
	v53 =	vmul.f32 v52, v49  }
0xa6: {  	v43 =	vadd.f32 v51, v43;
	v56 =	vmul.f32 v22, v22;
	(erf) = vrcp.f32 v60  }
0xa7: {  	v55 =	vmul.f32 $2.500000000e-01, v16;
	v59 =	vand.u32 $0x7FFFFFFF, v6;
	(erf) = vpow2.f32 v45  }
0xa8: {  	v50 =	vld [tilespmem:s13+$0x2050];
	v39 =	vnsel vm12, $0x0, v39;
	v41 =	vadd.f32 $6.666666860e-01, v53;
	v48 =	vsub.f32 $0.0e+00, v59  }
0xa9: {  	v35 =	vmul.f32 v35, v13;
	v39 =	vadd.f32 v39, v44;
	v44 =	vmul.f32 v55, v56  }
0xaa: {  	v41 =	vmul.f32 v41, v49;
	v62 =	vmul.f32 $1.442695020e+00, v48;
	v48 =	vadd.f32 $4.000000060e-01, v47  }
0xab: {  	v13 =	vmul.f32 v23, v13;
	v49 =	vxor.u32 $0x80000000, v9;
	v44 =	vnsel vm15, $0x0, v44  }
0xac: {  	v41 =	vadd.f32 $2.000000000e+00, v41;
	v39 =	vadd.f32 v44, v39;
	v44 =	vmul.f32 v48, v54  }
0xad: {  	vm7 =	veq.s32 v50, $0x1;
	v9 =	vmax.f32 v9, $0.0e+00;
	vm5 =	vge.f32 v49, $0.0e+00  }
0xae: {  	v40 =	vmul.f32 v41, v40;
	v52 =	vadd.f32 $6.666666860e-01, v44;
	v44 =	vmul.f32 v46, v46;
	v34 =	vpop (erf)  }
0xaf: {  	vm6 =	vle.f32 v49, $8.472978470e-01;
	v49 =	vsub.f32 $0.0e+00, v18;
	v17 =	vsel vm5, v17, v25;
	v22 =	vpop (erf)  }
0xb0: {  	v17 =	vmul.f32 v17, v17;
	v40 =	vadd.f32 v40, v9;
	v53 =	vmul.f32 $2.222222240e-01, v44;
	v16 =	vpop (erf)  }
0xb1: {  	v9 =	vld [tilespmem:s13+$0x470];
	v42 =	vmul.f32 v52, v54;
	v54 =	vsub.f32 $0.0e+00, v26;
	v60 =	vadd.f32 $2.000000000e+00, v16  }
0xb2: {  	v52 =	vsel vm6, $0x3F800000, v0;
	v40 =	vmul.f32 $2.500000000e-01, v40;
	v45 =	vadd.f32 $2.857142980e-01, v53  }
0xb3: {  	v61 =	vadd.f32 $1.000000000e+00, v16;
	v42 =	vadd.f32 $2.000000000e+00, v42;
	(erf) = vrcp.f32 v60  }
0xb4: {  	v26 =	vsel vm7, v54, v26;
	v40 =	vmul.f32 v40, v17;
	v45 =	vmul.f32 v45, v44  }
0xb5: {  	v38 =	vmul.f32 v42, v38;
	v60 =	vxor.u32 $0x80000000, v26;
	v26 =	vmax.f32 v26, $0.0e+00  }
0xb6: {  	(erf) = vrcp.f32 v61;
	v55 =	vand.u32 $0x7FFFFFFF, v9;
	vm8 =	vge.f32 v60, $0.0e+00  }
0xb7: {  	(erf) = vpow2.f32 v62;
	v47 =	vsub.f32 $0.0e+00, v55;
	v8 =	vsel vm8, v8, v31  }
0xb8: {  	v40 =	vnsel vm6, $0x0, v40;
	v59 =	vadd.f32 $4.000000060e-01, v45;
	v62 =	vld [tilespmem:s13+$0x2060];
	v54 =	vmul.f32 v8, v8  }
0xb9: {  	v26 =	vadd.f32 v38, v26;
	v8 =	vld [tilespmem:s13+$0x800];
	v58 =	vmul.f32 $1.442695020e+00, v47;
	v47 =	vmul.f32 v37, v37  }
0xba: {  	v55 =	vsub.f32 $0.0e+00, v24;
	v39 =	vadd.f32 v40, v39;
	v61 =	vmul.f32 v59, v44  }
0xbb: {  	v40 =	vadd.f32 v52, v43;
	v26 =	vmul.f32 $2.500000000e-01, v26;
	v63 =	vmul.f32 $2.222222240e-01, v47  }
0xbc: {  	vm9 =	vle.f32 v60, $8.472978470e-01;
	v52 =	vsub.f32 $0.0e+00, v12;
	v53 =	vadd.f32 $6.666666860e-01, v61  }
0xbd: {  	v26 =	vmul.f32 v26, v54;
	vm10 =	veq.s32 v62, $0x1;
	v62 =	vld [tilespmem:s13+$0x2070];
	v42 =	vadd.f32 $2.857142980e-01, v63  }
0xbe: {  	v31 =	vmul.f32 v53, v44;
	v60 =	vand.u32 $0x7FFFFFFF, v8;
	v63 =	vmul.f32 v33, v33;
	v36 =	vpop (erf)  }
0xbf: {  	v41 =	vsel vm10, v55, v24;
	v53 =	vsel vm9, $0x3F800000, v0;
	v45 =	vsub.f32 $0.0e+00, v60;
	v25 =	vpop (erf)  }
0xc0: {  	v40 =	vadd.f32 v53, v40;
	v60 =	vld [tilespmem:s13+$0x2400];
	v42 =	vmul.f32 v42, v47;
	v51 =	vmul.f32 $2.222222240e-01, v63;
	v17 =	vpop (erf)  }
0xc1: {  	v36 =	vmul.f32 v36, v16;
	v45 =	vmul.f32 $1.442695020e+00, v45;
	v56 =	vadd.f32 $2.000000000e+00, v17  }
0xc2: {  	v57 =	vadd.f32 $1.000000000e+00, v17;
	v42 =	vadd.f32 $4.000000060e-01, v42;
	vm13 =	veq.s32 v62, $0x1  }
0xc3: {  	v16 =	vmul.f32 v25, v16;
	v12 =	vsel vm13, v52, v12;
	(erf) = vrcp.f32 v56  }
0xc4: {  	v56 =	vadd.f32 $2.000000000e+00, v31;
	v42 =	vmul.f32 v42, v47;
	(erf) = vrcp.f32 v57  }
0xc5: {  	v55 =	vxor.u32 $0x80000000, v12;
	vm4 =	veq.s32 v60, $0x1;
	(erf) = vpow2.f32 v58  }
0xc6: {  	v57 =	vnsel vm9, $0x0, v26;
	vm14 =	vge.f32 v55, $0.0e+00;
	vm15 =	vle.f32 v55, $8.472978470e-01  }
0xc7: {  	v18 =	vsel vm4, v49, v18;
	v39 =	vadd.f32 v57, v39;
	v58 =	vxor.u32 $0x80000000, v41  }
0xc8: {  	v38 =	vmul.f32 v56, v46;
	v42 =	vadd.f32 $6.666666860e-01, v42;
	v41 =	vmax.f32 v41, $0.0e+00  }
0xc9: {  	v55 =	vld [tilespmem:s13+$0x2410];
	v21 =	vsel vm14, v21, v27;
	vm11 =	vge.f32 v58, $0.0e+00;
	vm12 =	vle.f32 v58, $8.472978470e-01  }
0xca: {  	v56 =	vmul.f32 v21, v21;
	v28 =	vsel vm11, v28, v29;
	v50 =	vmul.f32 v42, v47  }
0xcb: {  	v38 =	vadd.f32 v38, v41;
	v42 =	vadd.f32 $2.857142980e-01, v51;
	v48 =	vsel vm12, $0x3F800000, v0  }
0xcc: {  	v41 =	vmax.f32 v12, $0.0e+00;
	v28 =	vmul.f32 v28, v28;
	v40 =	vadd.f32 v48, v40;
	v31 =	vpop (erf)  }
0xcd: {  	v48 =	vmul.f32 v35, v35;
	v29 =	vadd.f32 $2.000000000e+00, v50;
	v38 =	vmul.f32 $2.500000000e-01, v38;
	v26 =	vpop (erf)  }
0xce: {  	v54 =	vmul.f32 v42, v63;
	v42 =	vmul.f32 v30, v10;
	vm7 =	veq.s32 v55, $0x1;
	v24 =	vpop (erf)  }
0xcf: {  	v10 =	vmul.f32 v14, v10;
	v49 =	vmul.f32 $2.222222240e-01, v48;
	v59 =	vadd.f32 $2.000000000e+00, v24  }
0xd0: {  	v29 =	vmul.f32 v29, v37;
	v37 =	vadd.f32 $4.000000060e-01, v54;
	v61 =	vadd.f32 $1.000000000e+00, v24  }
0xd1: {  	v28 =	vmul.f32 v38, v28;
	v54 =	vsel vm15, $0x3F800000, v0;
	(erf) = vrcp.f32 v59  }
0xd2: {  	v12 =	vld [tilespmem:s13+$0x810];
	v41 =	vadd.f32 v29, v41;
	v37 =	vmul.f32 v37, v63;
	(erf) = vrcp.f32 v61  }
0xd3: {  	v28 =	vnsel vm12, $0x0, v28;
	v31 =	vmul.f32 v31, v17;
	(erf) = vpow2.f32 v45  }
0xd4: {  	v28 =	vadd.f32 v28, v39;
	v41 =	vmul.f32 $2.500000000e-01, v41;
	v57 =	vadd.f32 $6.666666860e-01, v37  }
0xd5: {  	v37 =	vxor.u32 $0x80000000, v18;
	v18 =	vmax.f32 v18, $0.0e+00;
	v61 =	vmul.f32 v42, v42  }
0xd6: {  	vm5 =	vge.f32 v37, $0.0e+00;
	vm6 =	vle.f32 v37, $8.472978470e-01;
	v30 =	vmul.f32 v57, v63  }
0xd7: {  	v59 =	vand.u32 $0x7FFFFFFF, v12;
	v39 =	vmul.f32 v41, v56;
	v63 =	vmul.f32 $2.222222240e-01, v61  }
0xd8: {  	v19 =	vsel vm5, v19, v20;
	v43 =	vsub.f32 $0.0e+00, v59;
	v30 =	vadd.f32 $2.000000000e+00, v30  }
0xd9: {  	v41 =	vadd.f32 $2.857142980e-01, v49;
	v19 =	vmul.f32 v19, v19;
	v38 =	vadd.f32 $2.857142980e-01, v63  }
0xda: {  	v39 =	vnsel vm15, $0x0, v39;
	v43 =	vmul.f32 $1.442695020e+00, v43;
	v30 =	vmul.f32 v30, v33;
	v29 =	vpop (erf)  }
0xdb: {  	v28 =	vadd.f32 v39, v28;
	v63 =	vsub.f32 $0.0e+00, v7;
	v50 =	vmul.f32 v38, v61;
	v27 =	vpop (erf)  }
0xdc: {  	v30 =	vadd.f32 v30, v18;
	v38 =	vmul.f32 v32, v5;
	v32 =	vadd.f32 v54, v40;
	v21 =	vpop (erf)  }
0xdd: {  	v5 =	vmul.f32 v15, v5;
	v51 =	vadd.f32 $4.000000060e-01, v50;
	v58 =	vadd.f32 $2.000000000e+00, v21  }
0xde: {  	v18 =	vld [tilespmem:s13+$0x820];
	v52 =	vmul.f32 $2.500000000e-01, v30;
	v33 =	vmul.f32 v38, v38;
	v62 =	vadd.f32 $1.000000000e+00, v21  }
0xdf: {  	v7 =	vsel vm7, v63, v7;
	v53 =	vmul.f32 v51, v61;
	(erf) = vrcp.f32 v58  }
0xe0: {  	v54 =	vsub.f32 $0.0e+00, v4;
	v56 =	vmul.f32 $2.222222240e-01, v33;
	(erf) = vrcp.f32 v62  }
0xe1: {  	v50 =	vld [tilespmem:s13+$0x2420];
	v39 =	vmul.f32 v52, v19;
	v57 =	vadd.f32 $6.666666860e-01, v53;
	(erf) = vpow2.f32 v43  }
0xe2: {  	v52 =	vmul.f32 v41, v48;
	v29 =	vmul.f32 v29, v24;
	v58 =	vadd.f32 $2.857142980e-01, v56  }
0xe3: {  	v59 =	vand.u32 $0x7FFFFFFF, v18;
	v39 =	vnsel vm6, $0x0, v39;
	v37 =	vmul.f32 v57, v61  }
0xe4: {  	v24 =	vmul.f32 v27, v24;
	v28 =	vadd.f32 v39, v28;
	v40 =	vmul.f32 v58, v33  }
0xe5: {  	v53 =	vsel vm6, $0x3F800000, v0;
	v43 =	vsub.f32 $0.0e+00, v59;
	v37 =	vadd.f32 $2.000000000e+00, v37  }
0xe6: {  	v41 =	vadd.f32 v53, v32;
	vm10 =	veq.s32 v50, $0x1;
	v59 =	vld [tilespmem:s13+$0x2430];
	v40 =	vadd.f32 $4.000000060e-01, v40  }
0xe7: {  	v62 =	vmul.f32 $1.442695020e+00, v43;
	v43 =	vxor.u32 $0x80000000, v7;
	v37 =	vmul.f32 v37, v42  }
0xe8: {  	v7 =	vmax.f32 v7, $0.0e+00;
	vm8 =	vge.f32 v43, $0.0e+00;
	v40 =	vmul.f32 v40, v33;
	v30 =	vpop (erf)  }
0xe9: {  	v4 =	vsel vm10, v54, v4;
	v10 =	vsel vm8, v10, v14;
	v37 =	vadd.f32 v37, v7;
	v20 =	vpop (erf)  }
0xea: {  	v7 =	vld [tilespmem:s13+$0x830];
	v10 =	vmul.f32 v10, v10;
	v51 =	vadd.f32 $6.666666860e-01, v40;
	v40 =	vadd.f32 $4.000000060e-01, v52;
	v19 =	vpop (erf)  }
0xeb: {  	vm12 =	veq.s32 v59, $0x1;
	v59 =	vld [tilespmem:s13+$0x2440];
	v37 =	vmul.f32 $2.500000000e-01, v37;
	v60 =	vadd.f32 $2.000000000e+00, v19  }
0xec: {  	v33 =	vmul.f32 v51, v33;
	v40 =	vmul.f32 v40, v48;
	v61 =	vadd.f32 $1.000000000e+00, v19  }
0xed: {  	vm9 =	vle.f32 v43, $8.472978470e-01;
	v30 =	vmul.f32 v30, v21;
	(erf) = vrcp.f32 v60  }
0xee: {  	v51 =	vsel vm9, $0x3F800000, v0;
	v37 =	vmul.f32 v37, v10;
	(erf) = vrcp.f32 v61  }
0xef: {  	v21 =	vmul.f32 v20, v21;
	v33 =	vadd.f32 $2.000000000e+00, v33;
	(erf) = vpow2.f32 v62  }
0xf0: {  	v55 =	vand.u32 $0x7FFFFFFF, v7;
	v57 =	vadd.f32 $6.666666860e-01, v40;
	vm4 =	veq.s32 v59, $0x1  }
0xf1: {  	v59 =	vsub.f32 $0.0e+00, v6;
	v43 =	vsub.f32 $0.0e+00, v55;
	v37 =	vnsel vm9, $0x0, v37  }
0xf2: {  	v33 =	vmul.f32 v33, v38;
	v38 =	vmul.f32 v57, v48;
	v28 =	vadd.f32 v37, v28  }
0xf3: {  	v60 =	vmul.f32 $1.442695020e+00, v43;
	v61 =	vxor.u32 $0x80000000, v4;
	v4 =	vmax.f32 v4, $0.0e+00  }
0xf4: {  	v4 =	vadd.f32 v33, v4;
	v33 =	vmul.f32 v34, v11;
	vm11 =	vge.f32 v61, $0.0e+00  }
0xf5: {  	v62 =	vsub.f32 $0.0e+00, v2;
	v38 =	vadd.f32 $2.000000000e+00, v38;
	vm14 =	vle.f32 v61, $8.472978470e-01  }
0xf6: {  	v5 =	vsel vm11, v5, v15;
	v61 =	vsel vm14, $0x3F800000, v0;
	v63 =	vmul.f32 v33, v33;
	v32 =	vpop (erf)  }
0xf7: {  	v4 =	vmul.f32 $2.500000000e-01, v4;
	v44 =	vsel vm12, v62, v2;
	v45 =	vmul.f32 v38, v35;
	v14 =	vpop (erf)  }
0xf8: {  	v5 =	vmul.f32 v5, v5;
	v62 =	vsub.f32 $0.0e+00, v1;
	v46 =	vmax.f32 v44, $0.0e+00;
	v10 =	vpop (erf)  }
0xf9: {  	v48 =	vxor.u32 $0x80000000, v44;
	v44 =	vmul.f32 v22, v11;
	v56 =	vadd.f32 $2.000000000e+00, v10  }
0xfa: {  	v47 =	vmul.f32 $2.222222240e-01, v63;
	v34 =	vadd.f32 v45, v46;
	v58 =	vadd.f32 $1.000000000e+00, v10  }
0xfb: {  	vm13 =	vge.f32 v48, $0.0e+00;
	v4 =	vmul.f32 v4, v5;
	(erf) = vrcp.f32 v56  }
0xfc: {  	v2 =	vld [tilespmem:s13+$0x840];
	vm15 =	vle.f32 v48, $8.472978470e-01;
	v49 =	vadd.f32 $2.857142980e-01, v47;
	(erf) = vrcp.f32 v58  }
0xfd: {  	v1 =	vsel vm4, v62, v1;
	v5 =	vsel vm13, v13, v23;
	(erf) = vpow2.f32 v60  }
0xfe: {  	v42 =	vxor.u32 $0x80000000, v1;
	v1 =	vmax.f32 v1, $0.0e+00;
	v35 =	vmul.f32 v49, v63  }
0xff: {  	v50 =	vmul.f32 $2.500000000e-01, v34;
	v52 =	vmul.f32 v5, v5;
	v34 =	vadd.f32 v51, v41  }
0x100: {  	v4 =	vnsel vm14, $0x0, v4;
	vm5 =	vle.f32 v42, $8.472978470e-01;
	v35 =	vadd.f32 $4.000000060e-01, v35  }
0x101: {  	vm6 =	vge.f32 v42, $0.0e+00;
	v42 =	vsub.f32 $0.0e+00, v8;
	v54 =	vand.u32 $0x7FFFFFFF, v2  }
0x102: {  	v4 =	vadd.f32 v4, v28;
	v56 =	vmul.f32 v36, v36;
	v35 =	vmul.f32 v35, v63  }
0x103: {  	v22 =	vsel vm6, v44, v22;
	v13 =	vmul.f32 v50, v52;
	v55 =	vsub.f32 $0.0e+00, v54  }
0x104: {  	v45 =	vld [tilespmem:s13+$0x2450];
	v34 =	vadd.f32 v61, v34;
	v58 =	vmul.f32 $2.222222240e-01, v56;
	v35 =	vadd.f32 $6.666666860e-01, v35;
	v15 =	vpop (erf)  }
0x105: {  	v49 =	vmul.f32 v31, v31;
	v22 =	vmul.f32 v22, v22;
	v52 =	vsub.f32 $0.0e+00, v3;
	v23 =	vpop (erf)  }
0x106: {  	v13 =	vnsel vm15, $0x0, v13;
	v60 =	vadd.f32 $2.857142980e-01, v58;
	v35 =	vmul.f32 v35, v63;
	v5 =	vpop (erf)  }
0x107: {  	v37 =	vmul.f32 $1.442695020e+00, v55;
	v13 =	vadd.f32 v13, v4;
	v53 =	vadd.f32 $2.000000000e+00, v5  }
0x108: {  	v54 =	vld [tilespmem:s13+$0x2460];
	v4 =	vmul.f32 v60, v56;
	v35 =	vadd.f32 $2.000000000e+00, v35;
	v57 =	vadd.f32 $1.000000000e+00, v5  }
0x109: {  	vm7 =	veq.s32 v45, $0x1;
	v51 =	vmul.f32 $2.222222240e-01, v49;
	(erf) = vrcp.f32 v53  }
0x10a: {  	v40 =	vadd.f32 $4.000000060e-01, v4;
	v4 =	vld [tilespmem:s13+$0x850];
	v41 =	vmul.f32 v35, v33;
	(erf) = vrcp.f32 v57  }
0x10b: {  	v3 =	vsel vm7, v52, v3;
	v39 =	vadd.f32 $2.857142980e-01, v51;
	(erf) = vpow2.f32 v37  }
0x10c: {  	v52 =	vmul.f32 v30, v30;
	v51 =	vsub.f32 $0.0e+00, v9;
	v1 =	vadd.f32 v41, v1  }
0x10d: {  	vm9 =	veq.s32 v54, $0x1;
	v55 =	vmul.f32 v39, v49;
	v63 =	vsel vm15, $0x3F800000, v0  }
0x10e: {  	v6 =	vsel vm9, v59, v6;
	v34 =	vadd.f32 v63, v34;
	v1 =	vmul.f32 $2.500000000e-01, v1  }
0x10f: {  	v63 =	vsel vm5, $0x3F800000, v0;
	v48 =	vand.u32 $0x7FFFFFFF, v4;
	v37 =	vmul.f32 v40, v56  }
0x110: {  	v34 =	vadd.f32 v63, v34;
	v38 =	vsub.f32 $0.0e+00, v48;
	v1 =	vmul.f32 v1, v22  }
0x111: {  	v48 =	vxor.u32 $0x80000000, v6;
	v6 =	vmax.f32 v6, $0.0e+00;
	v46 =	vadd.f32 $6.666666860e-01, v37  }
0x112: {  	vm11 =	vge.f32 v48, $0.0e+00;
	v38 =	vmul.f32 $1.442695020e+00, v38;
	v1 =	vnsel vm5, $0x0, v1;
	v33 =	vpop (erf)  }
0x113: {  	v1 =	vadd.f32 v1, v13;
	v37 =	vxor.u32 $0x80000000, v3;
	v35 =	vmul.f32 v46, v56;
	v28 =	vpop (erf)  }
0x114: {  	v3 =	vmax.f32 v3, $0.0e+00;
	vm8 =	vge.f32 v37, $0.0e+00;
	v56 =	vmul.f32 v29, v29;
	v11 =	vpop (erf)  }
0x115: {  	vm10 =	vle.f32 v37, $8.472978470e-01;
	v35 =	vadd.f32 $2.000000000e+00, v35;
	v47 =	vadd.f32 $2.000000000e+00, v11  }
0x116: {  	v16 =	vsel vm8, v16, v25;
	v57 =	vmul.f32 $2.222222240e-01, v56;
	v50 =	vadd.f32 $1.000000000e+00, v11  }
0x117: {  	v53 =	vmul.f32 v35, v36;
	v36 =	vadd.f32 $4.000000060e-01, v55;
	(erf) = vrcp.f32 v47  }
0x118: {  	v16 =	vmul.f32 v16, v16;
	v60 =	vadd.f32 $2.857142980e-01, v57;
	(erf) = vrcp.f32 v50  }
0x119: {  	v22 =	vadd.f32 v53, v3;
	v3 =	vld [tilespmem:s13+$0x860];
	v36 =	vmul.f32 v36, v49;
	(erf) = vpow2.f32 v38  }
0x11a: {  	v59 =	vsel vm10, $0x3F800000, v0;
	v35 =	vmul.f32 v60, v56;
	v53 =	vmul.f32 $2.222222240e-01, v52;
	v60 =	vld [tilespmem:s13+$0x2800]  }
0x11b: {  	v34 =	vadd.f32 v59, v34;
	v58 =	vmul.f32 $2.500000000e-01, v22;
	v36 =	vadd.f32 $6.666666860e-01, v36  }
0x11c: {  	vm14 =	vle.f32 v48, $8.472978470e-01;
	v35 =	vadd.f32 $4.000000060e-01, v35;
	v54 =	vadd.f32 $2.857142980e-01, v53  }
0x11d: {  	v53 =	vsub.f32 $0.0e+00, v12;
	v16 =	vmul.f32 v58, v16;
	v36 =	vmul.f32 v36, v49  }
0x11e: {  	v35 =	vmul.f32 v35, v56;
	v49 =	vmul.f32 v26, v17;
	v62 =	vand.u32 $0x7FFFFFFF, v3  }
0x11f: {  	v55 =	vmul.f32 v54, v52;
	vm4 =	veq.s32 v60, $0x1;
	v39 =	vsub.f32 $0.0e+00, v62  }
0x120: {  	v16 =	vnsel vm10, $0x0, v16;
	v36 =	vadd.f32 $2.000000000e+00, v36;
	v47 =	vadd.f32 $6.666666860e-01, v35;
	v25 =	vpop (erf)  }
0x121: {  	v62 =	vsel vm14, $0x3F800000, v0;
	v8 =	vsel vm4, v42, v8;
	v45 =	vadd.f32 v16, v1;
	v22 =	vpop (erf)  }
0x122: {  	v1 =	vld [tilespmem:s13+$0x2470];
	v16 =	vsel vm11, v49, v26;
	v35 =	vxor.u32 $0x80000000, v8;
	v8 =	vmax.f32 v8, $0.0e+00;
	v13 =	vpop (erf)  }
0x123: {  	v54 =	vld [tilespmem:s13+$0x2820];
	v39 =	vmul.f32 $1.442695020e+00, v39;
	v46 =	vmul.f32 v36, v31;
	v61 =	vadd.f32 $2.000000000e+00, v13  }
0x124: {  	v50 =	vmul.f32 v47, v56;
	v16 =	vmul.f32 v16, v16;
	v44 =	vadd.f32 $1.000000000e+00, v13  }
0x125: {  	vm5 =	vge.f32 v35, $0.0e+00;
	vm6 =	vle.f32 v35, $8.472978470e-01;
	(erf) = vrcp.f32 v61  }
0x126: {  	v20 =	vsel vm5, v21, v20;
	v6 =	vadd.f32 v46, v6;
	(erf) = vrcp.f32 v44  }
0x127: {  	v17 =	vadd.f32 $2.000000000e+00, v50;
	vm12 =	veq.s32 v1, $0x1;
	(erf) = vpow2.f32 v39  }
0x128: {  	vm9 =	veq.s32 v54, $0x1;
	v6 =	vmul.f32 $2.500000000e-01, v6;
	v9 =	vsel vm12, v51, v9  }
0x129: {  	v20 =	vmul.f32 v20, v20;
	v1 =	vld [tilespmem:s13+$0x870];
	v17 =	vmul.f32 v17, v29;
	v31 =	vxor.u32 $0x80000000, v9  }
0x12a: {  	v9 =	vmax.f32 v9, $0.0e+00;
	v6 =	vmul.f32 v6, v16;
	vm13 =	vge.f32 v31, $0.0e+00  }
0x12b: {  	v9 =	vadd.f32 v17, v9;
	vm15 =	vle.f32 v31, $8.472978470e-01;
	v24 =	vsel vm13, v24, v27  }
0x12c: {  	v27 =	vadd.f32 $4.000000060e-01, v55;
	v6 =	vnsel vm14, $0x0, v6;
	v61 =	vmul.f32 v32, v19  }
0x12d: {  	v51 =	vld [tilespmem:s13+$0x2810];
	v32 =	vadd.f32 v62, v34;
	v41 =	vsel vm15, $0x3F800000, v0;
	v34 =	vmul.f32 v15, v10  }
0x12e: {  	v19 =	vmul.f32 v14, v19;
	v10 =	vmul.f32 v23, v10;
	v56 =	vand.u32 $0x7FFFFFFF, v1;
	v26 =	vpop (erf)  }
0x12f: {  	v9 =	vmul.f32 $2.500000000e-01, v9;
	v24 =	vmul.f32 v24, v24;
	v6 =	vadd.f32 v6, v45;
	v17 =	vpop (erf)  }
0x130: {  	v29 =	vsub.f32 $0.0e+00, v56;
	v27 =	vmul.f32 v27, v52;
	v63 =	vmul.f32 v61, v61;
	v16 =	vpop (erf)  }
0x131: {  	v32 =	vadd.f32 v41, v32;
	v46 =	vmul.f32 v34, v34;
	v57 =	vadd.f32 $2.000000000e+00, v16  }
0x132: {  	vm7 =	veq.s32 v51, $0x1;
	v9 =	vmul.f32 v9, v24;
	v58 =	vadd.f32 $1.000000000e+00, v16  }
0x133: {  	v12 =	vsel vm7, v53, v12;
	v29 =	vmul.f32 $1.442695020e+00, v29;
	(erf) = vrcp.f32 v57  }
0x134: {  	v27 =	vadd.f32 $6.666666860e-01, v27;
	v9 =	vnsel vm15, $0x0, v9;
	(erf) = vrcp.f32 v58  }
0x135: {  	v48 =	vmul.f32 $2.222222240e-01, v46;
	v9 =	vadd.f32 v9, v6;
	v6 =	vld [tilespmem:s13+$0xC00];
	(erf) = vpow2.f32 v29  }
0x136: {  	v43 =	vmul.f32 $2.222222240e-01, v63;
	v56 =	vxor.u32 $0x80000000, v12;
	v27 =	vmul.f32 v27, v52  }
0x137: {  	v60 =	vmax.f32 v12, $0.0e+00;
	vm8 =	vge.f32 v56, $0.0e+00;
	v38 =	vadd.f32 $2.857142980e-01, v48  }
0x138: {  	vm10 =	vle.f32 v56, $8.472978470e-01;
	v45 =	vadd.f32 $2.857142980e-01, v43;
	v27 =	vadd.f32 $2.000000000e+00, v27  }
0x139: {  	v56 =	vsub.f32 $0.0e+00, v7;
	v43 =	vsel vm6, $0x3F800000, v0;
	v52 =	vmul.f32 v38, v46  }
0x13a: {  	v44 =	vmul.f32 v27, v30;
	v30 =	vmul.f32 v45, v63;
	v47 =	vand.u32 $0x7FFFFFFF, v6  }
0x13b: {  	v21 =	vadd.f32 $4.000000060e-01, v52;
	v26 =	vmul.f32 v26, v13;
	v37 =	vsub.f32 $0.0e+00, v47  }
0x13c: {  	v13 =	vmul.f32 v17, v13;
	v8 =	vadd.f32 v44, v8;
	v30 =	vadd.f32 $4.000000060e-01, v30;
	v27 =	vpop (erf)  }
0x13d: {  	v48 =	vadd.f32 v43, v32;
	v21 =	vmul.f32 v21, v46;
	v37 =	vmul.f32 $1.442695020e+00, v37;
	v24 =	vpop (erf)  }
0x13e: {  	v52 =	vsel vm10, $0x3F800000, v0;
	v30 =	vmul.f32 v30, v63;
	v8 =	vmul.f32 $2.500000000e-01, v8;
	v15 =	vpop (erf)  }
0x13f: {  	v47 =	vld [tilespmem:s13+$0x2830];
	v21 =	vadd.f32 $6.666666860e-01, v21;
	v57 =	vsel vm8, v19, v14;
	v49 =	vadd.f32 $2.000000000e+00, v15  }
0x140: {  	v58 =	vsub.f32 $0.0e+00, v18;
	v8 =	vmul.f32 v8, v20;
	v50 =	vadd.f32 $1.000000000e+00, v15  }
0x141: {  	v30 =	vadd.f32 $6.666666860e-01, v30;
	v59 =	vmul.f32 v21, v46;
	(erf) = vrcp.f32 v49  }
0x142: {  	v46 =	vmul.f32 v25, v11;
	v25 =	vadd.f32 v52, v48;
	(erf) = vrcp.f32 v50  }
0x143: {  	v11 =	vmul.f32 v22, v11;
	v18 =	vsel vm9, v58, v18;
	(erf) = vpow2.f32 v37  }
0x144: {  	v48 =	vld [tilespmem:s13+$0x2850];
	vm13 =	veq.s32 v47, $0x1;
	v30 =	vmul.f32 v30, v63;
	v55 =	vnsel vm6, $0x0, v8  }
0x145: {  	v8 =	vld [tilespmem:s13+$0xC10];
	v20 =	vadd.f32 $2.000000000e+00, v59;
	v44 =	vxor.u32 $0x80000000, v18;
	v18 =	vmax.f32 v18, $0.0e+00  }
0x146: {  	v7 =	vsel vm13, v56, v7;
	v31 =	vadd.f32 v55, v9;
	vm11 =	vge.f32 v44, $0.0e+00  }
0x147: {  	v9 =	vmul.f32 v57, v57;
	v30 =	vadd.f32 $2.000000000e+00, v30;
	v10 =	vsel vm11, v10, v23  }
0x148: {  	vm12 =	vle.f32 v44, $8.472978470e-01;
	v20 =	vmul.f32 v20, v34;
	v10 =	vmul.f32 v10, v10  }
0x149: {  	vm7 =	veq.s32 v48, $0x1;
	v29 =	vmul.f32 v30, v61;
	v30 =	vmul.f32 v33, v5  }
0x14a: {  	v18 =	vadd.f32 v20, v18;
	v5 =	vmul.f32 v28, v5;
	v62 =	vand.u32 $0x7FFFFFFF, v8;
	v19 =	vpop (erf)  }
0x14b: {  	v21 =	vadd.f32 v29, v60;
	v63 =	vmul.f32 v30, v30;
	v36 =	vsub.f32 $0.0e+00, v62;
	v14 =	vpop (erf)  }
0x14c: {  	v18 =	vmul.f32 $2.500000000e-01, v18;
	v60 =	vxor.u32 $0x80000000, v7;
	v7 =	vmax.f32 v7, $0.0e+00;
	v12 =	vpop (erf)  }
0x14d: {  	v41 =	vmul.f32 $2.222222240e-01, v63;
	v21 =	vmul.f32 $2.500000000e-01, v21;
	v61 =	vadd.f32 $2.000000000e+00, v12  }
0x14e: {  	v27 =	vmul.f32 v27, v16;
	v42 =	vmul.f32 $1.442695020e+00, v36;
	v40 =	vadd.f32 $1.000000000e+00, v12  }
0x14f: {  	v34 =	vadd.f32 $2.857142980e-01, v41;
	v9 =	vmul.f32 v21, v9;
	(erf) = vrcp.f32 v61  }
0x150: {  	v62 =	vsel vm12, $0x3F800000, v0;
	v50 =	vmul.f32 v46, v46;
	(erf) = vrcp.f32 v40  }
0x151: {  	v45 =	vmul.f32 v34, v63;
	v49 =	vnsel vm10, $0x0, v9;
	v9 =	vld [tilespmem:s13+$0xC20];
	(erf) = vpow2.f32 v42  }
0x152: {  	vm14 =	vge.f32 v60, $0.0e+00;
	v25 =	vadd.f32 v62, v25;
	vm15 =	vle.f32 v60, $8.472978470e-01  }
0x153: {  	v10 =	vmul.f32 v18, v10;
	v53 =	vmul.f32 $2.222222240e-01, v50;
	v20 =	vadd.f32 $4.000000060e-01, v45  }
0x154: {  	v16 =	vmul.f32 v24, v16;
	v5 =	vsel vm14, v5, v28;
	v31 =	vadd.f32 v49, v31  }
0x155: {  	v10 =	vnsel vm12, $0x0, v10;
	v55 =	vadd.f32 $2.857142980e-01, v53;
	v51 =	vmul.f32 v20, v63  }
0x156: {  	v36 =	vsub.f32 $0.0e+00, v2;
	v31 =	vadd.f32 v10, v31;
	v53 =	vld [tilespmem:s13+$0x2860];
	v57 =	vand.u32 $0x7FFFFFFF, v9  }
0x157: {  	v23 =	vmul.f32 v55, v50;
	v54 =	vadd.f32 $6.666666860e-01, v51;
	v34 =	vsub.f32 $0.0e+00, v57  }
0x158: {  	v5 =	vmul.f32 v5, v5;
	v51 =	vsub.f32 $0.0e+00, v4;
	v57 =	vsub.f32 $0.0e+00, v3;
	v20 =	vpop (erf)  }
0x159: {  	v23 =	vadd.f32 $4.000000060e-01, v23;
	v29 =	vmul.f32 v54, v63;
	v34 =	vmul.f32 $1.442695020e+00, v34;
	v18 =	vpop (erf)  }
0x15a: {  	v63 =	vmul.f32 v26, v26;
	v4 =	vsel vm7, v51, v4;
	v19 =	vmul.f32 v19, v15;
	v10 =	vpop (erf)  }
0x15b: {  	vm9 =	veq.s32 v53, $0x1;
	v23 =	vmul.f32 v23, v50;
	v58 =	vadd.f32 $2.000000000e+00, v10  }
0x15c: {  	v55 =	vxor.u32 $0x80000000, v4;
	v29 =	vadd.f32 $2.000000000e+00, v29;
	v59 =	vadd.f32 $1.000000000e+00, v10  }
0x15d: {  	v56 =	vmax.f32 v4, $0.0e+00;
	v15 =	vmul.f32 v14, v15;
	v61 =	vld [tilespmem:s13+$0x2840];
	(erf) = vrcp.f32 v58  }
0x15e: {  	v3 =	vsel vm9, v57, v3;
	v29 =	vmul.f32 v29, v30;
	(erf) = vrcp.f32 v59  }
0x15f: {  	v37 =	vmul.f32 $2.222222240e-01, v63;
	v23 =	vadd.f32 $6.666666860e-01, v23;
	(erf) = vpow2.f32 v34  }
0x160: {  	v4 =	vld [tilespmem:s13+$0xC40];
	vm8 =	vge.f32 v55, $0.0e+00;
	vm11 =	vle.f32 v55, $8.472978470e-01;
	v7 =	vadd.f32 v29, v7  }
0x161: {  	v13 =	vsel vm8, v13, v17;
	v23 =	vmul.f32 v23, v50;
	v40 =	vadd.f32 $2.857142980e-01, v37  }
0x162: {  	v42 =	vmul.f32 v27, v27;
	v7 =	vmul.f32 $2.500000000e-01, v7;
	vm4 =	veq.s32 v61, $0x1  }
0x163: {  	v50 =	vsel vm15, $0x3F800000, v0;
	v29 =	vmul.f32 v40, v63;
	v39 =	vsel vm4, v36, v2;
	v2 =	vld [tilespmem:s13+$0xC30]  }
0x164: {  	v45 =	vmul.f32 $2.222222240e-01, v42;
	v38 =	vmul.f32 v7, v5;
	v5 =	vadd.f32 $2.000000000e+00, v23  }
0x165: {  	v25 =	vadd.f32 v50, v25;
	v62 =	vand.u32 $0x7FFFFFFF, v4;
	v44 =	vadd.f32 $4.000000060e-01, v29  }
0x166: {  	v29 =	vadd.f32 $2.857142980e-01, v45;
	v41 =	vxor.u32 $0x80000000, v39;
	v23 =	vmax.f32 v39, $0.0e+00;
	v30 =	vpop (erf)  }
0x167: {  	v21 =	vmul.f32 v5, v46;
	vm5 =	vge.f32 v41, $0.0e+00;
	v33 =	vnsel vm15, $0x0, v38;
	v7 =	vpop (erf)  }
0x168: {  	v29 =	vmul.f32 v29, v42;
	vm6 =	vle.f32 v41, $8.472978470e-01;
	v47 =	vand.u32 $0x7FFFFFFF, v2;
	v5 =	vpop (erf)  }
0x169: {  	v11 =	vsel vm5, v11, v22;
	v35 =	vsub.f32 $0.0e+00, v47;
	v43 =	vadd.f32 $2.000000000e+00, v5  }
0x16a: {  	v22 =	vmul.f32 v44, v63;
	v31 =	vadd.f32 v33, v31;
	v46 =	vadd.f32 $1.000000000e+00, v5  }
0x16b: {  	v39 =	vld [tilespmem:s13+$0x2870];
	v33 =	vsub.f32 $0.0e+00, v62;
	v49 =	vmul.f32 $1.442695020e+00, v35;
	(erf) = vrcp.f32 v43  }
0x16c: {  	v21 =	vadd.f32 v21, v23;
	v11 =	vmul.f32 v11, v11;
	(erf) = vrcp.f32 v46  }
0x16d: {  	v52 =	vadd.f32 $4.000000060e-01, v29;
	v20 =	vmul.f32 v20, v12;
	(erf) = vpow2.f32 v49  }
0x16e: {  	v22 =	vadd.f32 $6.666666860e-01, v22;
	v36 =	vmul.f32 $1.442695020e+00, v33;
	v62 =	vmul.f32 v18, v12  }
0x16f: {  	v38 =	vsel vm6, $0x3F800000, v0;
	v21 =	vmul.f32 $2.500000000e-01, v21;
	v54 =	vmul.f32 v52, v42  }
0x170: {  	v40 =	vmul.f32 v20, v20;
	vm13 =	veq.s32 v39, $0x1;
	v22 =	vmul.f32 v22, v63  }
0x171: {  	v11 =	vmul.f32 v21, v11;
	v23 =	vadd.f32 $6.666666860e-01, v54;
	v58 =	vmul.f32 v19, v19  }
0x172: {  	v35 =	vxor.u32 $0x80000000, v3;
	v3 =	vmax.f32 v3, $0.0e+00;
	v41 =	vmul.f32 $2.222222240e-01, v40  }
0x173: {  	v22 =	vadd.f32 $2.000000000e+00, v22;
	v59 =	vmul.f32 v13, v13;
	vm10 =	vge.f32 v35, $0.0e+00  }
0x174: {  	vm12 =	vle.f32 v35, $8.472978470e-01;
	v11 =	vnsel vm6, $0x0, v11;
	v23 =	vmul.f32 v23, v42;
	v29 =	vpop (erf)  }
0x175: {  	v60 =	vmul.f32 $2.222222240e-01, v58;
	v16 =	vsel vm10, v16, v24;
	v24 =	vadd.f32 v38, v25;
	v17 =	vpop (erf)  }
0x176: {  	v44 =	vadd.f32 $2.857142980e-01, v41;
	v22 =	vmul.f32 v22, v26;
	v23 =	vadd.f32 $2.000000000e+00, v23;
	v13 =	vpop (erf)  }
0x177: {  	v42 =	vsel vm11, $0x3F800000, v0;
	v26 =	vadd.f32 $2.857142980e-01, v60;
	v61 =	vadd.f32 $2.000000000e+00, v13  }
0x178: {  	v22 =	vadd.f32 v22, v56;
	v23 =	vmul.f32 v23, v27;
	v63 =	vadd.f32 $1.000000000e+00, v13  }
0x179: {  	v55 =	vsel vm12, $0x3F800000, v0;
	v56 =	vld [tilespmem:s13+$0x2C00];
	v26 =	vmul.f32 v26, v58;
	(erf) = vrcp.f32 v61  }
0x17a: {  	v22 =	vmul.f32 $2.500000000e-01, v22;
	v3 =	vadd.f32 v23, v3;
	(erf) = vrcp.f32 v63  }
0x17b: {  	v16 =	vmul.f32 v16, v16;
	v37 =	vadd.f32 $4.000000060e-01, v26;
	(erf) = vpow2.f32 v36  }
0x17c: {  	v41 =	vsub.f32 $0.0e+00, v8;
	v22 =	vmul.f32 v22, v59;
	v3 =	vmul.f32 $2.500000000e-01, v3  }
0x17d: {  	v11 =	vadd.f32 v11, v31;
	v59 =	vsub.f32 $0.0e+00, v6;
	v23 =	vmul.f32 v37, v58  }
0x17e: {  	vm4 =	veq.s32 v56, $0x1;
	v22 =	vnsel vm11, $0x0, v22;
	v16 =	vmul.f32 v3, v16;
	v3 =	vld [tilespmem:s13+$0xC50]  }
0x17f: {  	v6 =	vsel vm4, v59, v6;
	v59 =	vsub.f32 $0.0e+00, v9;
	v23 =	vadd.f32 $6.666666860e-01, v23  }
0x180: {  	v11 =	vadd.f32 v22, v11;
	v16 =	vnsel vm12, $0x0, v16;
	v43 =	vsub.f32 $0.0e+00, v1  }
0x181: {  	v22 =	vadd.f32 v42, v24;
	v21 =	vmul.f32 v23, v58;
	v23 =	vmul.f32 v44, v40  }
0x182: {  	v45 =	vadd.f32 v16, v11;
	v46 =	vmul.f32 v30, v10;
	v1 =	vsel vm13, v43, v1;
	v27 =	vpop (erf)  }
0x183: {  	v21 =	vadd.f32 $2.000000000e+00, v21;
	v49 =	vadd.f32 $4.000000060e-01, v23;
	v48 =	vand.u32 $0x7FFFFFFF, v3;
	v16 =	vpop (erf)  }
0x184: {  	v51 =	vmul.f32 v46, v46;
	v53 =	vmax.f32 v1, $0.0e+00;
	v1 =	vxor.u32 $0x80000000, v1;
	v11 =	vpop (erf)  }
0x185: {  	v19 =	vmul.f32 v21, v19;
	v50 =	vsub.f32 $0.0e+00, v48;
	v47 =	vadd.f32 $2.000000000e+00, v11  }
0x186: {  	v21 =	vmul.f32 v49, v40;
	vm14 =	vge.f32 v1, $0.0e+00;
	v52 =	vadd.f32 $1.000000000e+00, v11  }
0x187: {  	vm15 =	vle.f32 v1, $8.472978470e-01;
	v1 =	vld [tilespmem:s13+$0xC60];
	v23 =	vmul.f32 $1.442695020e+00, v50;
	(erf) = vrcp.f32 v47  }
0x188: {  	v22 =	vadd.f32 v55, v22;
	v49 =	vld [tilespmem:s13+$0x2C20];
	v54 =	vmul.f32 $2.222222240e-01, v51;
	(erf) = vrcp.f32 v52  }
0x189: {  	v10 =	vmul.f32 v7, v10;
	v21 =	vadd.f32 $6.666666860e-01, v21;
	(erf) = vpow2.f32 v23  }
0x18a: {  	v14 =	vsel vm14, v15, v14;
	v19 =	vadd.f32 v19, v53;
	v28 =	vadd.f32 $2.857142980e-01, v54  }
0x18b: {  	v42 =	vsel vm15, $0x3F800000, v0;
	v14 =	vmul.f32 v14, v14;
	v21 =	vmul.f32 v21, v40  }
0x18c: {  	v22 =	vadd.f32 v42, v22;
	v57 =	vmul.f32 $2.500000000e-01, v19;
	v58 =	vmul.f32 v28, v51  }
0x18d: {  	v35 =	vand.u32 $0x7FFFFFFF, v1;
	vm10 =	veq.s32 v49, $0x1;
	v21 =	vadd.f32 $2.000000000e+00, v21  }
0x18e: {  	v14 =	vmul.f32 v57, v14;
	v33 =	vmul.f32 v29, v5;
	v28 =	vsub.f32 $0.0e+00, v35  }
0x18f: {  	v19 =	vadd.f32 $4.000000060e-01, v58;
	v61 =	vxor.u32 $0x80000000, v6;
	v6 =	vmax.f32 v6, $0.0e+00  }
0x190: {  	v9 =	vsel vm10, v59, v9;
	v5 =	vmul.f32 v17, v5;
	v60 =	vmul.f32 v21, v20;
	v63 =	vpop (erf)  }
0x191: {  	v35 =	vld [tilespmem:s13+$0x2C40];
	v14 =	vnsel vm15, $0x0, v14;
	v37 =	vmul.f32 v33, v33;
	v19 =	vmul.f32 v19, v51;
	v12 =	vpop (erf)  }
0x192: {  	v39 =	vmul.f32 $1.442695020e+00, v28;
	v14 =	vadd.f32 v14, v45;
	v15 =	vadd.f32 v60, v6;
	v36 =	vld [tilespmem:s13+$0x2C10];
	v6 =	vpop (erf)  }
0x193: {  	v40 =	vmul.f32 $2.222222240e-01, v37;
	v19 =	vadd.f32 $6.666666860e-01, v19;
	v34 =	vadd.f32 $2.000000000e+00, v6  }
0x194: {  	vm5 =	vge.f32 v61, $0.0e+00;
	vm6 =	vle.f32 v61, $8.472978470e-01;
	v38 =	vadd.f32 $1.000000000e+00, v6  }
0x195: {  	v61 =	vxor.u32 $0x80000000, v9;
	v19 =	vmul.f32 v19, v51;
	(erf) = vrcp.f32 v34  }
0x196: {  	v9 =	vmax.f32 v9, $0.0e+00;
	vm4 =	veq.s32 v35, $0x1;
	(erf) = vrcp.f32 v38  }
0x197: {  	v19 =	vadd.f32 $2.000000000e+00, v19;
	vm7 =	veq.s32 v36, $0x1;
	(erf) = vpow2.f32 v39  }
0x198: {  	v18 =	vsel vm5, v62, v18;
	v15 =	vmul.f32 $2.500000000e-01, v15;
	v8 =	vsel vm7, v41, v8  }
0x199: {  	v18 =	vmul.f32 v18, v18;
	v43 =	vmul.f32 v19, v46;
	v45 =	vxor.u32 $0x80000000, v8  }
0x19a: {  	v8 =	vmax.f32 v8, $0.0e+00;
	v46 =	vmul.f32 v27, v13;
	vm8 =	vge.f32 v45, $0.0e+00  }
0x19b: {  	v15 =	vmul.f32 v15, v18;
	v18 =	vadd.f32 v43, v8;
	v8 =	vld [tilespmem:s13+$0xC70];
	v7 =	vsel vm8, v10, v7  }
0x19c: {  	v20 =	vadd.f32 $2.857142980e-01, v40;
	v7 =	vmul.f32 v7, v7;
	v47 =	vmul.f32 v46, v46  }
0x19d: {  	v50 =	vsel vm6, $0x3F800000, v0;
	vm11 =	vge.f32 v61, $0.0e+00;
	v62 =	vsub.f32 $0.0e+00, v2  }
0x19e: {  	v60 =	vld [tilespmem:s13+$0x2C30];
	vm14 =	vle.f32 v61, $8.472978470e-01;
	v48 =	vmul.f32 $2.500000000e-01, v18;
	v51 =	vmul.f32 $2.222222240e-01, v47;
	v52 =	vpop (erf)  }
0x19f: {  	v22 =	vadd.f32 v50, v22;
	v5 =	vsel vm11, v5, v17;
	v44 =	vmul.f32 v20, v37;
	v25 =	vpop (erf)  }
0x1a0: {  	v10 =	vmul.f32 v48, v7;
	v55 =	vand.u32 $0x7FFFFFFF, v8;
	v53 =	vadd.f32 $2.857142980e-01, v51;
	v7 =	vpop (erf)  }
0x1a1: {  	v5 =	vmul.f32 v5, v5;
	v57 =	vsub.f32 $0.0e+00, v55;
	v54 =	vadd.f32 $2.000000000e+00, v7  }
0x1a2: {  	v50 =	vld [tilespmem:s13+$0x2C50];
	v19 =	vadd.f32 $4.000000060e-01, v44;
	v56 =	vmul.f32 v53, v47;
	v58 =	vadd.f32 $1.000000000e+00, v7  }
0x1a3: {  	vm12 =	veq.s32 v60, $0x1;
	v20 =	vmul.f32 $1.442695020e+00, v57;
	(erf) = vrcp.f32 v54  }
0x1a4: {  	v19 =	vmul.f32 v19, v37;
	v18 =	vadd.f32 $4.000000060e-01, v56;
	(erf) = vrcp.f32 v58  }
0x1a5: {  	v15 =	vnsel vm6, $0x0, v15;
	v2 =	vsel vm12, v62, v2;
	(erf) = vpow2.f32 v20  }
0x1a6: {  	v14 =	vadd.f32 v15, v14;
	v19 =	vadd.f32 $6.666666860e-01, v19;
	v18 =	vmul.f32 v18, v47  }
0x1a7: {  	v28 =	vxor.u32 $0x80000000, v2;
	v2 =	vmax.f32 v2, $0.0e+00;
	vm7 =	veq.s32 v50, $0x1  }
0x1a8: {  	vm13 =	vge.f32 v28, $0.0e+00;
	v19 =	vmul.f32 v19, v37;
	v18 =	vadd.f32 $6.666666860e-01, v18  }
0x1a9: {  	vm15 =	vle.f32 v28, $8.472978470e-01;
	vm9 =	vle.f32 v45, $8.472978470e-01;
	v23 =	vmul.f32 v63, v11  }
0x1aa: {  	v60 =	vld [tilespmem:s13+$0x2C70];
	v13 =	vmul.f32 v16, v13;
	v19 =	vadd.f32 $2.000000000e+00, v19;
	v15 =	vmul.f32 v18, v47  }
0x1ab: {  	v45 =	vsel vm15, $0x3F800000, v0;
	v31 =	vsel vm9, $0x3F800000, v0;
	v63 =	vmul.f32 v23, v23  }
0x1ac: {  	v13 =	vsel vm13, v13, v16;
	v19 =	vmul.f32 v19, v33;
	v21 =	vadd.f32 $2.000000000e+00, v15;
	v29 =	vpop (erf)  }
0x1ad: {  	v16 =	vadd.f32 v31, v22;
	v10 =	vnsel vm9, $0x0, v10;
	v26 =	vmul.f32 $2.222222240e-01, v63;
	v30 =	vpop (erf)  }
0x1ae: {  	v55 =	vld [tilespmem:s13+$0x2C60];
	v10 =	vadd.f32 v10, v14;
	v9 =	vadd.f32 v19, v9;
	v14 =	vmul.f32 v21, v46;
	v33 =	vpop (erf)  }
0x1af: {  	vm11 =	veq.s32 v60, $0x1;
	v15 =	vadd.f32 $2.857142980e-01, v26;
	v34 =	vadd.f32 $2.000000000e+00, v33  }
0x1b0: {  	v13 =	vmul.f32 v13, v13;
	v9 =	vmul.f32 $2.500000000e-01, v9;
	v2 =	vadd.f32 v14, v2  }
0x1b1: {  	v37 =	vsel vm14, $0x3F800000, v0;
	v32 =	vmul.f32 v15, v63;
	(erf) = vrcp.f32 v34  }
0x1b2: {  	v62 =	vsub.f32 $0.0e+00, v8;
	v5 =	vmul.f32 v9, v5;
	v2 =	vmul.f32 $2.500000000e-01, v2  }
0x1b3: {  	v53 =	vsub.f32 $0.0e+00, v3;
	vm9 =	veq.s32 v55, $0x1;
	v14 =	vadd.f32 $4.000000060e-01, v32  }
0x1b4: {  	v5 =	vnsel vm14, $0x0, v5;
	v36 =	vmul.f32 v52, v6;
	v2 =	vmul.f32 v2, v13  }
0x1b5: {  	v3 =	vsel vm7, v53, v3;
	v5 =	vadd.f32 v5, v10;
	v38 =	vmul.f32 v14, v63  }
0x1b6: {  	v17 =	vxor.u32 $0x80000000, v3;
	v40 =	vmul.f32 v36, v36;
	v2 =	vnsel vm15, $0x0, v2  }
0x1b7: {  	v3 =	vmax.f32 v3, $0.0e+00;
	v13 =	vadd.f32 $6.666666860e-01, v38;
	v2 =	vadd.f32 v2, v5  }
0x1b8: {  	v5 =	vsub.f32 $0.0e+00, v4;
	v42 =	vmul.f32 $2.222222240e-01, v40;
	v41 =	vmul.f32 v29, v7  }
0x1b9: {  	vm8 =	vge.f32 v17, $0.0e+00;
	vm12 =	vle.f32 v17, $8.472978470e-01;
	v43 =	vmul.f32 v13, v63  }
0x1ba: {  	v4 =	vsel vm4, v5, v4;
	v5 =	vadd.f32 $2.857142980e-01, v42;
	v44 =	vmul.f32 v41, v41;
	v49 =	vpop (erf)  }
0x1bb: {  	v11 =	vmul.f32 v12, v11;
	v10 =	vadd.f32 $2.000000000e+00, v43;
	v20 =	vmul.f32 v49, v33  }
0x1bc: {  	v39 =	vadd.f32 v37, v16;
	v5 =	vmul.f32 v5, v40;
	v47 =	vmul.f32 $2.222222240e-01, v44  }
0x1bd: {  	v46 =	vxor.u32 $0x80000000, v4;
	v10 =	vmul.f32 v10, v23;
	v52 =	vmul.f32 v20, v20  }
0x1be: {  	v4 =	vmax.f32 v4, $0.0e+00;
	v5 =	vadd.f32 $4.000000060e-01, v5;
	v48 =	vadd.f32 $2.857142980e-01, v47  }
0x1bf: {  	vm6 =	vge.f32 v46, $0.0e+00;
	v4 =	vadd.f32 v10, v4;
	v54 =	vmul.f32 $2.222222240e-01, v52  }
0x1c0: {  	v11 =	vsel vm6, v11, v12;
	v5 =	vmul.f32 v5, v40;
	v51 =	vmul.f32 v48, v44  }
0x1c1: {  	v11 =	vmul.f32 v11, v11;
	v4 =	vmul.f32 $2.500000000e-01, v4;
	v56 =	vadd.f32 $2.857142980e-01, v54  }
0x1c2: {  	v6 =	vmul.f32 v25, v6;
	v5 =	vadd.f32 $6.666666860e-01, v5;
	v10 =	vadd.f32 $4.000000060e-01, v51  }
0x1c3: {  	v14 =	vadd.f32 v45, v39;
	v4 =	vmul.f32 v4, v11;
	v11 =	vmul.f32 v56, v52  }
0x1c4: {  	v5 =	vmul.f32 v5, v40;
	v57 =	vadd.f32 $1.000000000e+00, v33;
	v10 =	vmul.f32 v10, v44  }
0x1c5: {  	v6 =	vsel vm8, v6, v25;
	v58 =	vsub.f32 $0.0e+00, v1;
	v11 =	vadd.f32 $4.000000060e-01, v11  }
0x1c6: {  	v5 =	vadd.f32 $2.000000000e+00, v5;
	(erf) = vrcp.f32 v57;
	v10 =	vadd.f32 $6.666666860e-01, v10  }
0x1c7: {  	v6 =	vmul.f32 v6, v6;
	vm5 =	vle.f32 v46, $8.472978470e-01;
	v11 =	vmul.f32 v11, v52  }
0x1c8: {  	v1 =	vsel vm9, v58, v1;
	v5 =	vmul.f32 v5, v36;
	v10 =	vmul.f32 v10, v44  }
0x1c9: {  	v61 =	vxor.u32 $0x80000000, v1;
	v7 =	vmul.f32 v30, v7;
	v11 =	vadd.f32 $6.666666860e-01, v11  }
0x1ca: {  	vm10 =	vge.f32 v61, $0.0e+00;
	v3 =	vadd.f32 v5, v3;
	v59 =	vadd.f32 $2.000000000e+00, v10  }
0x1cb: {  	v1 =	vmax.f32 v1, $0.0e+00;
	v5 =	vsel vm10, v7, v30;
	v7 =	vmul.f32 v11, v52  }
0x1cc: {  	v4 =	vnsel vm5, $0x0, v4;
	v3 =	vmul.f32 $2.500000000e-01, v3;
	v9 =	vmul.f32 v59, v41  }
0x1cd: {  	v2 =	vadd.f32 v4, v2;
	v4 =	vsel vm11, v62, v8;
	v7 =	vadd.f32 $2.000000000e+00, v7  }
0x1ce: {  	v5 =	vmul.f32 v5, v5;
	v3 =	vmul.f32 v3, v6;
	v1 =	vadd.f32 v9, v1  }
0x1cf: {  	v6 =	vsel vm5, $0x3F800000, v0;
	v8 =	vpop (erf);
	v9 =	vxor.u32 $0x80000000, v4;
	v7 =	vmul.f32 v7, v20  }
0x1d0: {  	v4 =	vmax.f32 v4, $0.0e+00;
	v63 =	vmul.f32 v8, v33;
	v1 =	vmul.f32 $2.500000000e-01, v1  }
0x1d1: {  	v6 =	vadd.f32 v6, v14;
	vm13 =	vge.f32 v9, $0.0e+00;
	v4 =	vadd.f32 v7, v4  }
0x1d2: {  	v3 =	vnsel vm12, $0x0, v3;
	v1 =	vmul.f32 v1, v5;
	v7 =	vsel vm13, v63, v8  }
0x1d3: {  	p0 =	sne.s32 s12, $0x1E00;
	v5 =	vsel vm12, $0x3F800000, v0;
	v7 =	vmul.f32 v7, v7;
	v4 =	vmul.f32 $2.500000000e-01, v4  }
.Ltmp0:
0x1d4: {  	vm14 =	vle.f32 v61, $8.472978470e-01;
	v2 =	vadd.f32 v3, v2;
	v3 =	vadd.f32 v5, v6;
	(pc) =	sbr.rel @p0 .LBB2_2-.Ltmp0, $4  }
0x1d5: {  	v5 =	vsel vm14, $0x3F800000, v0;
	v1 =	vnsel vm14, $0x0, v1;
	v4 =	vmul.f32 v4, v7  }
0x1d6: {  	vm15 =	vle.f32 v9, $8.472978470e-01;
	v1 =	vadd.f32 v1, v2;
	v2 =	vadd.f32 v5, v3  }
0x1d7: {  	v3 =	vnsel vm15, $0x0, v4;
	v4 =	vsel vm15, $0x3F800000, v0  }
0x1d8: {  	s11 =	sadd.s32 $0x80, s11;
	s12 =	sadd.s32 $0x200, s12;
	v3 =	vadd.f32 v3, v1;
	v6 =	vadd.f32 v4, v2  }
0x1d9: {  	s10 =	sadd.s32 $0x1, s10  }
0x1da: {  	[tilespmem:$0x4000] =	vst v3;
	p0 =	sne.s32 s10, s6  }
.Ltmp1:
0x1db: {  	[tilespmem:$0x4080] =	vst v6;
	(pc) =	sbr.rel @p0 .LBB2_1-.Ltmp1, $4  }
0x1dc: {  	[hbm4b:s5+s2] =	stream.linear.scatter [tilespmem:s9], [sflag:$0x1], $0x100, $0x38;
	[tilespmem:$0x4100] =	vst v63  }
0x1dd: {  	_ =	swait.ge [sflag:s7], $0x100  }
0x1de: {  	[sflag:s7] =	ssyncset.done $0x0  }
0x1df: {  	[sflag:s7] =	ssyncadd.s32 $0xFFFFFF00  }
0x1e0: {  	_ =	sfence.sel $0x180000  }
0x1e1: {  	[bflag:$0x0] =	sbarrier.arrive $0xFFFF  }
0x1e2: {  	p0 =	sne.s32 s0, $0x0;
	_ =	strace $0x90000047  }
0x1e3: {  	s0 =	sadd.s32 @!p0 $0x100000, s1;
	[bflag:$0x2] =	sbarrier.arrive $0xFFFF  }
0x1e4: {  	[sflag:s0] =	ssyncadd.tile.s32 @!p0 $0x1;
	_ =	shalt  }
.Lfunc_end2:
_tile_overlayer_lowered:
.L_overlay_start_2:
0x1e5: {  	(tag) =	ssettag $0x2  }
0x1e6: {  	s0 =	rddreg [dreg:$0x0];
	s2 =	stileid.u32  }
0x1e7: {  	s1 =	rddreg [dreg:$0x1];
	p0 =	sne.s32 s2, $0x0  }
0x1e8: {  	s3 =	rddreg [dreg:$0x2];
	[bflag:$0x3] =	sbarrier.arrive $0xFFFF;
	s2 =	simm.s32 @!p0 $0x1C01  }
0x1e9: {  	[timem:s3], [sflag:s2] =	dma.local @!p0 [hbm:s0], s1  }
0x1ea: {  	s0 =	simm.s32 @!p0 $0x1  }
0x1eb: {  	_ =	swait.ge @!p0 [sflag:s0], s1  }
0x1ec: {  	s1 =	ssub.s32 @!p0 $0x0, s1;
	[sflag:s0] =	ssyncset.done @!p0 $0x0  }
0x1ed: {  	[sflag:s0] =	ssyncadd.s32 @!p0 s1  }
0x1ee: {  	[bflag:$0x3] =	sbarrier.arrive $0xFFFF  }
0x1ef: {  	_ =	shalt  }

</sc_bundles>
